<compile_context>
chip_gen: v7x
topology: tpu7x:2x2x1
jax: 0.10.2.dev20260603
libtpu: 0.0.44.dev20260713+nightly
codegen_flags: <defaults>
</compile_context>

<pallas_src>
import functools

import jax
import jax.numpy as jnp
from jax import lax
from jax.experimental import pallas as pl
from jax.experimental.pallas import tpu as pltpu
from jax.experimental.pallas import tpu_sc as plsc

N = 10000
E = 320000
D = 128
R = 64
H = D // 2

NC = 2
NS = 16
L = 16

EPT = E // NS
CK = 80
NCHUNK = EPT // CK

RPT = 624
TAIL = N - NS * RPT
NR = N * R
CSPAN = 39936
CTAIL = NR - NS * CSPAN
ZC = 4992
ZB = 104


def _prep_body(h_ref, norm_ref, hn2_ref):
    hn = h_ref[...] * norm_ref[...]
    hn2_ref[0] = hn[:, :H]
    hn2_ref[1] = hn[:, H:]


def _prep(h, norm):
    return pl.pallas_call(
        _prep_body,
        out_shape=jax.ShapeDtypeStruct((NC, N, H), jnp.float32),
    )(h, norm)


NB = 6
GD = 3


def _sc_agg_body(hn_hbm, ep_hbm, a_out, c_out,
                 a_sp, c_sp,
                 idxb0, idxb1, idxb2, idxb3, idxb4, idxb5,
                 so0, so1, so2, so3, so4, so5,
                 db0, db1, db2, db3, db4, db5,
                 fb0, fb1, fb2, fb3, fb4, fb5,
                 hrow0, hrow1, hrow2, hrow3, hrow4, hrow5,
                 ones, zbuf, zc,
                 si0, si1, si2, si3, si4, si5,
                 sg0, sg1, sg2, sg3, sg4, sg5,
                 ss0, ss1, ss2, ss3, ss4, ss5,
                 sq0, sq1, sq2, sq3, sq4, sq5, sz):
    cid = lax.axis_index("c")
    sid = lax.axis_index("s")

    idxb = (idxb0, idxb1, idxb2, idxb3, idxb4, idxb5)
    sidx = (si0, si1, si2, si3, si4, si5)
    so = (so0, so1, so2, so3, so4, so5)
    db = (db0, db1, db2, db3, db4, db5)
    fb = (fb0, fb1, fb2, fb3, fb4, fb5)
    hrow = (hrow0, hrow1, hrow2, hrow3, hrow4, hrow5)
    sg = (sg0, sg1, sg2, sg3, sg4, sg5)
    ss = (ss0, ss1, ss2, ss3, ss4, ss5)
    sq = (sq0, sq1, sq2, sq3, sq4, sq5)
    srcbase = cid * N

    def issue_idx(i, b):
        pltpu.async_copy(ep_hbm.at[sid, i], idxb[b], sidx[b])

    def wait_idx(b):
        pltpu.make_async_copy(ep_hbm.at[sid, 0], idxb[b], sidx[b]).wait()

    def vec_phase(b):
        for q in range(CK // L):
            sl = pl.ds(q * L, L)
            sv = idxb[b][0, sl]
            dv = idxb[b][1, sl]
            rv = idxb[b][2, sl]
            so[b][sl] = sv + srcbase
            db[b][sl] = dv
            fb[b][sl] = dv * R + rv

    def issue_g(b):
        pltpu.async_copy(hn_hbm.at[so[b]], hrow[b], sg[b])

    def wait_g(b):
        pltpu.make_async_copy(hn_hbm.at[so[b]], hrow[b], sg[b]).wait()

    def issue_scat(b):
        pltpu.async_copy(hrow[b], a_sp.at[db[b]], ss[b], add=True)

        @pl.when(cid == b % 2)
        def _():
            pltpu.async_copy(ones, c_sp.at[fb[b]], sq[b], add=True)

    def wait_scat(b):
        pltpu.make_async_copy(hrow[b], a_sp.at[db[b]], ss[b]).wait()

        @pl.when(cid == b % 2)
        def _():
            pltpu.make_async_copy(ones, c_sp.at[fb[b]], sq[b]).wait()

    for k in range(NB):
        issue_idx(k, k)

    for q in range(CK // L):
        ones[pl.ds(q * L, L)] = jnp.ones((L,), jnp.float32)

    def zb_fill(k, carry):
        i = k // (H // L)
        j = k - i * (H // L)
        zbuf[i, pl.ds(j * L, L)] = jnp.zeros((L,), jnp.float32)
        return carry

    lax.fori_loop(0, ZB * (H // L), zb_fill, 0)

    def zc_fill(k, carry):
        zc[pl.ds(k * L, L)] = jnp.zeros((L,), jnp.float32)
        return carry

    lax.fori_loop(0, ZC // L, zc_fill, 0)

    def zinit_a(p, carry):
        pltpu.async_copy(zbuf, a_sp.at[pl.ds(sid * RPT + p * ZB, ZB)], sz)
        return carry

    lax.fori_loop(0, RPT // ZB, zinit_a, 0)

    def zinit_c(p, carry):
        pltpu.async_copy(zc, c_sp.at[pl.ds(sid * CSPAN + p * ZC, ZC)], sz)
        return carry

    lax.fori_loop(0, CSPAN // ZC, zinit_c, 0)

    @pl.when(sid == NS - 1)
    def _():
        pltpu.async_copy(zbuf.at[pl.ds(0, TAIL)],
                         a_sp.at[pl.ds(NS * RPT, TAIL)], sz)
        pltpu.async_copy(zc.at[pl.ds(0, CTAIL)],
                         c_sp.at[pl.ds(NS * CSPAN, CTAIL)], sz)

    for k in range(GD):
        wait_idx(k)
        vec_phase(k)
        issue_g(k)
        issue_idx(k + NB, k)

    def zwait_a(p, carry):
        pltpu.make_async_copy(zbuf, a_sp.at[pl.ds(sid * RPT + p * ZB, ZB)],
                              sz).wait()
        return carry

    lax.fori_loop(0, RPT // ZB, zwait_a, 0)

    def zwait_c(p, carry):
        pltpu.make_async_copy(zc, c_sp.at[pl.ds(sid * CSPAN + p * ZC, ZC)],
                              sz).wait()
        return carry

    lax.fori_loop(0, CSPAN // ZC, zwait_c, 0)

    @pl.when(sid == NS - 1)
    def _():
        pltpu.make_async_copy(zbuf.at[pl.ds(0, TAIL)],
                              a_sp.at[pl.ds(NS * RPT, TAIL)], sz).wait()
        pltpu.make_async_copy(zc.at[pl.ds(0, CTAIL)],
                              c_sp.at[pl.ds(NS * CSPAN, CTAIL)], sz).wait()

    plsc.subcore_barrier()

    def retire(i, b):
        wait_g(b)
        issue_scat(b)
        j = i + GD
        bj = (b + GD) % NB

        @pl.when(j < NCHUNK)
        def _():
            wait_idx(bj)

            @pl.when(j >= NB)
            def _():
                wait_scat(bj)

            vec_phase(bj)
            issue_g(bj)

            @pl.when(j + NB < NCHUNK)
            def _():
                issue_idx(j + NB, bj)

    def quad(p, carry):
        for u in range(NB):
            i = NB * p + u

            @pl.when(i < NCHUNK)
            def _():
                retire(i, u)

        return carry

    lax.fori_loop(0, (NCHUNK + NB - 1) // NB, quad, 0)
    for b in range(NB):
        wait_scat(b)
    plsc.subcore_barrier()

    pltpu.sync_copy(a_sp.at[pl.ds(sid * RPT, RPT)],
                    a_out.at[cid, pl.ds(sid * RPT, RPT)])
    pltpu.sync_copy(c_sp.at[pl.ds(sid * CSPAN, CSPAN)],
                    c_out.at[cid, pl.ds(sid * CSPAN, CSPAN)])

    @pl.when(sid == NS - 1)
    def _():
        pltpu.sync_copy(a_sp.at[pl.ds(NS * RPT, TAIL)],
                        a_out.at[cid, pl.ds(NS * RPT, TAIL)])
        pltpu.sync_copy(c_sp.at[pl.ds(NS * CSPAN, CTAIL)],
                        c_out.at[cid, pl.ds(NS * CSPAN, CTAIL)])


def _sc_agg(hn2flat, epack):
    mesh = plsc.VectorSubcoreMesh(core_axis_name="c", subcore_axis_name="s",
                                  num_cores=NC, num_subcores=NS)
    f = functools.partial(
        pl.kernel,
        out_type=[
            jax.ShapeDtypeStruct((NC, N, H), jnp.float32),
            jax.ShapeDtypeStruct((NC, NR), jnp.float32),
        ],
        mesh=mesh,
        scratch_types=(
            [pltpu.VMEM_SHARED((N, H), jnp.float32),
             pltpu.VMEM_SHARED((NR,), jnp.float32)]
            + [pltpu.VMEM((3, CK), jnp.int32) for _ in range(NB)]
            + [pltpu.VMEM((CK,), jnp.int32) for _ in range(3 * NB)]
            + [pltpu.VMEM((CK, H), jnp.float32) for _ in range(NB)]
            + [pltpu.VMEM((CK,), jnp.float32),
               pltpu.VMEM((ZB, H), jnp.float32),
               pltpu.VMEM((ZC,), jnp.float32)]
            + [pltpu.SemaphoreType.DMA for _ in range(4 * NB + 1)]
        ),
        compiler_params=pltpu.CompilerParams(use_tc_tiling_on_sc=False),
    )(_sc_agg_body)
    return f(hn2flat, epack)


def _dense_body(hn2_ref, a_ref, c2_ref, norm_ref, r_ref, w_ref, wm_ref,
                b_ref, out_ref):
    hn = jnp.concatenate([hn2_ref[0], hn2_ref[1]], axis=1)
    sh = jnp.concatenate([a_ref[0], a_ref[1]], axis=1)
    csum = c2_ref[0] + c2_ref[1]
    srel = jnp.dot(csum, r_ref[...], preferred_element_type=jnp.float32)
    agg = (sh - srel) * norm_ref[...]
    t = jnp.dot(hn, w_ref[...], preferred_element_type=jnp.float32)
    t = t + jnp.dot(agg, wm_ref[...], preferred_element_type=jnp.float32)
    out_ref[...] = jnp.maximum(t + b_ref[...], 0.0)


def _dense(hn2, a, c2, norm, r, w, wm, b2):
    blk = 1000
    grid = N // blk
    return pl.pallas_call(
        _dense_body,
        grid=(grid,),
        in_specs=[
            pl.BlockSpec((NC, blk, H), lambda i: (0, i, 0)),
            pl.BlockSpec((NC, blk, H), lambda i: (0, i, 0)),
            pl.BlockSpec((NC, blk, R), lambda i: (0, i, 0)),
            pl.BlockSpec((blk, 1), lambda i: (i, 0)),
            pl.BlockSpec((R, D), lambda i: (0, 0)),
            pl.BlockSpec((D, D), lambda i: (0, 0)),
            pl.BlockSpec((D, D), lambda i: (0, 0)),
            pl.BlockSpec((1, D), lambda i: (0, 0)),
        ],
        out_specs=pl.BlockSpec((blk, D), lambda i: (i, 0)),
        out_shape=jax.ShapeDtypeStruct((N, D), jnp.float32),
    )(hn2, a, c2, norm, r, w, wm, b2)


def kernel(h, r, edge_index, edge_rel, norm, W_msg, W, b):
    src = edge_index[0]
    dst = edge_index[1]
    epack = (jnp.stack([src, dst, edge_rel], axis=0)
             .reshape(3, NS, NCHUNK, CK).transpose(1, 2, 0, 3))
    hn2 = _prep(h, norm)
    a, c = _sc_agg(hn2.reshape(NC * N, H), epack)
    return _dense(hn2, a, c.reshape(NC, N, R), norm, r, W, W_msg,
                  b.reshape(1, D))

# --- scband reference (transcript-rebuilt; emitter-appended) ---
"""Pipeline reference for scband-comp-gcnlayer-8254927142972 (READ-ONLY COPY).

The authoritative reference and input builder live on the scoring server;
editing this copy changes nothing except your own understanding.
"""

import jax, jax.numpy as jnp
import numpy as np
import math

N = 10000
E = 320000
D_IN = 128
D_OUT = 128
R = 64


def setup_inputs(seed: int = 0) -> dict:
    key = jax.random.key(seed)
    ks = jax.random.split(key, 8)
    h = jax.random.normal(ks[0], (N, D_IN), dtype=jnp.float32)
    r = jax.random.normal(ks[1], (R, D_IN), dtype=jnp.float32)
    edge_index = jax.random.randint(ks[2], (2, E), 0, N, dtype=jnp.int32)
    edge_rel = jax.random.randint(ks[3], (E,), 0, R, dtype=jnp.int32)
    norm = jax.random.uniform(ks[4], (N, 1), dtype=jnp.float32)
    stdv = 1.0 / math.sqrt(D_OUT)
    W_msg = jax.random.uniform(ks[5], (D_IN, D_OUT), minval=-stdv, maxval=stdv, dtype=jnp.float32)
    W = jax.random.uniform(ks[6], (D_IN, D_OUT), minval=-stdv, maxval=stdv, dtype=jnp.float32)
    b = jax.random.uniform(ks[7], (D_OUT,), minval=-stdv, maxval=stdv, dtype=jnp.float32)
    return {"h": h, "r": r, "edge_index": edge_index, "edge_rel": edge_rel, "norm": norm, "W_msg": W_msg, "W": W, "b": b}


def reference(h, r, edge_index, edge_rel, norm, W_msg, W, b):
    # dropout p=0.0 -> identity
    h = h * norm  # pre-normalize node features (g.ndata['norm'])
    src = edge_index[0]
    dst = edge_index[1]
    # msg_func: (h_src - r_emb[rel]) @ W_msg, per edge
    node_embs = jnp.take(h, src, axis=0)
    rel_embs = jnp.take(r, edge_rel, axis=0)
    msg = jnp.dot(node_embs - rel_embs, W_msg)
    # fn.sum(msg='msg', out='h0'): scatter-add messages to dst nodes
    h0 = jax.ops.segment_sum(msg, dst, num_segments=N)
    agg_msg = h0 * norm  # post-normalize aggregated messages
    out = jnp.dot(h, W) + agg_msg
    out = out + b
    out = jax.nn.relu(out)  # activation
    return out

if __name__ == "__main__":
    import jax
    _d = setup_inputs()
    print(jax.jit(kernel)(*tuple(_d.values())))

</pallas_src>

<mosaic_0001>
#map = affine_map<(d0, d1) -> (0, 0)>
#map1 = affine_map<(d0, d1) -> (0, 0, 0, 0)>
#map2 = affine_map<(d0, d1) -> (0, 0, 0)>
module attributes {stable_mosaic.version = 14 : i64} {
  func.func @_sc_agg_body(%arg0: i32, %arg1: i32, %arg2: memref<20000x64xf32, #tpu.memory_space<hbm>>, %arg3: memref<16x250x3x80xi32, #tpu.memory_space<hbm>>, %arg4: memref<2x10000x64xf32, #tpu.memory_space<hbm>>, %arg5: memref<2x640000xf32, #tpu.memory_space<hbm>>, %arg6: memref<10000x64xf32, #tpu.memory_space<vmem_shared>>, %arg7: memref<640000xf32, #tpu.memory_space<vmem_shared>>, %arg8: memref<3x80xi32, #tpu.memory_space<vmem>>, %arg9: memref<3x80xi32, #tpu.memory_space<vmem>>, %arg10: memref<3x80xi32, #tpu.memory_space<vmem>>, %arg11: memref<3x80xi32, #tpu.memory_space<vmem>>, %arg12: memref<3x80xi32, #tpu.memory_space<vmem>>, %arg13: memref<3x80xi32, #tpu.memory_space<vmem>>, %arg14: memref<80xi32, #tpu.memory_space<vmem>>, %arg15: memref<80xi32, #tpu.memory_space<vmem>>, %arg16: memref<80xi32, #tpu.memory_space<vmem>>, %arg17: memref<80xi32, #tpu.memory_space<vmem>>, %arg18: memref<80xi32, #tpu.memory_space<vmem>>, %arg19: memref<80xi32, #tpu.memory_space<vmem>>, %arg20: memref<80xi32, #tpu.memory_space<vmem>>, %arg21: memref<80xi32, #tpu.memory_space<vmem>>, %arg22: memref<80xi32, #tpu.memory_space<vmem>>, %arg23: memref<80xi32, #tpu.memory_space<vmem>>, %arg24: memref<80xi32, #tpu.memory_space<vmem>>, %arg25: memref<80xi32, #tpu.memory_space<vmem>>, %arg26: memref<80xi32, #tpu.memory_space<vmem>>, %arg27: memref<80xi32, #tpu.memory_space<vmem>>, %arg28: memref<80xi32, #tpu.memory_space<vmem>>, %arg29: memref<80xi32, #tpu.memory_space<vmem>>, %arg30: memref<80xi32, #tpu.memory_space<vmem>>, %arg31: memref<80xi32, #tpu.memory_space<vmem>>, %arg32: memref<80x64xf32, #tpu.memory_space<vmem>>, %arg33: memref<80x64xf32, #tpu.memory_space<vmem>>, %arg34: memref<80x64xf32, #tpu.memory_space<vmem>>, %arg35: memref<80x64xf32, #tpu.memory_space<vmem>>, %arg36: memref<80x64xf32, #tpu.memory_space<vmem>>, %arg37: memref<80x64xf32, #tpu.memory_space<vmem>>, %arg38: memref<80xf32, #tpu.memory_space<vmem>>, %arg39: memref<104x64xf32, #tpu.memory_space<vmem>>, %arg40: memref<4992xf32, #tpu.memory_space<vmem>>, %arg41: memref<!tpu.dma_semaphore, #tpu.memory_space<semaphore_mem>>, %arg42: memref<!tpu.dma_semaphore, #tpu.memory_space<semaphore_mem>>, %arg43: memref<!tpu.dma_semaphore, #tpu.memory_space<semaphore_mem>>, %arg44: memref<!tpu.dma_semaphore, #tpu.memory_space<semaphore_mem>>, %arg45: memref<!tpu.dma_semaphore, #tpu.memory_space<semaphore_mem>>, %arg46: memref<!tpu.dma_semaphore, #tpu.memory_space<semaphore_mem>>, %arg47: memref<!tpu.dma_semaphore, #tpu.memory_space<semaphore_mem>>, %arg48: memref<!tpu.dma_semaphore, #tpu.memory_space<semaphore_mem>>, %arg49: memref<!tpu.dma_semaphore, #tpu.memory_space<semaphore_mem>>, %arg50: memref<!tpu.dma_semaphore, #tpu.memory_space<semaphore_mem>>, %arg51: memref<!tpu.dma_semaphore, #tpu.memory_space<semaphore_mem>>, %arg52: memref<!tpu.dma_semaphore, #tpu.memory_space<semaphore_mem>>, %arg53: memref<!tpu.dma_semaphore, #tpu.memory_space<semaphore_mem>>, %arg54: memref<!tpu.dma_semaphore, #tpu.memory_space<semaphore_mem>>, %arg55: memref<!tpu.dma_semaphore, #tpu.memory_space<semaphore_mem>>, %arg56: memref<!tpu.dma_semaphore, #tpu.memory_space<semaphore_mem>>, %arg57: memref<!tpu.dma_semaphore, #tpu.memory_space<semaphore_mem>>, %arg58: memref<!tpu.dma_semaphore, #tpu.memory_space<semaphore_mem>>, %arg59: memref<!tpu.dma_semaphore, #tpu.memory_space<semaphore_mem>>, %arg60: memref<!tpu.dma_semaphore, #tpu.memory_space<semaphore_mem>>, %arg61: memref<!tpu.dma_semaphore, #tpu.memory_space<semaphore_mem>>, %arg62: memref<!tpu.dma_semaphore, #tpu.memory_space<semaphore_mem>>, %arg63: memref<!tpu.dma_semaphore, #tpu.memory_space<semaphore_mem>>, %arg64: memref<!tpu.dma_semaphore, #tpu.memory_space<semaphore_mem>>, %arg65: memref<!tpu.dma_semaphore, #tpu.memory_space<semaphore_mem>>) attributes {dimension_semantics = [#tpu.dimension_semantics<core_parallel>, #tpu.dimension_semantics<subcore_parallel>], iteration_bounds = array<i64: 2, 16>, scalar_prefetch = 0 : i64, scratch_operands = 60 : i64, tpu.core_type = #tpu.core_type<sc_vector_subcore>, window_params = [{transform_indices = #map}, {transform_indices = #map1}, {transform_indices = #map2}, {transform_indices = #map}]} {
    %mul3A = arith.constant 10000 : i32
    %mul3A_0 = arith.muli %arg0, %mul3A : i32
    %dma_start3A = arith.constant 0 : i32
    %dma_start3A_1 = arith.constant 0 : i32
    %dma_start3A_2 = arith.constant 0 : i32
    %dma_start3A_3 = tpu.memref_slice %arg3[%arg1, %dma_start3A, %dma_start3A_1, %dma_start3A_2] : memref<16x250x3x80xi32, #tpu.memory_space<hbm>> -> memref<1x1x3x80xi32, #tpu.memory_space<hbm>>
    %dma_start3A_4 = tpu.memref_squeeze %dma_start3A_3 : memref<1x1x3x80xi32, #tpu.memory_space<hbm>> -> memref<3x80xi32, #tpu.memory_space<hbm>>
    %dma_start3A_5 = arith.constant 0 : i32
    %dma_start3A_6 = arith.constant 0 : i32
    %dma_start3A_7 = tpu.memref_slice %arg3[%arg1, %dma_start3A, %dma_start3A_5, %dma_start3A_6] : memref<16x250x3x80xi32, #tpu.memory_space<hbm>> -> memref<1x1x3x80xi32, #tpu.memory_space<hbm>>
    %dma_start3A_8 = tpu.memref_squeeze %dma_start3A_7 : memref<1x1x3x80xi32, #tpu.memory_space<hbm>> -> memref<3x80xi32, #tpu.memory_space<hbm>>
    tpu.enqueue_dma source(%dma_start3A_8 : memref<3x80xi32, #tpu.memory_space<hbm>>) target(%arg8 : memref<3x80xi32, #tpu.memory_space<vmem>>) target_semaphore(%arg41 : memref<!tpu.dma_semaphore, #tpu.memory_space<semaphore_mem>>)
    %dma_start3A_9 = arith.constant 1 : i32
    %dma_start3A_10 = arith.constant 0 : i32
    %dma_start3A_11 = arith.constant 0 : i32
    %dma_start3A_12 = tpu.memref_slice %arg3[%arg1, %dma_start3A_9, %dma_start3A_10, %dma_start3A_11] : memref<16x250x3x80xi32, #tpu.memory_space<hbm>> -> memref<1x1x3x80xi32, #tpu.memory_space<hbm>>
    %dma_start3A_13 = tpu.memref_squeeze %dma_start3A_12 : memref<1x1x3x80xi32, #tpu.memory_space<hbm>> -> memref<3x80xi32, #tpu.memory_space<hbm>>
    %dma_start3A_14 = arith.constant 0 : i32
    %dma_start3A_15 = arith.constant 0 : i32
    %dma_start3A_16 = tpu.memref_slice %arg3[%arg1, %dma_start3A_9, %dma_start3A_14, %dma_start3A_15] : memref<16x250x3x80xi32, #tpu.memory_space<hbm>> -> memref<1x1x3x80xi32, #tpu.memory_space<hbm>>
    %dma_start3A_17 = tpu.memref_squeeze %dma_start3A_16 : memref<1x1x3x80xi32, #tpu.memory_space<hbm>> -> memref<3x80xi32, #tpu.memory_space<hbm>>
    tpu.enqueue_dma source(%dma_start3A_17 : memref<3x80xi32, #tpu.memory_space<hbm>>) target(%arg9 : memref<3x80xi32, #tpu.memory_space<vmem>>) target_semaphore(%arg42 : memref<!tpu.dma_semaphore, #tpu.memory_space<semaphore_mem>>)
    %dma_start3A_18 = arith.constant 2 : i32
    %dma_start3A_19 = arith.constant 0 : i32
    %dma_start3A_20 = arith.constant 0 : i32
    %dma_start3A_21 = tpu.memref_slice %arg3[%arg1, %dma_start3A_18, %dma_start3A_19, %dma_start3A_20] : memref<16x250x3x80xi32, #tpu.memory_space<hbm>> -> memref<1x1x3x80xi32, #tpu.memory_space<hbm>>
    %dma_start3A_22 = tpu.memref_squeeze %dma_start3A_21 : memref<1x1x3x80xi32, #tpu.memory_space<hbm>> -> memref<3x80xi32, #tpu.memory_space<hbm>>
    %dma_start3A_23 = arith.constant 0 : i32
    %dma_start3A_24 = arith.constant 0 : i32
    %dma_start3A_25 = tpu.memref_slice %arg3[%arg1, %dma_start3A_18, %dma_start3A_23, %dma_start3A_24] : memref<16x250x3x80xi32, #tpu.memory_space<hbm>> -> memref<1x1x3x80xi32, #tpu.memory_space<hbm>>
    %dma_start3A_26 = tpu.memref_squeeze %dma_start3A_25 : memref<1x1x3x80xi32, #tpu.memory_space<hbm>> -> memref<3x80xi32, #tpu.memory_space<hbm>>
    tpu.enqueue_dma source(%dma_start3A_26 : memref<3x80xi32, #tpu.memory_space<hbm>>) target(%arg10 : memref<3x80xi32, #tpu.memory_space<vmem>>) target_semaphore(%arg43 : memref<!tpu.dma_semaphore, #tpu.memory_space<semaphore_mem>>)
    %dma_start3A_27 = arith.constant 3 : i32
    %dma_start3A_28 = arith.constant 0 : i32
    %dma_start3A_29 = arith.constant 0 : i32
    %dma_start3A_30 = tpu.memref_slice %arg3[%arg1, %dma_start3A_27, %dma_start3A_28, %dma_start3A_29] : memref<16x250x3x80xi32, #tpu.memory_space<hbm>> -> memref<1x1x3x80xi32, #tpu.memory_space<hbm>>
    %dma_start3A_31 = tpu.memref_squeeze %dma_start3A_30 : memref<1x1x3x80xi32, #tpu.memory_space<hbm>> -> memref<3x80xi32, #tpu.memory_space<hbm>>
    %dma_start3A_32 = arith.constant 0 : i32
    %dma_start3A_33 = arith.constant 0 : i32
    %dma_start3A_34 = tpu.memref_slice %arg3[%arg1, %dma_start3A_27, %dma_start3A_32, %dma_start3A_33] : memref<16x250x3x80xi32, #tpu.memory_space<hbm>> -> memref<1x1x3x80xi32, #tpu.memory_space<hbm>>
    %dma_start3A_35 = tpu.memref_squeeze %dma_start3A_34 : memref<1x1x3x80xi32, #tpu.memory_space<hbm>> -> memref<3x80xi32, #tpu.memory_space<hbm>>
    tpu.enqueue_dma source(%dma_start3A_35 : memref<3x80xi32, #tpu.memory_space<hbm>>) target(%arg11 : memref<3x80xi32, #tpu.memory_space<vmem>>) target_semaphore(%arg44 : memref<!tpu.dma_semaphore, #tpu.memory_space<semaphore_mem>>)
    %dma_start3A_36 = arith.constant 4 : i32
    %dma_start3A_37 = arith.constant 0 : i32
    %dma_start3A_38 = arith.constant 0 : i32
    %dma_start3A_39 = tpu.memref_slice %arg3[%arg1, %dma_start3A_36, %dma_start3A_37, %dma_start3A_38] : memref<16x250x3x80xi32, #tpu.memory_space<hbm>> -> memref<1x1x3x80xi32, #tpu.memory_space<hbm>>
    %dma_start3A_40 = tpu.memref_squeeze %dma_start3A_39 : memref<1x1x3x80xi32, #tpu.memory_space<hbm>> -> memref<3x80xi32, #tpu.memory_space<hbm>>
    %dma_start3A_41 = arith.constant 0 : i32
    %dma_start3A_42 = arith.constant 0 : i32
    %dma_start3A_43 = tpu.memref_slice %arg3[%arg1, %dma_start3A_36, %dma_start3A_41, %dma_start3A_42] : memref<16x250x3x80xi32, #tpu.memory_space<hbm>> -> memref<1x1x3x80xi32, #tpu.memory_space<hbm>>
    %dma_start3A_44 = tpu.memref_squeeze %dma_start3A_43 : memref<1x1x3x80xi32, #tpu.memory_space<hbm>> -> memref<3x80xi32, #tpu.memory_space<hbm>>
    tpu.enqueue_dma source(%dma_start3A_44 : memref<3x80xi32, #tpu.memory_space<hbm>>) target(%arg12 : memref<3x80xi32, #tpu.memory_space<vmem>>) target_semaphore(%arg45 : memref<!tpu.dma_semaphore, #tpu.memory_space<semaphore_mem>>)
    %dma_start3A_45 = arith.constant 5 : i32
    %dma_start3A_46 = arith.constant 0 : i32
    %dma_start3A_47 = arith.constant 0 : i32
    %dma_start3A_48 = tpu.memref_slice %arg3[%arg1, %dma_start3A_45, %dma_start3A_46, %dma_start3A_47] : memref<16x250x3x80xi32, #tpu.memory_space<hbm>> -> memref<1x1x3x80xi32, #tpu.memory_space<hbm>>
    %dma_start3A_49 = tpu.memref_squeeze %dma_start3A_48 : memref<1x1x3x80xi32, #tpu.memory_space<hbm>> -> memref<3x80xi32, #tpu.memory_space<hbm>>
    %dma_start3A_50 = arith.constant 0 : i32
    %dma_start3A_51 = arith.constant 0 : i32
    %dma_start3A_52 = tpu.memref_slice %arg3[%arg1, %dma_start3A_45, %dma_start3A_50, %dma_start3A_51] : memref<16x250x3x80xi32, #tpu.memory_space<hbm>> -> memref<1x1x3x80xi32, #tpu.memory_space<hbm>>
    %dma_start3A_53 = tpu.memref_squeeze %dma_start3A_52 : memref<1x1x3x80xi32, #tpu.memory_space<hbm>> -> memref<3x80xi32, #tpu.memory_space<hbm>>
    tpu.enqueue_dma source(%dma_start3A_53 : memref<3x80xi32, #tpu.memory_space<hbm>>) target(%arg13 : memref<3x80xi32, #tpu.memory_space<vmem>>) target_semaphore(%arg46 : memref<!tpu.dma_semaphore, #tpu.memory_space<semaphore_mem>>)
    %broadcast_in_dim3A = arith.constant 1.000000e+00 : f32
    %broadcast_in_dim3A_54 = vector.broadcast %broadcast_in_dim3A : f32 to vector<16xf32>
    %swap3A = arith.constant 0 : index
    %swap3A_55 = tpu.vector_load %arg38[%swap3A] {strides = array<i32>} : memref<80xf32, #tpu.memory_space<vmem>>, vector<16xf32>,
    %swap3A_56 = vector.shape_cast %swap3A_55 : vector<16xf32> to vector<16xf32>
    %swap3A_57 = vector.shape_cast %broadcast_in_dim3A_54 : vector<16xf32> to vector<16xf32>
    tpu.vector_store %arg38[%swap3A], %swap3A_57 {strides = array<i32>} : memref<80xf32, #tpu.memory_space<vmem>>, vector<16xf32>,
    %broadcast_in_dim3A_58 = arith.constant 1.000000e+00 : f32
    %broadcast_in_dim3A_59 = vector.broadcast %broadcast_in_dim3A_58 : f32 to vector<16xf32>
    %swap3A_60 = arith.constant 16 : index
    %swap3A_61 = tpu.vector_load %arg38[%swap3A_60] {strides = array<i32>} : memref<80xf32, #tpu.memory_space<vmem>>, vector<16xf32>,
    %swap3A_62 = vector.shape_cast %swap3A_61 : vector<16xf32> to vector<16xf32>
    %swap3A_63 = vector.shape_cast %broadcast_in_dim3A_59 : vector<16xf32> to vector<16xf32>
    tpu.vector_store %arg38[%swap3A_60], %swap3A_63 {strides = array<i32>} : memref<80xf32, #tpu.memory_space<vmem>>, vector<16xf32>,
    %broadcast_in_dim3A_64 = arith.constant 1.000000e+00 : f32
    %broadcast_in_dim3A_65 = vector.broadcast %broadcast_in_dim3A_64 : f32 to vector<16xf32>
    %swap3A_66 = arith.constant 32 : index
    %swap3A_67 = tpu.vector_load %arg38[%swap3A_66] {strides = array<i32>} : memref<80xf32, #tpu.memory_space<vmem>>, vector<16xf32>,
    %swap3A_68 = vector.shape_cast %swap3A_67 : vector<16xf32> to vector<16xf32>
    %swap3A_69 = vector.shape_cast %broadcast_in_dim3A_65 : vector<16xf32> to vector<16xf32>
    tpu.vector_store %arg38[%swap3A_66], %swap3A_69 {strides = array<i32>} : memref<80xf32, #tpu.memory_space<vmem>>, vector<16xf32>,
    %broadcast_in_dim3A_70 = arith.constant 1.000000e+00 : f32
    %broadcast_in_dim3A_71 = vector.broadcast %broadcast_in_dim3A_70 : f32 to vector<16xf32>
    %swap3A_72 = arith.constant 48 : index
    %swap3A_73 = tpu.vector_load %arg38[%swap3A_72] {strides = array<i32>} : memref<80xf32, #tpu.memory_space<vmem>>, vector<16xf32>,
    %swap3A_74 = vector.shape_cast %swap3A_73 : vector<16xf32> to vector<16xf32>
    %swap3A_75 = vector.shape_cast %broadcast_in_dim3A_71 : vector<16xf32> to vector<16xf32>
    tpu.vector_store %arg38[%swap3A_72], %swap3A_75 {strides = array<i32>} : memref<80xf32, #tpu.memory_space<vmem>>, vector<16xf32>,
    %broadcast_in_dim3A_76 = arith.constant 1.000000e+00 : f32
    %broadcast_in_dim3A_77 = vector.broadcast %broadcast_in_dim3A_76 : f32 to vector<16xf32>
    %swap3A_78 = arith.constant 64 : index
    %swap3A_79 = tpu.vector_load %arg38[%swap3A_78] {strides = array<i32>} : memref<80xf32, #tpu.memory_space<vmem>>, vector<16xf32>,
    %swap3A_80 = vector.shape_cast %swap3A_79 : vector<16xf32> to vector<16xf32>
    %swap3A_81 = vector.shape_cast %broadcast_in_dim3A_77 : vector<16xf32> to vector<16xf32>
    tpu.vector_store %arg38[%swap3A_78], %swap3A_81 {strides = array<i32>} : memref<80xf32, #tpu.memory_space<vmem>>, vector<16xf32>,
    %scan3A = arith.constant 0 : i32
    %scan3A_82 = arith.constant 0 : i32
    %scan3A_83 = arith.constant 416 : i32
    %scan3A_84 = arith.addi %scan3A_82, %scan3A_83 : i32
    %scan3A_85 = arith.constant 1 : i32
    scf.for %scan3A_747 = %scan3A_82 to %scan3A_84 step %scan3A_85  : i32 {
      %jit3A = arith.constant 4 : i32
      %div3A = arith.divsi %scan3A_747, %jit3A : i32
      %sign3A = arith.constant 0 : i32
      %sign3A_748 = arith.cmpi sgt, %scan3A_747, %sign3A : i32
      %sign3A_749 = arith.extui %sign3A_748 : i1 to i32
      %sign3A_750 = arith.constant 0 : i32
      %sign3A_751 = arith.cmpi slt, %scan3A_747, %sign3A_750 : i32
      %sign3A_752 = arith.extui %sign3A_751 : i1 to i32
      %sign3A_753 = arith.subi %sign3A_749, %sign3A_752 : i32
      %sign3A_754 = arith.constant 0 : i32
      %sign3A_755 = arith.cmpi sgt, %jit3A, %sign3A_754 : i32
      %sign3A_756 = arith.extui %sign3A_755 : i1 to i32
      %sign3A_757 = arith.constant 0 : i32
      %sign3A_758 = arith.cmpi slt, %jit3A, %sign3A_757 : i32
      %sign3A_759 = arith.extui %sign3A_758 : i1 to i32
      %sign3A_760 = arith.subi %sign3A_756, %sign3A_759 : i32
      %ne3A = arith.cmpi ne, %sign3A_753, %sign3A_760 : i32
      %rem3A = arith.remsi %scan3A_747, %jit3A : i32
      %ne3A_761 = arith.constant 0 : i32
      %ne3A_762 = arith.cmpi ne, %rem3A, %ne3A_761 : i32
      %and3A = arith.andi %ne3A, %ne3A_762 : i1
      %sub3A = arith.constant 1 : i32
      %sub3A_763 = arith.subi %div3A, %sub3A : i32
      %select_n3A = arith.select %and3A, %sub3A_763, %div3A : i32
      %mul3A_764 = arith.constant 4 : i32
      %mul3A_765 = arith.muli %select_n3A, %mul3A_764 : i32
      %sub3A_766 = arith.subi %scan3A_747, %mul3A_765 : i32
      %broadcast_in_dim3A_767 = arith.constant 0.000000e+00 : f32
      %broadcast_in_dim3A_768 = vector.broadcast %broadcast_in_dim3A_767 : f32 to vector<16xf32>
      %mul3A_769 = arith.constant 16 : i32
      %mul3A_770 = arith.muli %sub3A_766, %mul3A_769 : i32
      %swap3A_771 = arith.index_cast %select_n3A : i32 to index
      %swap3A_772 = arith.index_cast %mul3A_770 : i32 to index
      %swap3A_773 = tpu.vector_load %arg39[%swap3A_771, %swap3A_772] {strides = array<i32>} : memref<104x64xf32, #tpu.memory_space<vmem>>, vector<1x16xf32>,
      %swap3A_774 = vector.shape_cast %swap3A_773 : vector<1x16xf32> to vector<16xf32>
      %swap3A_775 = vector.shape_cast %broadcast_in_dim3A_768 : vector<16xf32> to vector<1x16xf32>
      tpu.vector_store %arg39[%swap3A_771, %swap3A_772], %swap3A_775 {strides = array<i32>} : memref<104x64xf32, #tpu.memory_space<vmem>>, vector<1x16xf32>,
    }
    %scan3A_86 = arith.constant 416 : i32
    %scan3A_87 = arith.constant 0 : i32
    %scan3A_88 = arith.constant 0 : i32
    %scan3A_89 = arith.constant 312 : i32
    %scan3A_90 = arith.addi %scan3A_88, %scan3A_89 : i32
    %scan3A_91 = arith.constant 1 : i32
    scf.for %scan3A_747 = %scan3A_88 to %scan3A_90 step %scan3A_91  : i32 {
      %broadcast_in_dim3A_748 = arith.constant 0.000000e+00 : f32
      %broadcast_in_dim3A_749 = vector.broadcast %broadcast_in_dim3A_748 : f32 to vector<16xf32>
      %mul3A_750 = arith.constant 16 : i32
      %mul3A_751 = arith.muli %scan3A_747, %mul3A_750 : i32
      %swap3A_752 = arith.index_cast %mul3A_751 : i32 to index
      %swap3A_753 = tpu.vector_load %arg40[%swap3A_752] {strides = array<i32>} : memref<4992xf32, #tpu.memory_space<vmem>>, vector<16xf32>,
      %swap3A_754 = vector.shape_cast %swap3A_753 : vector<16xf32> to vector<16xf32>
      %swap3A_755 = vector.shape_cast %broadcast_in_dim3A_749 : vector<16xf32> to vector<16xf32>
      tpu.vector_store %arg40[%swap3A_752], %swap3A_755 {strides = array<i32>} : memref<4992xf32, #tpu.memory_space<vmem>>, vector<16xf32>,
    }
    %scan3A_92 = arith.constant 312 : i32
    %scan3A_93 = arith.constant 0 : i32
    %scan3A_94 = arith.constant 0 : i32
    %scan3A_95 = arith.constant 6 : i32
    %scan3A_96 = arith.addi %scan3A_94, %scan3A_95 : i32
    %scan3A_97 = arith.constant 1 : i32
    scf.for %scan3A_747 = %scan3A_94 to %scan3A_96 step %scan3A_97  : i32 {
      %mul3A_748 = arith.constant 624 : i32
      %mul3A_749 = arith.muli %arg1, %mul3A_748 : i32
      %mul3A_750 = arith.constant 104 : i32
      %mul3A_751 = arith.muli %scan3A_747, %mul3A_750 : i32
      %add3A_752 = arith.addi %mul3A_749, %mul3A_751 : i32
      %dma_start3A_753 = arith.constant 0 : i32
      %dma_start3A_754 = tpu.memref_slice %arg6[%add3A_752, %dma_start3A_753] : memref<10000x64xf32, #tpu.memory_space<vmem_shared>> -> memref<104x64xf32, #tpu.memory_space<vmem_shared>>
      %dma_start3A_755 = arith.constant 0 : i32
      %dma_start3A_756 = tpu.memref_slice %arg6[%add3A_752, %dma_start3A_755] : memref<10000x64xf32, #tpu.memory_space<vmem_shared>> -> memref<104x64xf32, #tpu.memory_space<vmem_shared>>
      tpu.enqueue_dma source(%arg39 : memref<104x64xf32, #tpu.memory_space<vmem>>) target(%dma_start3A_756 : memref<104x64xf32, #tpu.memory_space<vmem_shared>>) target_semaphore(%arg65 : memref<!tpu.dma_semaphore, #tpu.memory_space<semaphore_mem>>)
    }
    %scan3A_98 = arith.constant 6 : i32
    %scan3A_99 = arith.constant 0 : i32
    %scan3A_100 = arith.constant 0 : i32
    %scan3A_101 = arith.constant 8 : i32
    %scan3A_102 = arith.addi %scan3A_100, %scan3A_101 : i32
    %scan3A_103 = arith.constant 1 : i32
    scf.for %scan3A_747 = %scan3A_100 to %scan3A_102 step %scan3A_103  : i32 {
      %mul3A_748 = arith.constant 39936 : i32
      %mul3A_749 = arith.muli %arg1, %mul3A_748 : i32
      %mul3A_750 = arith.constant 4992 : i32
      %mul3A_751 = arith.muli %scan3A_747, %mul3A_750 : i32
      %add3A_752 = arith.addi %mul3A_749, %mul3A_751 : i32
      %dma_start3A_753 = tpu.memref_slice %arg7[%add3A_752] : memref<640000xf32, #tpu.memory_space<vmem_shared>> -> memref<4992xf32, #tpu.memory_space<vmem_shared>>
      %dma_start3A_754 = tpu.memref_slice %arg7[%add3A_752] : memref<640000xf32, #tpu.memory_space<vmem_shared>> -> memref<4992xf32, #tpu.memory_space<vmem_shared>>
      tpu.enqueue_dma source(%arg40 : memref<4992xf32, #tpu.memory_space<vmem>>) target(%dma_start3A_754 : memref<4992xf32, #tpu.memory_space<vmem_shared>>) target_semaphore(%arg65 : memref<!tpu.dma_semaphore, #tpu.memory_space<semaphore_mem>>)
    }
    %scan3A_104 = arith.constant 8 : i32
    %eq3A = arith.constant 15 : i32
    %eq3A_105 = arith.cmpi eq, %arg1, %eq3A : i32
    %convert_element_type3A = arith.extui %eq3A_105 : i1 to i32
    %cond3A = arith.constant 0 : i32
    %cond3A_106 = arith.cmpi ne, %convert_element_type3A, %cond3A : i32
    scf.if %cond3A_106 {
      %dma_start3A_747 = arith.constant 0 : i32
      %dma_start3A_748 = arith.constant 0 : i32
      %dma_start3A_749 = tpu.memref_slice %arg39[%dma_start3A_747, %dma_start3A_748] : memref<104x64xf32, #tpu.memory_space<vmem>> -> memref<16x64xf32, #tpu.memory_space<vmem>>
      %dma_start3A_750 = arith.constant 9984 : i32
      %dma_start3A_751 = arith.constant 0 : i32
      %dma_start3A_752 = tpu.memref_slice %arg6[%dma_start3A_750, %dma_start3A_751] : memref<10000x64xf32, #tpu.memory_space<vmem_shared>> -> memref<16x64xf32, #tpu.memory_space<vmem_shared>>
      %dma_start3A_753 = arith.constant 9984 : i32
      %dma_start3A_754 = arith.constant 0 : i32
      %dma_start3A_755 = tpu.memref_slice %arg6[%dma_start3A_753, %dma_start3A_754] : memref<10000x64xf32, #tpu.memory_space<vmem_shared>> -> memref<16x64xf32, #tpu.memory_space<vmem_shared>>
      %dma_start3A_756 = arith.constant 0 : i32
      %dma_start3A_757 = arith.constant 0 : i32
      %dma_start3A_758 = tpu.memref_slice %arg39[%dma_start3A_756, %dma_start3A_757] : memref<104x64xf32, #tpu.memory_space<vmem>> -> memref<16x64xf32, #tpu.memory_space<vmem>>
      tpu.enqueue_dma source(%dma_start3A_758 : memref<16x64xf32, #tpu.memory_space<vmem>>) target(%dma_start3A_755 : memref<16x64xf32, #tpu.memory_space<vmem_shared>>) target_semaphore(%arg65 : memref<!tpu.dma_semaphore, #tpu.memory_space<semaphore_mem>>)
      %dma_start3A_759 = arith.constant 0 : i32
      %dma_start3A_760 = tpu.memref_slice %arg40[%dma_start3A_759] : memref<4992xf32, #tpu.memory_space<vmem>> -> memref<1024xf32, #tpu.memory_space<vmem>>
      %dma_start3A_761 = arith.constant 638976 : i32
      %dma_start3A_762 = tpu.memref_slice %arg7[%dma_start3A_761] : memref<640000xf32, #tpu.memory_space<vmem_shared>> -> memref<1024xf32, #tpu.memory_space<vmem_shared>>
      %dma_start3A_763 = arith.constant 638976 : i32
      %dma_start3A_764 = tpu.memref_slice %arg7[%dma_start3A_763] : memref<640000xf32, #tpu.memory_space<vmem_shared>> -> memref<1024xf32, #tpu.memory_space<vmem_shared>>
      %dma_start3A_765 = arith.constant 0 : i32
      %dma_start3A_766 = tpu.memref_slice %arg40[%dma_start3A_765] : memref<4992xf32, #tpu.memory_space<vmem>> -> memref<1024xf32, #tpu.memory_space<vmem>>
      tpu.enqueue_dma source(%dma_start3A_766 : memref<1024xf32, #tpu.memory_space<vmem>>) target(%dma_start3A_764 : memref<1024xf32, #tpu.memory_space<vmem_shared>>) target_semaphore(%arg65 : memref<!tpu.dma_semaphore, #tpu.memory_space<semaphore_mem>>)
    } else {
    }
    %dma_wait3A = arith.constant 0 : i32
    %dma_wait3A_107 = arith.constant 0 : i32
    %dma_wait3A_108 = arith.constant 0 : i32
    %dma_wait3A_109 = tpu.memref_slice %arg3[%arg1, %dma_wait3A, %dma_wait3A_107, %dma_wait3A_108] : memref<16x250x3x80xi32, #tpu.memory_space<hbm>> -> memref<1x1x3x80xi32, #tpu.memory_space<hbm>>
    %dma_wait3A_110 = tpu.memref_squeeze %dma_wait3A_109 : memref<1x1x3x80xi32, #tpu.memory_space<hbm>> -> memref<3x80xi32, #tpu.memory_space<hbm>>
    %dma_wait3A_111 = arith.constant 0 : i32
    %dma_wait3A_112 = arith.constant 0 : i32
    %dma_wait3A_113 = tpu.memref_slice %arg3[%arg1, %dma_wait3A, %dma_wait3A_111, %dma_wait3A_112] : memref<16x250x3x80xi32, #tpu.memory_space<hbm>> -> memref<1x1x3x80xi32, #tpu.memory_space<hbm>>
    %dma_wait3A_114 = tpu.memref_squeeze %dma_wait3A_113 : memref<1x1x3x80xi32, #tpu.memory_space<hbm>> -> memref<3x80xi32, #tpu.memory_space<hbm>>
    tpu.wait_dma2 semaphore(%arg41 : memref<!tpu.dma_semaphore, #tpu.memory_space<semaphore_mem>>) src(%dma_wait3A_114 : memref<3x80xi32, #tpu.memory_space<hbm>>) dst(%arg8 : memref<3x80xi32, #tpu.memory_space<vmem>>)
    %get3A = arith.constant 0 : i32
    %get3A_115 = arith.index_cast %get3A : i32 to index
    %get3A_116 = arith.constant 0 : index
    %get3A_117 = tpu.vector_load %arg8[%get3A_115, %get3A_116] {strides = array<i32>} : memref<3x80xi32, #tpu.memory_space<vmem>>, vector<1x16xi32>,
    %get3A_118 = vector.shape_cast %get3A_117 : vector<1x16xi32> to vector<16xi32>
    %get3A_119 = arith.constant 1 : i32
    %get3A_120 = arith.index_cast %get3A_119 : i32 to index
    %get3A_121 = arith.constant 0 : index
    %get3A_122 = tpu.vector_load %arg8[%get3A_120, %get3A_121] {strides = array<i32>} : memref<3x80xi32, #tpu.memory_space<vmem>>, vector<1x16xi32>,
    %get3A_123 = vector.shape_cast %get3A_122 : vector<1x16xi32> to vector<16xi32>
    %get3A_124 = arith.constant 2 : i32
    %get3A_125 = arith.index_cast %get3A_124 : i32 to index
    %get3A_126 = arith.constant 0 : index
    %get3A_127 = tpu.vector_load %arg8[%get3A_125, %get3A_126] {strides = array<i32>} : memref<3x80xi32, #tpu.memory_space<vmem>>, vector<1x16xi32>,
    %get3A_128 = vector.shape_cast %get3A_127 : vector<1x16xi32> to vector<16xi32>
    %add3A = vector.broadcast %mul3A_0 : i32 to vector<16xi32>
    %add3A_129 = arith.addi %get3A_118, %add3A : vector<16xi32>
    %swap3A_130 = arith.constant 0 : index
    %swap3A_131 = tpu.vector_load %arg14[%swap3A_130] {strides = array<i32>} : memref<80xi32, #tpu.memory_space<vmem>>, vector<16xi32>,
    %swap3A_132 = vector.shape_cast %swap3A_131 : vector<16xi32> to vector<16xi32>
    %swap3A_133 = vector.shape_cast %add3A_129 : vector<16xi32> to vector<16xi32>
    tpu.vector_store %arg14[%swap3A_130], %swap3A_133 {strides = array<i32>} : memref<80xi32, #tpu.memory_space<vmem>>, vector<16xi32>,
    %swap3A_134 = arith.constant 0 : index
    %swap3A_135 = tpu.vector_load %arg20[%swap3A_134] {strides = array<i32>} : memref<80xi32, #tpu.memory_space<vmem>>, vector<16xi32>,
    %swap3A_136 = vector.shape_cast %swap3A_135 : vector<16xi32> to vector<16xi32>
    %swap3A_137 = vector.shape_cast %get3A_123 : vector<16xi32> to vector<16xi32>
    tpu.vector_store %arg20[%swap3A_134], %swap3A_137 {strides = array<i32>} : memref<80xi32, #tpu.memory_space<vmem>>, vector<16xi32>,
    %mul3A_138 = arith.constant 64 : i32
    %mul3A_139 = vector.broadcast %mul3A_138 : i32 to vector<16xi32>
    %mul3A_140 = arith.muli %get3A_123, %mul3A_139 : vector<16xi32>
    %add3A_141 = arith.addi %mul3A_140, %get3A_128 : vector<16xi32>
    %swap3A_142 = arith.constant 0 : index
    %swap3A_143 = tpu.vector_load %arg26[%swap3A_142] {strides = array<i32>} : memref<80xi32, #tpu.memory_space<vmem>>, vector<16xi32>,
    %swap3A_144 = vector.shape_cast %swap3A_143 : vector<16xi32> to vector<16xi32>
    %swap3A_145 = vector.shape_cast %add3A_141 : vector<16xi32> to vector<16xi32>
    tpu.vector_store %arg26[%swap3A_142], %swap3A_145 {strides = array<i32>} : memref<80xi32, #tpu.memory_space<vmem>>, vector<16xi32>,
    %get3A_146 = arith.constant 0 : i32
    %get3A_147 = arith.index_cast %get3A_146 : i32 to index
    %get3A_148 = arith.constant 16 : index
    %get3A_149 = tpu.vector_load %arg8[%get3A_147, %get3A_148] {strides = array<i32>} : memref<3x80xi32, #tpu.memory_space<vmem>>, vector<1x16xi32>,
    %get3A_150 = vector.shape_cast %get3A_149 : vector<1x16xi32> to vector<16xi32>
    %get3A_151 = arith.constant 1 : i32
    %get3A_152 = arith.index_cast %get3A_151 : i32 to index
    %get3A_153 = arith.constant 16 : index
    %get3A_154 = tpu.vector_load %arg8[%get3A_152, %get3A_153] {strides = array<i32>} : memref<3x80xi32, #tpu.memory_space<vmem>>, vector<1x16xi32>,
    %get3A_155 = vector.shape_cast %get3A_154 : vector<1x16xi32> to vector<16xi32>
    %get3A_156 = arith.constant 2 : i32
    %get3A_157 = arith.index_cast %get3A_156 : i32 to index
    %get3A_158 = arith.constant 16 : index
    %get3A_159 = tpu.vector_load %arg8[%get3A_157, %get3A_158] {strides = array<i32>} : memref<3x80xi32, #tpu.memory_space<vmem>>, vector<1x16xi32>,
    %get3A_160 = vector.shape_cast %get3A_159 : vector<1x16xi32> to vector<16xi32>
    %add3A_161 = vector.broadcast %mul3A_0 : i32 to vector<16xi32>
    %add3A_162 = arith.addi %get3A_150, %add3A_161 : vector<16xi32>
    %swap3A_163 = arith.constant 16 : index
    %swap3A_164 = tpu.vector_load %arg14[%swap3A_163] {strides = array<i32>} : memref<80xi32, #tpu.memory_space<vmem>>, vector<16xi32>,
    %swap3A_165 = vector.shape_cast %swap3A_164 : vector<16xi32> to vector<16xi32>
    %swap3A_166 = vector.shape_cast %add3A_162 : vector<16xi32> to vector<16xi32>
    tpu.vector_store %arg14[%swap3A_163], %swap3A_166 {strides = array<i32>} : memref<80xi32, #tpu.memory_space<vmem>>, vector<16xi32>,
    %swap3A_167 = arith.constant 16 : index
    %swap3A_168 = tpu.vector_load %arg20[%swap3A_167] {strides = array<i32>} : memref<80xi32, #tpu.memory_space<vmem>>, vector<16xi32>,
    %swap3A_169 = vector.shape_cast %swap3A_168 : vector<16xi32> to vector<16xi32>
    %swap3A_170 = vector.shape_cast %get3A_155 : vector<16xi32> to vector<16xi32>
    tpu.vector_store %arg20[%swap3A_167], %swap3A_170 {strides = array<i32>} : memref<80xi32, #tpu.memory_space<vmem>>, vector<16xi32>,
    %mul3A_171 = arith.constant 64 : i32
    %mul3A_172 = vector.broadcast %mul3A_171 : i32 to vector<16xi32>
    %mul3A_173 = arith.muli %get3A_155, %mul3A_172 : vector<16xi32>
    %add3A_174 = arith.addi %mul3A_173, %get3A_160 : vector<16xi32>
    %swap3A_175 = arith.constant 16 : index
    %swap3A_176 = tpu.vector_load %arg26[%swap3A_175] {strides = array<i32>} : memref<80xi32, #tpu.memory_space<vmem>>, vector<16xi32>,
    %swap3A_177 = vector.shape_cast %swap3A_176 : vector<16xi32> to vector<16xi32>
    %swap3A_178 = vector.shape_cast %add3A_174 : vector<16xi32> to vector<16xi32>
    tpu.vector_store %arg26[%swap3A_175], %swap3A_178 {strides = array<i32>} : memref<80xi32, #tpu.memory_space<vmem>>, vector<16xi32>,
    %get3A_179 = arith.constant 0 : i32
    %get3A_180 = arith.index_cast %get3A_179 : i32 to index
    %get3A_181 = arith.constant 32 : index
    %get3A_182 = tpu.vector_load %arg8[%get3A_180, %get3A_181] {strides = array<i32>} : memref<3x80xi32, #tpu.memory_space<vmem>>, vector<1x16xi32>,
    %get3A_183 = vector.shape_cast %get3A_182 : vector<1x16xi32> to vector<16xi32>
    %get3A_184 = arith.constant 1 : i32
    %get3A_185 = arith.index_cast %get3A_184 : i32 to index
    %get3A_186 = arith.constant 32 : index
    %get3A_187 = tpu.vector_load %arg8[%get3A_185, %get3A_186] {strides = array<i32>} : memref<3x80xi32, #tpu.memory_space<vmem>>, vector<1x16xi32>,
    %get3A_188 = vector.shape_cast %get3A_187 : vector<1x16xi32> to vector<16xi32>
    %get3A_189 = arith.constant 2 : i32
    %get3A_190 = arith.index_cast %get3A_189 : i32 to index
    %get3A_191 = arith.constant 32 : index
    %get3A_192 = tpu.vector_load %arg8[%get3A_190, %get3A_191] {strides = array<i32>} : memref<3x80xi32, #tpu.memory_space<vmem>>, vector<1x16xi32>,
    %get3A_193 = vector.shape_cast %get3A_192 : vector<1x16xi32> to vector<16xi32>
    %add3A_194 = vector.broadcast %mul3A_0 : i32 to vector<16xi32>
    %add3A_195 = arith.addi %get3A_183, %add3A_194 : vector<16xi32>
    %swap3A_196 = arith.constant 32 : index
    %swap3A_197 = tpu.vector_load %arg14[%swap3A_196] {strides = array<i32>} : memref<80xi32, #tpu.memory_space<vmem>>, vector<16xi32>,
    %swap3A_198 = vector.shape_cast %swap3A_197 : vector<16xi32> to vector<16xi32>
    %swap3A_199 = vector.shape_cast %add3A_195 : vector<16xi32> to vector<16xi32>
    tpu.vector_store %arg14[%swap3A_196], %swap3A_199 {strides = array<i32>} : memref<80xi32, #tpu.memory_space<vmem>>, vector<16xi32>,
    %swap3A_200 = arith.constant 32 : index
    %swap3A_201 = tpu.vector_load %arg20[%swap3A_200] {strides = array<i32>} : memref<80xi32, #tpu.memory_space<vmem>>, vector<16xi32>,
    %swap3A_202 = vector.shape_cast %swap3A_201 : vector<16xi32> to vector<16xi32>
    %swap3A_203 = vector.shape_cast %get3A_188 : vector<16xi32> to vector<16xi32>
    tpu.vector_store %arg20[%swap3A_200], %swap3A_203 {strides = array<i32>} : memref<80xi32, #tpu.memory_space<vmem>>, vector<16xi32>,
    %mul3A_204 = arith.constant 64 : i32
    %mul3A_205 = vector.broadcast %mul3A_204 : i32 to vector<16xi32>
    %mul3A_206 = arith.muli %get3A_188, %mul3A_205 : vector<16xi32>
    %add3A_207 = arith.addi %mul3A_206, %get3A_193 : vector<16xi32>
    %swap3A_208 = arith.constant 32 : index
    %swap3A_209 = tpu.vector_load %arg26[%swap3A_208] {strides = array<i32>} : memref<80xi32, #tpu.memory_space<vmem>>, vector<16xi32>,
    %swap3A_210 = vector.shape_cast %swap3A_209 : vector<16xi32> to vector<16xi32>
    %swap3A_211 = vector.shape_cast %add3A_207 : vector<16xi32> to vector<16xi32>
    tpu.vector_store %arg26[%swap3A_208], %swap3A_211 {strides = array<i32>} : memref<80xi32, #tpu.memory_space<vmem>>, vector<16xi32>,
    %get3A_212 = arith.constant 0 : i32
    %get3A_213 = arith.index_cast %get3A_212 : i32 to index
    %get3A_214 = arith.constant 48 : index
    %get3A_215 = tpu.vector_load %arg8[%get3A_213, %get3A_214] {strides = array<i32>} : memref<3x80xi32, #tpu.memory_space<vmem>>, vector<1x16xi32>,
    %get3A_216 = vector.shape_cast %get3A_215 : vector<1x16xi32> to vector<16xi32>
    %get3A_217 = arith.constant 1 : i32
    %get3A_218 = arith.index_cast %get3A_217 : i32 to index
    %get3A_219 = arith.constant 48 : index
    %get3A_220 = tpu.vector_load %arg8[%get3A_218, %get3A_219] {strides = array<i32>} : memref<3x80xi32, #tpu.memory_space<vmem>>, vector<1x16xi32>,
    %get3A_221 = vector.shape_cast %get3A_220 : vector<1x16xi32> to vector<16xi32>
    %get3A_222 = arith.constant 2 : i32
    %get3A_223 = arith.index_cast %get3A_222 : i32 to index
    %get3A_224 = arith.constant 48 : index
    %get3A_225 = tpu.vector_load %arg8[%get3A_223, %get3A_224] {strides = array<i32>} : memref<3x80xi32, #tpu.memory_space<vmem>>, vector<1x16xi32>,
    %get3A_226 = vector.shape_cast %get3A_225 : vector<1x16xi32> to vector<16xi32>
    %add3A_227 = vector.broadcast %mul3A_0 : i32 to vector<16xi32>
    %add3A_228 = arith.addi %get3A_216, %add3A_227 : vector<16xi32>
    %swap3A_229 = arith.constant 48 : index
    %swap3A_230 = tpu.vector_load %arg14[%swap3A_229] {strides = array<i32>} : memref<80xi32, #tpu.memory_space<vmem>>, vector<16xi32>,
    %swap3A_231 = vector.shape_cast %swap3A_230 : vector<16xi32> to vector<16xi32>
    %swap3A_232 = vector.shape_cast %add3A_228 : vector<16xi32> to vector<16xi32>
    tpu.vector_store %arg14[%swap3A_229], %swap3A_232 {strides = array<i32>} : memref<80xi32, #tpu.memory_space<vmem>>, vector<16xi32>,
    %swap3A_233 = arith.constant 48 : index
    %swap3A_234 = tpu.vector_load %arg20[%swap3A_233] {strides = array<i32>} : memref<80xi32, #tpu.memory_space<vmem>>, vector<16xi32>,
    %swap3A_235 = vector.shape_cast %swap3A_234 : vector<16xi32> to vector<16xi32>
    %swap3A_236 = vector.shape_cast %get3A_221 : vector<16xi32> to vector<16xi32>
    tpu.vector_store %arg20[%swap3A_233], %swap3A_236 {strides = array<i32>} : memref<80xi32, #tpu.memory_space<vmem>>, vector<16xi32>,
    %mul3A_237 = arith.constant 64 : i32
    %mul3A_238 = vector.broadcast %mul3A_237 : i32 to vector<16xi32>
    %mul3A_239 = arith.muli %get3A_221, %mul3A_238 : vector<16xi32>
    %add3A_240 = arith.addi %mul3A_239, %get3A_226 : vector<16xi32>
    %swap3A_241 = arith.constant 48 : index
    %swap3A_242 = tpu.vector_load %arg26[%swap3A_241] {strides = array<i32>} : memref<80xi32, #tpu.memory_space<vmem>>, vector<16xi32>,
    %swap3A_243 = vector.shape_cast %swap3A_242 : vector<16xi32> to vector<16xi32>
    %swap3A_244 = vector.shape_cast %add3A_240 : vector<16xi32> to vector<16xi32>
    tpu.vector_store %arg26[%swap3A_241], %swap3A_244 {strides = array<i32>} : memref<80xi32, #tpu.memory_space<vmem>>, vector<16xi32>,
    %get3A_245 = arith.constant 0 : i32
    %get3A_246 = arith.index_cast %get3A_245 : i32 to index
    %get3A_247 = arith.constant 64 : index
    %get3A_248 = tpu.vector_load %arg8[%get3A_246, %get3A_247] {strides = array<i32>} : memref<3x80xi32, #tpu.memory_space<vmem>>, vector<1x16xi32>,
    %get3A_249 = vector.shape_cast %get3A_248 : vector<1x16xi32> to vector<16xi32>
    %get3A_250 = arith.constant 1 : i32
    %get3A_251 = arith.index_cast %get3A_250 : i32 to index
    %get3A_252 = arith.constant 64 : index
    %get3A_253 = tpu.vector_load %arg8[%get3A_251, %get3A_252] {strides = array<i32>} : memref<3x80xi32, #tpu.memory_space<vmem>>, vector<1x16xi32>,
    %get3A_254 = vector.shape_cast %get3A_253 : vector<1x16xi32> to vector<16xi32>
    %get3A_255 = arith.constant 2 : i32
    %get3A_256 = arith.index_cast %get3A_255 : i32 to index
    %get3A_257 = arith.constant 64 : index
    %get3A_258 = tpu.vector_load %arg8[%get3A_256, %get3A_257] {strides = array<i32>} : memref<3x80xi32, #tpu.memory_space<vmem>>, vector<1x16xi32>,
    %get3A_259 = vector.shape_cast %get3A_258 : vector<1x16xi32> to vector<16xi32>
    %add3A_260 = vector.broadcast %mul3A_0 : i32 to vector<16xi32>
    %add3A_261 = arith.addi %get3A_249, %add3A_260 : vector<16xi32>
    %swap3A_262 = arith.constant 64 : index
    %swap3A_263 = tpu.vector_load %arg14[%swap3A_262] {strides = array<i32>} : memref<80xi32, #tpu.memory_space<vmem>>, vector<16xi32>,
    %swap3A_264 = vector.shape_cast %swap3A_263 : vector<16xi32> to vector<16xi32>
    %swap3A_265 = vector.shape_cast %add3A_261 : vector<16xi32> to vector<16xi32>
    tpu.vector_store %arg14[%swap3A_262], %swap3A_265 {strides = array<i32>} : memref<80xi32, #tpu.memory_space<vmem>>, vector<16xi32>,
    %swap3A_266 = arith.constant 64 : index
    %swap3A_267 = tpu.vector_load %arg20[%swap3A_266] {strides = array<i32>} : memref<80xi32, #tpu.memory_space<vmem>>, vector<16xi32>,
    %swap3A_268 = vector.shape_cast %swap3A_267 : vector<16xi32> to vector<16xi32>
    %swap3A_269 = vector.shape_cast %get3A_254 : vector<16xi32> to vector<16xi32>
    tpu.vector_store %arg20[%swap3A_266], %swap3A_269 {strides = array<i32>} : memref<80xi32, #tpu.memory_space<vmem>>, vector<16xi32>,
    %mul3A_270 = arith.constant 64 : i32
    %mul3A_271 = vector.broadcast %mul3A_270 : i32 to vector<16xi32>
    %mul3A_272 = arith.muli %get3A_254, %mul3A_271 : vector<16xi32>
    %add3A_273 = arith.addi %mul3A_272, %get3A_259 : vector<16xi32>
    %swap3A_274 = arith.constant 64 : index
    %swap3A_275 = tpu.vector_load %arg26[%swap3A_274] {strides = array<i32>} : memref<80xi32, #tpu.memory_space<vmem>>, vector<16xi32>,
    %swap3A_276 = vector.shape_cast %swap3A_275 : vector<16xi32> to vector<16xi32>
    %swap3A_277 = vector.shape_cast %add3A_273 : vector<16xi32> to vector<16xi32>
    tpu.vector_store %arg26[%swap3A_274], %swap3A_277 {strides = array<i32>} : memref<80xi32, #tpu.memory_space<vmem>>, vector<16xi32>,
    %dma_start3A_278 = arith.constant 0 : i32
    %dma_start3A_279 = arith.constant 0 : i32
    %dma_start3A_280 = tpu.memref_slice %arg2[%dma_start3A_278, %dma_start3A_279] : memref<20000x64xf32, #tpu.memory_space<hbm>> -> memref<20000x64xf32, #tpu.memory_space<hbm>>
    tpu.enqueue_indirect_dma source(%dma_start3A_280 : memref<20000x64xf32, #tpu.memory_space<hbm>>) target(%arg32 : memref<80x64xf32, #tpu.memory_space<vmem>>) offsets(%arg14 : memref<80xi32, #tpu.memory_space<vmem>>) semaphore(%arg47 : memref<!tpu.dma_semaphore, #tpu.memory_space<semaphore_mem>>)
    %dma_start3A_281 = arith.constant 6 : i32
    %dma_start3A_282 = arith.constant 0 : i32
    %dma_start3A_283 = arith.constant 0 : i32
    %dma_start3A_284 = tpu.memref_slice %arg3[%arg1, %dma_start3A_281, %dma_start3A_282, %dma_start3A_283] : memref<16x250x3x80xi32, #tpu.memory_space<hbm>> -> memref<1x1x3x80xi32, #tpu.memory_space<hbm>>
    %dma_start3A_285 = tpu.memref_squeeze %dma_start3A_284 : memref<1x1x3x80xi32, #tpu.memory_space<hbm>> -> memref<3x80xi32, #tpu.memory_space<hbm>>
    %dma_start3A_286 = arith.constant 0 : i32
    %dma_start3A_287 = arith.constant 0 : i32
    %dma_start3A_288 = tpu.memref_slice %arg3[%arg1, %dma_start3A_281, %dma_start3A_286, %dma_start3A_287] : memref<16x250x3x80xi32, #tpu.memory_space<hbm>> -> memref<1x1x3x80xi32, #tpu.memory_space<hbm>>
    %dma_start3A_289 = tpu.memref_squeeze %dma_start3A_288 : memref<1x1x3x80xi32, #tpu.memory_space<hbm>> -> memref<3x80xi32, #tpu.memory_space<hbm>>
    tpu.enqueue_dma source(%dma_start3A_289 : memref<3x80xi32, #tpu.memory_space<hbm>>) target(%arg8 : memref<3x80xi32, #tpu.memory_space<vmem>>) target_semaphore(%arg41 : memref<!tpu.dma_semaphore, #tpu.memory_space<semaphore_mem>>)
    %dma_wait3A_290 = arith.constant 0 : i32
    %dma_wait3A_291 = arith.constant 0 : i32
    %dma_wait3A_292 = arith.constant 0 : i32
    %dma_wait3A_293 = tpu.memref_slice %arg3[%arg1, %dma_wait3A_290, %dma_wait3A_291, %dma_wait3A_292] : memref<16x250x3x80xi32, #tpu.memory_space<hbm>> -> memref<1x1x3x80xi32, #tpu.memory_space<hbm>>
    %dma_wait3A_294 = tpu.memref_squeeze %dma_wait3A_293 : memref<1x1x3x80xi32, #tpu.memory_space<hbm>> -> memref<3x80xi32, #tpu.memory_space<hbm>>
    %dma_wait3A_295 = arith.constant 0 : i32
    %dma_wait3A_296 = arith.constant 0 : i32
    %dma_wait3A_297 = tpu.memref_slice %arg3[%arg1, %dma_wait3A_290, %dma_wait3A_295, %dma_wait3A_296] : memref<16x250x3x80xi32, #tpu.memory_space<hbm>> -> memref<1x1x3x80xi32, #tpu.memory_space<hbm>>
    %dma_wait3A_298 = tpu.memref_squeeze %dma_wait3A_297 : memref<1x1x3x80xi32, #tpu.memory_space<hbm>> -> memref<3x80xi32, #tpu.memory_space<hbm>>
    tpu.wait_dma2 semaphore(%arg42 : memref<!tpu.dma_semaphore, #tpu.memory_space<semaphore_mem>>) src(%dma_wait3A_298 : memref<3x80xi32, #tpu.memory_space<hbm>>) dst(%arg9 : memref<3x80xi32, #tpu.memory_space<vmem>>)
    %get3A_299 = arith.constant 0 : i32
    %get3A_300 = arith.index_cast %get3A_299 : i32 to index
    %get3A_301 = arith.constant 0 : index
    %get3A_302 = tpu.vector_load %arg9[%get3A_300, %get3A_301] {strides = array<i32>} : memref<3x80xi32, #tpu.memory_space<vmem>>, vector<1x16xi32>,
    %get3A_303 = vector.shape_cast %get3A_302 : vector<1x16xi32> to vector<16xi32>
    %get3A_304 = arith.constant 1 : i32
    %get3A_305 = arith.index_cast %get3A_304 : i32 to index
    %get3A_306 = arith.constant 0 : index
    %get3A_307 = tpu.vector_load %arg9[%get3A_305, %get3A_306] {strides = array<i32>} : memref<3x80xi32, #tpu.memory_space<vmem>>, vector<1x16xi32>,
    %get3A_308 = vector.shape_cast %get3A_307 : vector<1x16xi32> to vector<16xi32>
    %get3A_309 = arith.constant 2 : i32
    %get3A_310 = arith.index_cast %get3A_309 : i32 to index
    %get3A_311 = arith.constant 0 : index
    %get3A_312 = tpu.vector_load %arg9[%get3A_310, %get3A_311] {strides = array<i32>} : memref<3x80xi32, #tpu.memory_space<vmem>>, vector<1x16xi32>,
    %get3A_313 = vector.shape_cast %get3A_312 : vector<1x16xi32> to vector<16xi32>
    %add3A_314 = vector.broadcast %mul3A_0 : i32 to vector<16xi32>
    %add3A_315 = arith.addi %get3A_303, %add3A_314 : vector<16xi32>
    %swap3A_316 = arith.constant 0 : index
    %swap3A_317 = tpu.vector_load %arg15[%swap3A_316] {strides = array<i32>} : memref<80xi32, #tpu.memory_space<vmem>>, vector<16xi32>,
    %swap3A_318 = vector.shape_cast %swap3A_317 : vector<16xi32> to vector<16xi32>
    %swap3A_319 = vector.shape_cast %add3A_315 : vector<16xi32> to vector<16xi32>
    tpu.vector_store %arg15[%swap3A_316], %swap3A_319 {strides = array<i32>} : memref<80xi32, #tpu.memory_space<vmem>>, vector<16xi32>,
    %swap3A_320 = arith.constant 0 : index
    %swap3A_321 = tpu.vector_load %arg21[%swap3A_320] {strides = array<i32>} : memref<80xi32, #tpu.memory_space<vmem>>, vector<16xi32>,
    %swap3A_322 = vector.shape_cast %swap3A_321 : vector<16xi32> to vector<16xi32>
    %swap3A_323 = vector.shape_cast %get3A_308 : vector<16xi32> to vector<16xi32>
    tpu.vector_store %arg21[%swap3A_320], %swap3A_323 {strides = array<i32>} : memref<80xi32, #tpu.memory_space<vmem>>, vector<16xi32>,
    %mul3A_324 = arith.constant 64 : i32
    %mul3A_325 = vector.broadcast %mul3A_324 : i32 to vector<16xi32>
    %mul3A_326 = arith.muli %get3A_308, %mul3A_325 : vector<16xi32>
    %add3A_327 = arith.addi %mul3A_326, %get3A_313 : vector<16xi32>
    %swap3A_328 = arith.constant 0 : index
    %swap3A_329 = tpu.vector_load %arg27[%swap3A_328] {strides = array<i32>} : memref<80xi32, #tpu.memory_space<vmem>>, vector<16xi32>,
    %swap3A_330 = vector.shape_cast %swap3A_329 : vector<16xi32> to vector<16xi32>
    %swap3A_331 = vector.shape_cast %add3A_327 : vector<16xi32> to vector<16xi32>
    tpu.vector_store %arg27[%swap3A_328], %swap3A_331 {strides = array<i32>} : memref<80xi32, #tpu.memory_space<vmem>>, vector<16xi32>,
    %get3A_332 = arith.constant 0 : i32
    %get3A_333 = arith.index_cast %get3A_332 : i32 to index
    %get3A_334 = arith.constant 16 : index
    %get3A_335 = tpu.vector_load %arg9[%get3A_333, %get3A_334] {strides = array<i32>} : memref<3x80xi32, #tpu.memory_space<vmem>>, vector<1x16xi32>,
    %get3A_336 = vector.shape_cast %get3A_335 : vector<1x16xi32> to vector<16xi32>
    %get3A_337 = arith.constant 1 : i32
    %get3A_338 = arith.index_cast %get3A_337 : i32 to index
    %get3A_339 = arith.constant 16 : index
    %get3A_340 = tpu.vector_load %arg9[%get3A_338, %get3A_339] {strides = array<i32>} : memref<3x80xi32, #tpu.memory_space<vmem>>, vector<1x16xi32>,
    %get3A_341 = vector.shape_cast %get3A_340 : vector<1x16xi32> to vector<16xi32>
    %get3A_342 = arith.constant 2 : i32
    %get3A_343 = arith.index_cast %get3A_342 : i32 to index
    %get3A_344 = arith.constant 16 : index
    %get3A_345 = tpu.vector_load %arg9[%get3A_343, %get3A_344] {strides = array<i32>} : memref<3x80xi32, #tpu.memory_space<vmem>>, vector<1x16xi32>,
    %get3A_346 = vector.shape_cast %get3A_345 : vector<1x16xi32> to vector<16xi32>
    %add3A_347 = vector.broadcast %mul3A_0 : i32 to vector<16xi32>
    %add3A_348 = arith.addi %get3A_336, %add3A_347 : vector<16xi32>
    %swap3A_349 = arith.constant 16 : index
    %swap3A_350 = tpu.vector_load %arg15[%swap3A_349] {strides = array<i32>} : memref<80xi32, #tpu.memory_space<vmem>>, vector<16xi32>,
    %swap3A_351 = vector.shape_cast %swap3A_350 : vector<16xi32> to vector<16xi32>
    %swap3A_352 = vector.shape_cast %add3A_348 : vector<16xi32> to vector<16xi32>
    tpu.vector_store %arg15[%swap3A_349], %swap3A_352 {strides = array<i32>} : memref<80xi32, #tpu.memory_space<vmem>>, vector<16xi32>,
    %swap3A_353 = arith.constant 16 : index
    %swap3A_354 = tpu.vector_load %arg21[%swap3A_353] {strides = array<i32>} : memref<80xi32, #tpu.memory_space<vmem>>, vector<16xi32>,
    %swap3A_355 = vector.shape_cast %swap3A_354 : vector<16xi32> to vector<16xi32>
    %swap3A_356 = vector.shape_cast %get3A_341 : vector<16xi32> to vector<16xi32>
    tpu.vector_store %arg21[%swap3A_353], %swap3A_356 {strides = array<i32>} : memref<80xi32, #tpu.memory_space<vmem>>, vector<16xi32>,
    %mul3A_357 = arith.constant 64 : i32
    %mul3A_358 = vector.broadcast %mul3A_357 : i32 to vector<16xi32>
    %mul3A_359 = arith.muli %get3A_341, %mul3A_358 : vector<16xi32>
    %add3A_360 = arith.addi %mul3A_359, %get3A_346 : vector<16xi32>
    %swap3A_361 = arith.constant 16 : index
    %swap3A_362 = tpu.vector_load %arg27[%swap3A_361] {strides = array<i32>} : memref<80xi32, #tpu.memory_space<vmem>>, vector<16xi32>,
    %swap3A_363 = vector.shape_cast %swap3A_362 : vector<16xi32> to vector<16xi32>
    %swap3A_364 = vector.shape_cast %add3A_360 : vector<16xi32> to vector<16xi32>
    tpu.vector_store %arg27[%swap3A_361], %swap3A_364 {strides = array<i32>} : memref<80xi32, #tpu.memory_space<vmem>>, vector<16xi32>,
    %get3A_365 = arith.constant 0 : i32
    %get3A_366 = arith.index_cast %get3A_365 : i32 to index
    %get3A_367 = arith.constant 32 : index
    %get3A_368 = tpu.vector_load %arg9[%get3A_366, %get3A_367] {strides = array<i32>} : memref<3x80xi32, #tpu.memory_space<vmem>>, vector<1x16xi32>,
    %get3A_369 = vector.shape_cast %get3A_368 : vector<1x16xi32> to vector<16xi32>
    %get3A_370 = arith.constant 1 : i32
    %get3A_371 = arith.index_cast %get3A_370 : i32 to index
    %get3A_372 = arith.constant 32 : index
    %get3A_373 = tpu.vector_load %arg9[%get3A_371, %get3A_372] {strides = array<i32>} : memref<3x80xi32, #tpu.memory_space<vmem>>, vector<1x16xi32>,
    %get3A_374 = vector.shape_cast %get3A_373 : vector<1x16xi32> to vector<16xi32>
    %get3A_375 = arith.constant 2 : i32
    %get3A_376 = arith.index_cast %get3A_375 : i32 to index
    %get3A_377 = arith.constant 32 : index
    %get3A_378 = tpu.vector_load %arg9[%get3A_376, %get3A_377] {strides = array<i32>} : memref<3x80xi32, #tpu.memory_space<vmem>>, vector<1x16xi32>,
    %get3A_379 = vector.shape_cast %get3A_378 : vector<1x16xi32> to vector<16xi32>
    %add3A_380 = vector.broadcast %mul3A_0 : i32 to vector<16xi32>
    %add3A_381 = arith.addi %get3A_369, %add3A_380 : vector<16xi32>
    %swap3A_382 = arith.constant 32 : index
    %swap3A_383 = tpu.vector_load %arg15[%swap3A_382] {strides = array<i32>} : memref<80xi32, #tpu.memory_space<vmem>>, vector<16xi32>,
    %swap3A_384 = vector.shape_cast %swap3A_383 : vector<16xi32> to vector<16xi32>
    %swap3A_385 = vector.shape_cast %add3A_381 : vector<16xi32> to vector<16xi32>
    tpu.vector_store %arg15[%swap3A_382], %swap3A_385 {strides = array<i32>} : memref<80xi32, #tpu.memory_space<vmem>>, vector<16xi32>,
    %swap3A_386 = arith.constant 32 : index
    %swap3A_387 = tpu.vector_load %arg21[%swap3A_386] {strides = array<i32>} : memref<80xi32, #tpu.memory_space<vmem>>, vector<16xi32>,
    %swap3A_388 = vector.shape_cast %swap3A_387 : vector<16xi32> to vector<16xi32>
    %swap3A_389 = vector.shape_cast %get3A_374 : vector<16xi32> to vector<16xi32>
    tpu.vector_store %arg21[%swap3A_386], %swap3A_389 {strides = array<i32>} : memref<80xi32, #tpu.memory_space<vmem>>, vector<16xi32>,
    %mul3A_390 = arith.constant 64 : i32
    %mul3A_391 = vector.broadcast %mul3A_390 : i32 to vector<16xi32>
    %mul3A_392 = arith.muli %get3A_374, %mul3A_391 : vector<16xi32>
    %add3A_393 = arith.addi %mul3A_392, %get3A_379 : vector<16xi32>
    %swap3A_394 = arith.constant 32 : index
    %swap3A_395 = tpu.vector_load %arg27[%swap3A_394] {strides = array<i32>} : memref<80xi32, #tpu.memory_space<vmem>>, vector<16xi32>,
    %swap3A_396 = vector.shape_cast %swap3A_395 : vector<16xi32> to vector<16xi32>
    %swap3A_397 = vector.shape_cast %add3A_393 : vector<16xi32> to vector<16xi32>
    tpu.vector_store %arg27[%swap3A_394], %swap3A_397 {strides = array<i32>} : memref<80xi32, #tpu.memory_space<vmem>>, vector<16xi32>,
    %get3A_398 = arith.constant 0 : i32
    %get3A_399 = arith.index_cast %get3A_398 : i32 to index
    %get3A_400 = arith.constant 48 : index
    %get3A_401 = tpu.vector_load %arg9[%get3A_399, %get3A_400] {strides = array<i32>} : memref<3x80xi32, #tpu.memory_space<vmem>>, vector<1x16xi32>,
    %get3A_402 = vector.shape_cast %get3A_401 : vector<1x16xi32> to vector<16xi32>
    %get3A_403 = arith.constant 1 : i32
    %get3A_404 = arith.index_cast %get3A_403 : i32 to index
    %get3A_405 = arith.constant 48 : index
    %get3A_406 = tpu.vector_load %arg9[%get3A_404, %get3A_405] {strides = array<i32>} : memref<3x80xi32, #tpu.memory_space<vmem>>, vector<1x16xi32>,
    %get3A_407 = vector.shape_cast %get3A_406 : vector<1x16xi32> to vector<16xi32>
    %get3A_408 = arith.constant 2 : i32
    %get3A_409 = arith.index_cast %get3A_408 : i32 to index
    %get3A_410 = arith.constant 48 : index
    %get3A_411 = tpu.vector_load %arg9[%get3A_409, %get3A_410] {strides = array<i32>} : memref<3x80xi32, #tpu.memory_space<vmem>>, vector<1x16xi32>,
    %get3A_412 = vector.shape_cast %get3A_411 : vector<1x16xi32> to vector<16xi32>
    %add3A_413 = vector.broadcast %mul3A_0 : i32 to vector<16xi32>
    %add3A_414 = arith.addi %get3A_402, %add3A_413 : vector<16xi32>
    %swap3A_415 = arith.constant 48 : index
    %swap3A_416 = tpu.vector_load %arg15[%swap3A_415] {strides = array<i32>} : memref<80xi32, #tpu.memory_space<vmem>>, vector<16xi32>,
    %swap3A_417 = vector.shape_cast %swap3A_416 : vector<16xi32> to vector<16xi32>
    %swap3A_418 = vector.shape_cast %add3A_414 : vector<16xi32> to vector<16xi32>
    tpu.vector_store %arg15[%swap3A_415], %swap3A_418 {strides = array<i32>} : memref<80xi32, #tpu.memory_space<vmem>>, vector<16xi32>,
    %swap3A_419 = arith.constant 48 : index
    %swap3A_420 = tpu.vector_load %arg21[%swap3A_419] {strides = array<i32>} : memref<80xi32, #tpu.memory_space<vmem>>, vector<16xi32>,
    %swap3A_421 = vector.shape_cast %swap3A_420 : vector<16xi32> to vector<16xi32>
    %swap3A_422 = vector.shape_cast %get3A_407 : vector<16xi32> to vector<16xi32>
    tpu.vector_store %arg21[%swap3A_419], %swap3A_422 {strides = array<i32>} : memref<80xi32, #tpu.memory_space<vmem>>, vector<16xi32>,
    %mul3A_423 = arith.constant 64 : i32
    %mul3A_424 = vector.broadcast %mul3A_423 : i32 to vector<16xi32>
    %mul3A_425 = arith.muli %get3A_407, %mul3A_424 : vector<16xi32>
    %add3A_426 = arith.addi %mul3A_425, %get3A_412 : vector<16xi32>
    %swap3A_427 = arith.constant 48 : index
    %swap3A_428 = tpu.vector_load %arg27[%swap3A_427] {strides = array<i32>} : memref<80xi32, #tpu.memory_space<vmem>>, vector<16xi32>,
    %swap3A_429 = vector.shape_cast %swap3A_428 : vector<16xi32> to vector<16xi32>
    %swap3A_430 = vector.shape_cast %add3A_426 : vector<16xi32> to vector<16xi32>
    tpu.vector_store %arg27[%swap3A_427], %swap3A_430 {strides = array<i32>} : memref<80xi32, #tpu.memory_space<vmem>>, vector<16xi32>,
    %get3A_431 = arith.constant 0 : i32
    %get3A_432 = arith.index_cast %get3A_431 : i32 to index
    %get3A_433 = arith.constant 64 : index
    %get3A_434 = tpu.vector_load %arg9[%get3A_432, %get3A_433] {strides = array<i32>} : memref<3x80xi32, #tpu.memory_space<vmem>>, vector<1x16xi32>,
    %get3A_435 = vector.shape_cast %get3A_434 : vector<1x16xi32> to vector<16xi32>
    %get3A_436 = arith.constant 1 : i32
    %get3A_437 = arith.index_cast %get3A_436 : i32 to index
    %get3A_438 = arith.constant 64 : index
    %get3A_439 = tpu.vector_load %arg9[%get3A_437, %get3A_438] {strides = array<i32>} : memref<3x80xi32, #tpu.memory_space<vmem>>, vector<1x16xi32>,
    %get3A_440 = vector.shape_cast %get3A_439 : vector<1x16xi32> to vector<16xi32>
    %get3A_441 = arith.constant 2 : i32
    %get3A_442 = arith.index_cast %get3A_441 : i32 to index
    %get3A_443 = arith.constant 64 : index
    %get3A_444 = tpu.vector_load %arg9[%get3A_442, %get3A_443] {strides = array<i32>} : memref<3x80xi32, #tpu.memory_space<vmem>>, vector<1x16xi32>,
    %get3A_445 = vector.shape_cast %get3A_444 : vector<1x16xi32> to vector<16xi32>
    %add3A_446 = vector.broadcast %mul3A_0 : i32 to vector<16xi32>
    %add3A_447 = arith.addi %get3A_435, %add3A_446 : vector<16xi32>
    %swap3A_448 = arith.constant 64 : index
    %swap3A_449 = tpu.vector_load %arg15[%swap3A_448] {strides = array<i32>} : memref<80xi32, #tpu.memory_space<vmem>>, vector<16xi32>,
    %swap3A_450 = vector.shape_cast %swap3A_449 : vector<16xi32> to vector<16xi32>
    %swap3A_451 = vector.shape_cast %add3A_447 : vector<16xi32> to vector<16xi32>
    tpu.vector_store %arg15[%swap3A_448], %swap3A_451 {strides = array<i32>} : memref<80xi32, #tpu.memory_space<vmem>>, vector<16xi32>,
    %swap3A_452 = arith.constant 64 : index
    %swap3A_453 = tpu.vector_load %arg21[%swap3A_452] {strides = array<i32>} : memref<80xi32, #tpu.memory_space<vmem>>, vector<16xi32>,
    %swap3A_454 = vector.shape_cast %swap3A_453 : vector<16xi32> to vector<16xi32>
    %swap3A_455 = vector.shape_cast %get3A_440 : vector<16xi32> to vector<16xi32>
    tpu.vector_store %arg21[%swap3A_452], %swap3A_455 {strides = array<i32>} : memref<80xi32, #tpu.memory_space<vmem>>, vector<16xi32>,
    %mul3A_456 = arith.constant 64 : i32
    %mul3A_457 = vector.broadcast %mul3A_456 : i32 to vector<16xi32>
    %mul3A_458 = arith.muli %get3A_440, %mul3A_457 : vector<16xi32>
    %add3A_459 = arith.addi %mul3A_458, %get3A_445 : vector<16xi32>
    %swap3A_460 = arith.constant 64 : index
    %swap3A_461 = tpu.vector_load %arg27[%swap3A_460] {strides = array<i32>} : memref<80xi32, #tpu.memory_space<vmem>>, vector<16xi32>,
    %swap3A_462 = vector.shape_cast %swap3A_461 : vector<16xi32> to vector<16xi32>
    %swap3A_463 = vector.shape_cast %add3A_459 : vector<16xi32> to vector<16xi32>
    tpu.vector_store %arg27[%swap3A_460], %swap3A_463 {strides = array<i32>} : memref<80xi32, #tpu.memory_space<vmem>>, vector<16xi32>,
    %dma_start3A_464 = arith.constant 0 : i32
    %dma_start3A_465 = arith.constant 0 : i32
    %dma_start3A_466 = tpu.memref_slice %arg2[%dma_start3A_464, %dma_start3A_465] : memref<20000x64xf32, #tpu.memory_space<hbm>> -> memref<20000x64xf32, #tpu.memory_space<hbm>>
    tpu.enqueue_indirect_dma source(%dma_start3A_466 : memref<20000x64xf32, #tpu.memory_space<hbm>>) target(%arg33 : memref<80x64xf32, #tpu.memory_space<vmem>>) offsets(%arg15 : memref<80xi32, #tpu.memory_space<vmem>>) semaphore(%arg48 : memref<!tpu.dma_semaphore, #tpu.memory_space<semaphore_mem>>)
    %dma_start3A_467 = arith.constant 7 : i32
    %dma_start3A_468 = arith.constant 0 : i32
    %dma_start3A_469 = arith.constant 0 : i32
    %dma_start3A_470 = tpu.memref_slice %arg3[%arg1, %dma_start3A_467, %dma_start3A_468, %dma_start3A_469] : memref<16x250x3x80xi32, #tpu.memory_space<hbm>> -> memref<1x1x3x80xi32, #tpu.memory_space<hbm>>
    %dma_start3A_471 = tpu.memref_squeeze %dma_start3A_470 : memref<1x1x3x80xi32, #tpu.memory_space<hbm>> -> memref<3x80xi32, #tpu.memory_space<hbm>>
    %dma_start3A_472 = arith.constant 0 : i32
    %dma_start3A_473 = arith.constant 0 : i32
    %dma_start3A_474 = tpu.memref_slice %arg3[%arg1, %dma_start3A_467, %dma_start3A_472, %dma_start3A_473] : memref<16x250x3x80xi32, #tpu.memory_space<hbm>> -> memref<1x1x3x80xi32, #tpu.memory_space<hbm>>
    %dma_start3A_475 = tpu.memref_squeeze %dma_start3A_474 : memref<1x1x3x80xi32, #tpu.memory_space<hbm>> -> memref<3x80xi32, #tpu.memory_space<hbm>>
    tpu.enqueue_dma source(%dma_start3A_475 : memref<3x80xi32, #tpu.memory_space<hbm>>) target(%arg9 : memref<3x80xi32, #tpu.memory_space<vmem>>) target_semaphore(%arg42 : memref<!tpu.dma_semaphore, #tpu.memory_space<semaphore_mem>>)
    %dma_wait3A_476 = arith.constant 0 : i32
    %dma_wait3A_477 = arith.constant 0 : i32
    %dma_wait3A_478 = arith.constant 0 : i32
    %dma_wait3A_479 = tpu.memref_slice %arg3[%arg1, %dma_wait3A_476, %dma_wait3A_477, %dma_wait3A_478] : memref<16x250x3x80xi32, #tpu.memory_space<hbm>> -> memref<1x1x3x80xi32, #tpu.memory_space<hbm>>
    %dma_wait3A_480 = tpu.memref_squeeze %dma_wait3A_479 : memref<1x1x3x80xi32, #tpu.memory_space<hbm>> -> memref<3x80xi32, #tpu.memory_space<hbm>>
    %dma_wait3A_481 = arith.constant 0 : i32
    %dma_wait3A_482 = arith.constant 0 : i32
    %dma_wait3A_483 = tpu.memref_slice %arg3[%arg1, %dma_wait3A_476, %dma_wait3A_481, %dma_wait3A_482] : memref<16x250x3x80xi32, #tpu.memory_space<hbm>> -> memref<1x1x3x80xi32, #tpu.memory_space<hbm>>
    %dma_wait3A_484 = tpu.memref_squeeze %dma_wait3A_483 : memref<1x1x3x80xi32, #tpu.memory_space<hbm>> -> memref<3x80xi32, #tpu.memory_space<hbm>>
    tpu.wait_dma2 semaphore(%arg43 : memref<!tpu.dma_semaphore, #tpu.memory_space<semaphore_mem>>) src(%dma_wait3A_484 : memref<3x80xi32, #tpu.memory_space<hbm>>) dst(%arg10 : memref<3x80xi32, #tpu.memory_space<vmem>>)
    %get3A_485 = arith.constant 0 : i32
    %get3A_486 = arith.index_cast %get3A_485 : i32 to index
    %get3A_487 = arith.constant 0 : index
    %get3A_488 = tpu.vector_load %arg10[%get3A_486, %get3A_487] {strides = array<i32>} : memref<3x80xi32, #tpu.memory_space<vmem>>, vector<1x16xi32>,
    %get3A_489 = vector.shape_cast %get3A_488 : vector<1x16xi32> to vector<16xi32>
    %get3A_490 = arith.constant 1 : i32
    %get3A_491 = arith.index_cast %get3A_490 : i32 to index
    %get3A_492 = arith.constant 0 : index
    %get3A_493 = tpu.vector_load %arg10[%get3A_491, %get3A_492] {strides = array<i32>} : memref<3x80xi32, #tpu.memory_space<vmem>>, vector<1x16xi32>,
    %get3A_494 = vector.shape_cast %get3A_493 : vector<1x16xi32> to vector<16xi32>
    %get3A_495 = arith.constant 2 : i32
    %get3A_496 = arith.index_cast %get3A_495 : i32 to index
    %get3A_497 = arith.constant 0 : index
    %get3A_498 = tpu.vector_load %arg10[%get3A_496, %get3A_497] {strides = array<i32>} : memref<3x80xi32, #tpu.memory_space<vmem>>, vector<1x16xi32>,
    %get3A_499 = vector.shape_cast %get3A_498 : vector<1x16xi32> to vector<16xi32>
    %add3A_500 = vector.broadcast %mul3A_0 : i32 to vector<16xi32>
    %add3A_501 = arith.addi %get3A_489, %add3A_500 : vector<16xi32>
    %swap3A_502 = arith.constant 0 : index
    %swap3A_503 = tpu.vector_load %arg16[%swap3A_502] {strides = array<i32>} : memref<80xi32, #tpu.memory_space<vmem>>, vector<16xi32>,
    %swap3A_504 = vector.shape_cast %swap3A_503 : vector<16xi32> to vector<16xi32>
    %swap3A_505 = vector.shape_cast %add3A_501 : vector<16xi32> to vector<16xi32>
    tpu.vector_store %arg16[%swap3A_502], %swap3A_505 {strides = array<i32>} : memref<80xi32, #tpu.memory_space<vmem>>, vector<16xi32>,
    %swap3A_506 = arith.constant 0 : index
    %swap3A_507 = tpu.vector_load %arg22[%swap3A_506] {strides = array<i32>} : memref<80xi32, #tpu.memory_space<vmem>>, vector<16xi32>,
    %swap3A_508 = vector.shape_cast %swap3A_507 : vector<16xi32> to vector<16xi32>
    %swap3A_509 = vector.shape_cast %get3A_494 : vector<16xi32> to vector<16xi32>
    tpu.vector_store %arg22[%swap3A_506], %swap3A_509 {strides = array<i32>} : memref<80xi32, #tpu.memory_space<vmem>>, vector<16xi32>,
    %mul3A_510 = arith.constant 64 : i32
    %mul3A_511 = vector.broadcast %mul3A_510 : i32 to vector<16xi32>
    %mul3A_512 = arith.muli %get3A_494, %mul3A_511 : vector<16xi32>
    %add3A_513 = arith.addi %mul3A_512, %get3A_499 : vector<16xi32>
    %swap3A_514 = arith.constant 0 : index
    %swap3A_515 = tpu.vector_load %arg28[%swap3A_514] {strides = array<i32>} : memref<80xi32, #tpu.memory_space<vmem>>, vector<16xi32>,
    %swap3A_516 = vector.shape_cast %swap3A_515 : vector<16xi32> to vector<16xi32>
    %swap3A_517 = vector.shape_cast %add3A_513 : vector<16xi32> to vector<16xi32>
    tpu.vector_store %arg28[%swap3A_514], %swap3A_517 {strides = array<i32>} : memref<80xi32, #tpu.memory_space<vmem>>, vector<16xi32>,
    %get3A_518 = arith.constant 0 : i32
    %get3A_519 = arith.index_cast %get3A_518 : i32 to index
    %get3A_520 = arith.constant 16 : index
    %get3A_521 = tpu.vector_load %arg10[%get3A_519, %get3A_520] {strides = array<i32>} : memref<3x80xi32, #tpu.memory_space<vmem>>, vector<1x16xi32>,
    %get3A_522 = vector.shape_cast %get3A_521 : vector<1x16xi32> to vector<16xi32>
    %get3A_523 = arith.constant 1 : i32
    %get3A_524 = arith.index_cast %get3A_523 : i32 to index
    %get3A_525 = arith.constant 16 : index
    %get3A_526 = tpu.vector_load %arg10[%get3A_524, %get3A_525] {strides = array<i32>} : memref<3x80xi32, #tpu.memory_space<vmem>>, vector<1x16xi32>,
    %get3A_527 = vector.shape_cast %get3A_526 : vector<1x16xi32> to vector<16xi32>
    %get3A_528 = arith.constant 2 : i32
    %get3A_529 = arith.index_cast %get3A_528 : i32 to index
    %get3A_530 = arith.constant 16 : index
    %get3A_531 = tpu.vector_load %arg10[%get3A_529, %get3A_530] {strides = array<i32>} : memref<3x80xi32, #tpu.memory_space<vmem>>, vector<1x16xi32>,
    %get3A_532 = vector.shape_cast %get3A_531 : vector<1x16xi32> to vector<16xi32>
    %add3A_533 = vector.broadcast %mul3A_0 : i32 to vector<16xi32>
    %add3A_534 = arith.addi %get3A_522, %add3A_533 : vector<16xi32>
    %swap3A_535 = arith.constant 16 : index
    %swap3A_536 = tpu.vector_load %arg16[%swap3A_535] {strides = array<i32>} : memref<80xi32, #tpu.memory_space<vmem>>, vector<16xi32>,
    %swap3A_537 = vector.shape_cast %swap3A_536 : vector<16xi32> to vector<16xi32>
    %swap3A_538 = vector.shape_cast %add3A_534 : vector<16xi32> to vector<16xi32>
    tpu.vector_store %arg16[%swap3A_535], %swap3A_538 {strides = array<i32>} : memref<80xi32, #tpu.memory_space<vmem>>, vector<16xi32>,
    %swap3A_539 = arith.constant 16 : index
    %swap3A_540 = tpu.vector_load %arg22[%swap3A_539] {strides = array<i32>} : memref<80xi32, #tpu.memory_space<vmem>>, vector<16xi32>,
    %swap3A_541 = vector.shape_cast %swap3A_540 : vector<16xi32> to vector<16xi32>
    %swap3A_542 = vector.shape_cast %get3A_527 : vector<16xi32> to vector<16xi32>
    tpu.vector_store %arg22[%swap3A_539], %swap3A_542 {strides = array<i32>} : memref<80xi32, #tpu.memory_space<vmem>>, vector<16xi32>,
    %mul3A_543 = arith.constant 64 : i32
    %mul3A_544 = vector.broadcast %mul3A_543 : i32 to vector<16xi32>
    %mul3A_545 = arith.muli %get3A_527, %mul3A_544 : vector<16xi32>
    %add3A_546 = arith.addi %mul3A_545, %get3A_532 : vector<16xi32>
    %swap3A_547 = arith.constant 16 : index
    %swap3A_548 = tpu.vector_load %arg28[%swap3A_547] {strides = array<i32>} : memref<80xi32, #tpu.memory_space<vmem>>, vector<16xi32>,
    %swap3A_549 = vector.shape_cast %swap3A_548 : vector<16xi32> to vector<16xi32>
    %swap3A_550 = vector.shape_cast %add3A_546 : vector<16xi32> to vector<16xi32>
    tpu.vector_store %arg28[%swap3A_547], %swap3A_550 {strides = array<i32>} : memref<80xi32, #tpu.memory_space<vmem>>, vector<16xi32>,
    %get3A_551 = arith.constant 0 : i32
    %get3A_552 = arith.index_cast %get3A_551 : i32 to index
    %get3A_553 = arith.constant 32 : index
    %get3A_554 = tpu.vector_load %arg10[%get3A_552, %get3A_553] {strides = array<i32>} : memref<3x80xi32, #tpu.memory_space<vmem>>, vector<1x16xi32>,
    %get3A_555 = vector.shape_cast %get3A_554 : vector<1x16xi32> to vector<16xi32>
    %get3A_556 = arith.constant 1 : i32
    %get3A_557 = arith.index_cast %get3A_556 : i32 to index
    %get3A_558 = arith.constant 32 : index
    %get3A_559 = tpu.vector_load %arg10[%get3A_557, %get3A_558] {strides = array<i32>} : memref<3x80xi32, #tpu.memory_space<vmem>>, vector<1x16xi32>,
    %get3A_560 = vector.shape_cast %get3A_559 : vector<1x16xi32> to vector<16xi32>
    %get3A_561 = arith.constant 2 : i32
    %get3A_562 = arith.index_cast %get3A_561 : i32 to index
    %get3A_563 = arith.constant 32 : index
    %get3A_564 = tpu.vector_load %arg10[%get3A_562, %get3A_563] {strides = array<i32>} : memref<3x80xi32, #tpu.memory_space<vmem>>, vector<1x16xi32>,
    %get3A_565 = vector.shape_cast %get3A_564 : vector<1x16xi32> to vector<16xi32>
    %add3A_566 = vector.broadcast %mul3A_0 : i32 to vector<16xi32>
    %add3A_567 = arith.addi %get3A_555, %add3A_566 : vector<16xi32>
    %swap3A_568 = arith.constant 32 : index
    %swap3A_569 = tpu.vector_load %arg16[%swap3A_568] {strides = array<i32>} : memref<80xi32, #tpu.memory_space<vmem>>, vector<16xi32>,
    %swap3A_570 = vector.shape_cast %swap3A_569 : vector<16xi32> to vector<16xi32>
    %swap3A_571 = vector.shape_cast %add3A_567 : vector<16xi32> to vector<16xi32>
    tpu.vector_store %arg16[%swap3A_568], %swap3A_571 {strides = array<i32>} : memref<80xi32, #tpu.memory_space<vmem>>, vector<16xi32>,
    %swap3A_572 = arith.constant 32 : index
    %swap3A_573 = tpu.vector_load %arg22[%swap3A_572] {strides = array<i32>} : memref<80xi32, #tpu.memory_space<vmem>>, vector<16xi32>,
    %swap3A_574 = vector.shape_cast %swap3A_573 : vector<16xi32> to vector<16xi32>
    %swap3A_575 = vector.shape_cast %get3A_560 : vector<16xi32> to vector<16xi32>
    tpu.vector_store %arg22[%swap3A_572], %swap3A_575 {strides = array<i32>} : memref<80xi32, #tpu.memory_space<vmem>>, vector<16xi32>,
    %mul3A_576 = arith.constant 64 : i32
    %mul3A_577 = vector.broadcast %mul3A_576 : i32 to vector<16xi32>
    %mul3A_578 = arith.muli %get3A_560, %mul3A_577 : vector<16xi32>
    %add3A_579 = arith.addi %mul3A_578, %get3A_565 : vector<16xi32>
    %swap3A_580 = arith.constant 32 : index
    %swap3A_581 = tpu.vector_load %arg28[%swap3A_580] {strides = array<i32>} : memref<80xi32, #tpu.memory_space<vmem>>, vector<16xi32>,
    %swap3A_582 = vector.shape_cast %swap3A_581 : vector<16xi32> to vector<16xi32>
    %swap3A_583 = vector.shape_cast %add3A_579 : vector<16xi32> to vector<16xi32>
    tpu.vector_store %arg28[%swap3A_580], %swap3A_583 {strides = array<i32>} : memref<80xi32, #tpu.memory_space<vmem>>, vector<16xi32>,
    %get3A_584 = arith.constant 0 : i32
    %get3A_585 = arith.index_cast %get3A_584 : i32 to index
    %get3A_586 = arith.constant 48 : index
    %get3A_587 = tpu.vector_load %arg10[%get3A_585, %get3A_586] {strides = array<i32>} : memref<3x80xi32, #tpu.memory_space<vmem>>, vector<1x16xi32>,
    %get3A_588 = vector.shape_cast %get3A_587 : vector<1x16xi32> to vector<16xi32>
    %get3A_589 = arith.constant 1 : i32
    %get3A_590 = arith.index_cast %get3A_589 : i32 to index
    %get3A_591 = arith.constant 48 : index
    %get3A_592 = tpu.vector_load %arg10[%get3A_590, %get3A_591] {strides = array<i32>} : memref<3x80xi32, #tpu.memory_space<vmem>>, vector<1x16xi32>,
    %get3A_593 = vector.shape_cast %get3A_592 : vector<1x16xi32> to vector<16xi32>
    %get3A_594 = arith.constant 2 : i32
    %get3A_595 = arith.index_cast %get3A_594 : i32 to index
    %get3A_596 = arith.constant 48 : index
    %get3A_597 = tpu.vector_load %arg10[%get3A_595, %get3A_596] {strides = array<i32>} : memref<3x80xi32, #tpu.memory_space<vmem>>, vector<1x16xi32>,
    %get3A_598 = vector.shape_cast %get3A_597 : vector<1x16xi32> to vector<16xi32>
    %add3A_599 = vector.broadcast %mul3A_0 : i32 to vector<16xi32>
    %add3A_600 = arith.addi %get3A_588, %add3A_599 : vector<16xi32>
    %swap3A_601 = arith.constant 48 : index
    %swap3A_602 = tpu.vector_load %arg16[%swap3A_601] {strides = array<i32>} : memref<80xi32, #tpu.memory_space<vmem>>, vector<16xi32>,
    %swap3A_603 = vector.shape_cast %swap3A_602 : vector<16xi32> to vector<16xi32>
    %swap3A_604 = vector.shape_cast %add3A_600 : vector<16xi32> to vector<16xi32>
    tpu.vector_store %arg16[%swap3A_601], %swap3A_604 {strides = array<i32>} : memref<80xi32, #tpu.memory_space<vmem>>, vector<16xi32>,
    %swap3A_605 = arith.constant 48 : index
    %swap3A_606 = tpu.vector_load %arg22[%swap3A_605] {strides = array<i32>} : memref<80xi32, #tpu.memory_space<vmem>>, vector<16xi32>,
    %swap3A_607 = vector.shape_cast %swap3A_606 : vector<16xi32> to vector<16xi32>
    %swap3A_608 = vector.shape_cast %get3A_593 : vector<16xi32> to vector<16xi32>
    tpu.vector_store %arg22[%swap3A_605], %swap3A_608 {strides = array<i32>} : memref<80xi32, #tpu.memory_space<vmem>>, vector<16xi32>,
    %mul3A_609 = arith.constant 64 : i32
    %mul3A_610 = vector.broadcast %mul3A_609 : i32 to vector<16xi32>
    %mul3A_611 = arith.muli %get3A_593, %mul3A_610 : vector<16xi32>
    %add3A_612 = arith.addi %mul3A_611, %get3A_598 : vector<16xi32>
    %swap3A_613 = arith.constant 48 : index
    %swap3A_614 = tpu.vector_load %arg28[%swap3A_613] {strides = array<i32>} : memref<80xi32, #tpu.memory_space<vmem>>, vector<16xi32>,
    %swap3A_615 = vector.shape_cast %swap3A_614 : vector<16xi32> to vector<16xi32>
    %swap3A_616 = vector.shape_cast %add3A_612 : vector<16xi32> to vector<16xi32>
    tpu.vector_store %arg28[%swap3A_613], %swap3A_616 {strides = array<i32>} : memref<80xi32, #tpu.memory_space<vmem>>, vector<16xi32>,
    %get3A_617 = arith.constant 0 : i32
    %get3A_618 = arith.index_cast %get3A_617 : i32 to index
    %get3A_619 = arith.constant 64 : index
    %get3A_620 = tpu.vector_load %arg10[%get3A_618, %get3A_619] {strides = array<i32>} : memref<3x80xi32, #tpu.memory_space<vmem>>, vector<1x16xi32>,
    %get3A_621 = vector.shape_cast %get3A_620 : vector<1x16xi32> to vector<16xi32>
    %get3A_622 = arith.constant 1 : i32
    %get3A_623 = arith.index_cast %get3A_622 : i32 to index
    %get3A_624 = arith.constant 64 : index
    %get3A_625 = tpu.vector_load %arg10[%get3A_623, %get3A_624] {strides = array<i32>} : memref<3x80xi32, #tpu.memory_space<vmem>>, vector<1x16xi32>,
    %get3A_626 = vector.shape_cast %get3A_625 : vector<1x16xi32> to vector<16xi32>
    %get3A_627 = arith.constant 2 : i32
    %get3A_628 = arith.index_cast %get3A_627 : i32 to index
    %get3A_629 = arith.constant 64 : index
    %get3A_630 = tpu.vector_load %arg10[%get3A_628, %get3A_629] {strides = array<i32>} : memref<3x80xi32, #tpu.memory_space<vmem>>, vector<1x16xi32>,
    %get3A_631 = vector.shape_cast %get3A_630 : vector<1x16xi32> to vector<16xi32>
    %add3A_632 = vector.broadcast %mul3A_0 : i32 to vector<16xi32>
    %add3A_633 = arith.addi %get3A_621, %add3A_632 : vector<16xi32>
    %swap3A_634 = arith.constant 64 : index
    %swap3A_635 = tpu.vector_load %arg16[%swap3A_634] {strides = array<i32>} : memref<80xi32, #tpu.memory_space<vmem>>, vector<16xi32>,
    %swap3A_636 = vector.shape_cast %swap3A_635 : vector<16xi32> to vector<16xi32>
    %swap3A_637 = vector.shape_cast %add3A_633 : vector<16xi32> to vector<16xi32>
    tpu.vector_store %arg16[%swap3A_634], %swap3A_637 {strides = array<i32>} : memref<80xi32, #tpu.memory_space<vmem>>, vector<16xi32>,
    %swap3A_638 = arith.constant 64 : index
    %swap3A_639 = tpu.vector_load %arg22[%swap3A_638] {strides = array<i32>} : memref<80xi32, #tpu.memory_space<vmem>>, vector<16xi32>,
    %swap3A_640 = vector.shape_cast %swap3A_639 : vector<16xi32> to vector<16xi32>
    %swap3A_641 = vector.shape_cast %get3A_626 : vector<16xi32> to vector<16xi32>
    tpu.vector_store %arg22[%swap3A_638], %swap3A_641 {strides = array<i32>} : memref<80xi32, #tpu.memory_space<vmem>>, vector<16xi32>,
    %mul3A_642 = arith.constant 64 : i32
    %mul3A_643 = vector.broadcast %mul3A_642 : i32 to vector<16xi32>
    %mul3A_644 = arith.muli %get3A_626, %mul3A_643 : vector<16xi32>
    %add3A_645 = arith.addi %mul3A_644, %get3A_631 : vector<16xi32>
    %swap3A_646 = arith.constant 64 : index
    %swap3A_647 = tpu.vector_load %arg28[%swap3A_646] {strides = array<i32>} : memref<80xi32, #tpu.memory_space<vmem>>, vector<16xi32>,
    %swap3A_648 = vector.shape_cast %swap3A_647 : vector<16xi32> to vector<16xi32>
    %swap3A_649 = vector.shape_cast %add3A_645 : vector<16xi32> to vector<16xi32>
    tpu.vector_store %arg28[%swap3A_646], %swap3A_649 {strides = array<i32>} : memref<80xi32, #tpu.memory_space<vmem>>, vector<16xi32>,
    %dma_start3A_650 = arith.constant 0 : i32
    %dma_start3A_651 = arith.constant 0 : i32
    %dma_start3A_652 = tpu.memref_slice %arg2[%dma_start3A_650, %dma_start3A_651] : memref<20000x64xf32, #tpu.memory_space<hbm>> -> memref<20000x64xf32, #tpu.memory_space<hbm>>
    tpu.enqueue_indirect_dma source(%dma_start3A_652 : memref<20000x64xf32, #tpu.memory_space<hbm>>) target(%arg34 : memref<80x64xf32, #tpu.memory_space<vmem>>) offsets(%arg16 : memref<80xi32, #tpu.memory_space<vmem>>) semaphore(%arg49 : memref<!tpu.dma_semaphore, #tpu.memory_space<semaphore_mem>>)
    %dma_start3A_653 = arith.constant 8 : i32
    %dma_start3A_654 = arith.constant 0 : i32
    %dma_start3A_655 = arith.constant 0 : i32
    %dma_start3A_656 = tpu.memref_slice %arg3[%arg1, %dma_start3A_653, %dma_start3A_654, %dma_start3A_655] : memref<16x250x3x80xi32, #tpu.memory_space<hbm>> -> memref<1x1x3x80xi32, #tpu.memory_space<hbm>>
    %dma_start3A_657 = tpu.memref_squeeze %dma_start3A_656 : memref<1x1x3x80xi32, #tpu.memory_space<hbm>> -> memref<3x80xi32, #tpu.memory_space<hbm>>
    %dma_start3A_658 = arith.constant 0 : i32
    %dma_start3A_659 = arith.constant 0 : i32
    %dma_start3A_660 = tpu.memref_slice %arg3[%arg1, %dma_start3A_653, %dma_start3A_658, %dma_start3A_659] : memref<16x250x3x80xi32, #tpu.memory_space<hbm>> -> memref<1x1x3x80xi32, #tpu.memory_space<hbm>>
    %dma_start3A_661 = tpu.memref_squeeze %dma_start3A_660 : memref<1x1x3x80xi32, #tpu.memory_space<hbm>> -> memref<3x80xi32, #tpu.memory_space<hbm>>
    tpu.enqueue_dma source(%dma_start3A_661 : memref<3x80xi32, #tpu.memory_space<hbm>>) target(%arg10 : memref<3x80xi32, #tpu.memory_space<vmem>>) target_semaphore(%arg43 : memref<!tpu.dma_semaphore, #tpu.memory_space<semaphore_mem>>)
    %scan3A_662 = arith.constant 0 : i32
    %scan3A_663 = arith.constant 0 : i32
    %scan3A_664 = arith.constant 6 : i32
    %scan3A_665 = arith.addi %scan3A_663, %scan3A_664 : i32
    %scan3A_666 = arith.constant 1 : i32
    scf.for %scan3A_747 = %scan3A_663 to %scan3A_665 step %scan3A_666  : i32 {
      %mul3A_748 = arith.constant 624 : i32
      %mul3A_749 = arith.muli %arg1, %mul3A_748 : i32
      %mul3A_750 = arith.constant 104 : i32
      %mul3A_751 = arith.muli %scan3A_747, %mul3A_750 : i32
      %add3A_752 = arith.addi %mul3A_749, %mul3A_751 : i32
      %dma_wait3A_753 = arith.constant 0 : i32
      %dma_wait3A_754 = tpu.memref_slice %arg6[%add3A_752, %dma_wait3A_753] : memref<10000x64xf32, #tpu.memory_space<vmem_shared>> -> memref<104x64xf32, #tpu.memory_space<vmem_shared>>
      %dma_wait3A_755 = arith.constant 0 : i32
      %dma_wait3A_756 = tpu.memref_slice %arg6[%add3A_752, %dma_wait3A_755] : memref<10000x64xf32, #tpu.memory_space<vmem_shared>> -> memref<104x64xf32, #tpu.memory_space<vmem_shared>>
      tpu.wait_dma2 semaphore(%arg65 : memref<!tpu.dma_semaphore, #tpu.memory_space<semaphore_mem>>) src(%arg39 : memref<104x64xf32, #tpu.memory_space<vmem>>) dst(%dma_wait3A_756 : memref<104x64xf32, #tpu.memory_space<vmem_shared>>)
    }
    %scan3A_667 = arith.constant 6 : i32
    %scan3A_668 = arith.constant 0 : i32
    %scan3A_669 = arith.constant 0 : i32
    %scan3A_670 = arith.constant 8 : i32
    %scan3A_671 = arith.addi %scan3A_669, %scan3A_670 : i32
    %scan3A_672 = arith.constant 1 : i32
    scf.for %scan3A_747 = %scan3A_669 to %scan3A_671 step %scan3A_672  : i32 {
      %mul3A_748 = arith.constant 39936 : i32
      %mul3A_749 = arith.muli %arg1, %mul3A_748 : i32
      %mul3A_750 = arith.constant 4992 : i32
      %mul3A_751 = arith.muli %scan3A_747, %mul3A_750 : i32
      %add3A_752 = arith.addi %mul3A_749, %mul3A_751 : i32
      %dma_wait3A_753 = tpu.memref_slice %arg7[%add3A_752] : memref<640000xf32, #tpu.memory_space<vmem_shared>> -> memref<4992xf32, #tpu.memory_space<vmem_shared>>
      %dma_wait3A_754 = tpu.memref_slice %arg7[%add3A_752] : memref<640000xf32, #tpu.memory_space<vmem_shared>> -> memref<4992xf32, #tpu.memory_space<vmem_shared>>
      tpu.wait_dma2 semaphore(%arg65 : memref<!tpu.dma_semaphore, #tpu.memory_space<semaphore_mem>>) src(%arg40 : memref<4992xf32, #tpu.memory_space<vmem>>) dst(%dma_wait3A_754 : memref<4992xf32, #tpu.memory_space<vmem_shared>>)
    }
    %scan3A_673 = arith.constant 8 : i32
    %eq3A_674 = arith.constant 15 : i32
    %eq3A_675 = arith.cmpi eq, %arg1, %eq3A_674 : i32
    %convert_element_type3A_676 = arith.extui %eq3A_675 : i1 to i32
    %cond3A_677 = arith.constant 0 : i32
    %cond3A_678 = arith.cmpi ne, %convert_element_type3A_676, %cond3A_677 : i32
    scf.if %cond3A_678 {
      %dma_wait3A_747 = arith.constant 0 : i32
      %dma_wait3A_748 = arith.constant 0 : i32
      %dma_wait3A_749 = tpu.memref_slice %arg39[%dma_wait3A_747, %dma_wait3A_748] : memref<104x64xf32, #tpu.memory_space<vmem>> -> memref<16x64xf32, #tpu.memory_space<vmem>>
      %dma_wait3A_750 = arith.constant 9984 : i32
      %dma_wait3A_751 = arith.constant 0 : i32
      %dma_wait3A_752 = tpu.memref_slice %arg6[%dma_wait3A_750, %dma_wait3A_751] : memref<10000x64xf32, #tpu.memory_space<vmem_shared>> -> memref<16x64xf32, #tpu.memory_space<vmem_shared>>
      %dma_wait3A_753 = arith.constant 9984 : i32
      %dma_wait3A_754 = arith.constant 0 : i32
      %dma_wait3A_755 = tpu.memref_slice %arg6[%dma_wait3A_753, %dma_wait3A_754] : memref<10000x64xf32, #tpu.memory_space<vmem_shared>> -> memref<16x64xf32, #tpu.memory_space<vmem_shared>>
      %dma_wait3A_756 = arith.constant 0 : i32
      %dma_wait3A_757 = arith.constant 0 : i32
      %dma_wait3A_758 = tpu.memref_slice %arg39[%dma_wait3A_756, %dma_wait3A_757] : memref<104x64xf32, #tpu.memory_space<vmem>> -> memref<16x64xf32, #tpu.memory_space<vmem>>
      tpu.wait_dma2 semaphore(%arg65 : memref<!tpu.dma_semaphore, #tpu.memory_space<semaphore_mem>>) src(%dma_wait3A_758 : memref<16x64xf32, #tpu.memory_space<vmem>>) dst(%dma_wait3A_755 : memref<16x64xf32, #tpu.memory_space<vmem_shared>>)
      %dma_wait3A_759 = arith.constant 0 : i32
      %dma_wait3A_760 = tpu.memref_slice %arg40[%dma_wait3A_759] : memref<4992xf32, #tpu.memory_space<vmem>> -> memref<1024xf32, #tpu.memory_space<vmem>>
      %dma_wait3A_761 = arith.constant 638976 : i32
      %dma_wait3A_762 = tpu.memref_slice %arg7[%dma_wait3A_761] : memref<640000xf32, #tpu.memory_space<vmem_shared>> -> memref<1024xf32, #tpu.memory_space<vmem_shared>>
      %dma_wait3A_763 = arith.constant 638976 : i32
      %dma_wait3A_764 = tpu.memref_slice %arg7[%dma_wait3A_763] : memref<640000xf32, #tpu.memory_space<vmem_shared>> -> memref<1024xf32, #tpu.memory_space<vmem_shared>>
      %dma_wait3A_765 = arith.constant 0 : i32
      %dma_wait3A_766 = tpu.memref_slice %arg40[%dma_wait3A_765] : memref<4992xf32, #tpu.memory_space<vmem>> -> memref<1024xf32, #tpu.memory_space<vmem>>
      tpu.wait_dma2 semaphore(%arg65 : memref<!tpu.dma_semaphore, #tpu.memory_space<semaphore_mem>>) src(%dma_wait3A_766 : memref<1024xf32, #tpu.memory_space<vmem>>) dst(%dma_wait3A_764 : memref<1024xf32, #tpu.memory_space<vmem_shared>>)
    } else {
    }
    %barrier3A = arith.constant 0 : index
    tpu.barrier barrier_id(%barrier3A)
    %scan3A_679 = arith.constant 0 : i32
    %scan3A_680 = arith.constant 0 : i32
    %scan3A_681 = arith.constant 42 : i32
    %scan3A_682 = arith.addi %scan3A_680, %scan3A_681 : i32
    %scan3A_683 = arith.constant 1 : i32
    scf.for %scan3A_747 = %scan3A_680 to %scan3A_682 step %scan3A_683  : i32 {
      %mul3A_748 = arith.constant 6 : i32
      %mul3A_749 = arith.muli %mul3A_748, %scan3A_747 : i32
      %add3A_750 = arith.constant 0 : i32
      %add3A_751 = arith.addi %mul3A_749, %add3A_750 : i32
      %lt3A = arith.constant 250 : i32
      %lt3A_752 = arith.cmpi slt, %add3A_751, %lt3A : i32
      %convert_element_type3A_753 = arith.extui %lt3A_752 : i1 to i32
      %cond3A_754 = arith.constant 0 : i32
      %cond3A_755 = arith.cmpi ne, %convert_element_type3A_753, %cond3A_754 : i32
      scf.if %cond3A_755 {
        %dma_wait3A_801 = arith.constant 0 : i32
        %dma_wait3A_802 = arith.constant 0 : i32
        %dma_wait3A_803 = tpu.memref_slice %arg2[%dma_wait3A_801, %dma_wait3A_802] : memref<20000x64xf32, #tpu.memory_space<hbm>> -> memref<20000x64xf32, #tpu.memory_space<hbm>>
        tpu.wait_indirect_dma semaphore(%arg47 : memref<!tpu.dma_semaphore, #tpu.memory_space<semaphore_mem>>) src(%dma_wait3A_803 : memref<20000x64xf32, #tpu.memory_space<hbm>>) dst(%arg32 : memref<80x64xf32, #tpu.memory_space<vmem>>)
        %dma_start3A_804 = arith.constant 0 : i32
        %dma_start3A_805 = arith.constant 0 : i32
        %dma_start3A_806 = tpu.memref_slice %arg6[%dma_start3A_804, %dma_start3A_805] : memref<10000x64xf32, #tpu.memory_space<vmem_shared>> -> memref<10000x64xf32, #tpu.memory_space<vmem_shared>>
        tpu.enqueue_indirect_dma source(%arg32 : memref<80x64xf32, #tpu.memory_space<vmem>>) target(%dma_start3A_806 : memref<10000x64xf32, #tpu.memory_space<vmem_shared>>) offsets(%arg20 : memref<80xi32, #tpu.memory_space<vmem>>) semaphore(%arg53 : memref<!tpu.dma_semaphore, #tpu.memory_space<semaphore_mem>>) {add = true}
        %eq3A_807 = arith.constant 0 : i32
        %eq3A_808 = arith.cmpi eq, %arg0, %eq3A_807 : i32
        %convert_element_type3A_809 = arith.extui %eq3A_808 : i1 to i32
        %cond3A_810 = arith.constant 0 : i32
        %cond3A_811 = arith.cmpi ne, %convert_element_type3A_809, %cond3A_810 : i32
        scf.if %cond3A_811 {
          %dma_start3A_819 = arith.constant 0 : i32
          %dma_start3A_820 = tpu.memref_slice %arg7[%dma_start3A_819] : memref<640000xf32, #tpu.memory_space<vmem_shared>> -> memref<640000xf32, #tpu.memory_space<vmem_shared>>
          tpu.enqueue_indirect_dma source(%arg38 : memref<80xf32, #tpu.memory_space<vmem>>) target(%dma_start3A_820 : memref<640000xf32, #tpu.memory_space<vmem_shared>>) offsets(%arg26 : memref<80xi32, #tpu.memory_space<vmem>>) semaphore(%arg59 : memref<!tpu.dma_semaphore, #tpu.memory_space<semaphore_mem>>) {add = true}
        } else {
        }
        %add3A_812 = arith.constant 3 : i32
        %add3A_813 = arith.addi %add3A_751, %add3A_812 : i32
        %lt3A_814 = arith.constant 250 : i32
        %lt3A_815 = arith.cmpi slt, %add3A_813, %lt3A_814 : i32
        %convert_element_type3A_816 = arith.extui %lt3A_815 : i1 to i32
        %cond3A_817 = arith.constant 0 : i32
        %cond3A_818 = arith.cmpi ne, %convert_element_type3A_816, %cond3A_817 : i32
        scf.if %cond3A_818 {
          %dma_wait3A_819 = arith.constant 0 : i32
          %dma_wait3A_820 = arith.constant 0 : i32
          %dma_wait3A_821 = arith.constant 0 : i32
          %dma_wait3A_822 = tpu.memref_slice %arg3[%arg1, %dma_wait3A_819, %dma_wait3A_820, %dma_wait3A_821] : memref<16x250x3x80xi32, #tpu.memory_space<hbm>> -> memref<1x1x3x80xi32, #tpu.memory_space<hbm>>
          %dma_wait3A_823 = tpu.memref_squeeze %dma_wait3A_822 : memref<1x1x3x80xi32, #tpu.memory_space<hbm>> -> memref<3x80xi32, #tpu.memory_space<hbm>>
          %dma_wait3A_824 = arith.constant 0 : i32
          %dma_wait3A_825 = arith.constant 0 : i32
          %dma_wait3A_826 = tpu.memref_slice %arg3[%arg1, %dma_wait3A_819, %dma_wait3A_824, %dma_wait3A_825] : memref<16x250x3x80xi32, #tpu.memory_space<hbm>> -> memref<1x1x3x80xi32, #tpu.memory_space<hbm>>
          %dma_wait3A_827 = tpu.memref_squeeze %dma_wait3A_826 : memref<1x1x3x80xi32, #tpu.memory_space<hbm>> -> memref<3x80xi32, #tpu.memory_space<hbm>>
          tpu.wait_dma2 semaphore(%arg44 : memref<!tpu.dma_semaphore, #tpu.memory_space<semaphore_mem>>) src(%dma_wait3A_827 : memref<3x80xi32, #tpu.memory_space<hbm>>) dst(%arg11 : memref<3x80xi32, #tpu.memory_space<vmem>>)
          %ge3A = arith.constant 6 : i32
          %ge3A_828 = arith.cmpi sge, %add3A_813, %ge3A : i32
          %convert_element_type3A_829 = arith.extui %ge3A_828 : i1 to i32
          %cond3A_830 = arith.constant 0 : i32
          %cond3A_831 = arith.cmpi ne, %convert_element_type3A_829, %cond3A_830 : i32
          scf.if %cond3A_831 {
            %dma_wait3A_1007 = arith.constant 0 : i32
            %dma_wait3A_1008 = arith.constant 0 : i32
            %dma_wait3A_1009 = tpu.memref_slice %arg6[%dma_wait3A_1007, %dma_wait3A_1008] : memref<10000x64xf32, #tpu.memory_space<vmem_shared>> -> memref<10000x64xf32, #tpu.memory_space<vmem_shared>>
            tpu.wait_indirect_dma semaphore(%arg56 : memref<!tpu.dma_semaphore, #tpu.memory_space<semaphore_mem>>) src(%arg35 : memref<80x64xf32, #tpu.memory_space<vmem>>) dst(%dma_wait3A_1009 : memref<10000x64xf32, #tpu.memory_space<vmem_shared>>)
            %eq3A_1010 = arith.constant 1 : i32
            %eq3A_1011 = arith.cmpi eq, %arg0, %eq3A_1010 : i32
            %convert_element_type3A_1012 = arith.extui %eq3A_1011 : i1 to i32
            %cond3A_1013 = arith.constant 0 : i32
            %cond3A_1014 = arith.cmpi ne, %convert_element_type3A_1012, %cond3A_1013 : i32
            scf.if %cond3A_1014 {
              %dma_wait3A_1015 = arith.constant 0 : i32
              %dma_wait3A_1016 = tpu.memref_slice %arg7[%dma_wait3A_1015] : memref<640000xf32, #tpu.memory_space<vmem_shared>> -> memref<640000xf32, #tpu.memory_space<vmem_shared>>
              tpu.wait_indirect_dma semaphore(%arg62 : memref<!tpu.dma_semaphore, #tpu.memory_space<semaphore_mem>>) src(%arg38 : memref<80xf32, #tpu.memory_space<vmem>>) dst(%dma_wait3A_1016 : memref<640000xf32, #tpu.memory_space<vmem_shared>>)
            } else {
            }
          } else {
          }
          %get3A_832 = arith.constant 0 : i32
          %get3A_833 = arith.index_cast %get3A_832 : i32 to index
          %get3A_834 = arith.constant 0 : index
          %get3A_835 = tpu.vector_load %arg11[%get3A_833, %get3A_834] {strides = array<i32>} : memref<3x80xi32, #tpu.memory_space<vmem>>, vector<1x16xi32>,
          %get3A_836 = vector.shape_cast %get3A_835 : vector<1x16xi32> to vector<16xi32>
          %get3A_837 = arith.constant 1 : i32
          %get3A_838 = arith.index_cast %get3A_837 : i32 to index
          %get3A_839 = arith.constant 0 : index
          %get3A_840 = tpu.vector_load %arg11[%get3A_838, %get3A_839] {strides = array<i32>} : memref<3x80xi32, #tpu.memory_space<vmem>>, vector<1x16xi32>,
          %get3A_841 = vector.shape_cast %get3A_840 : vector<1x16xi32> to vector<16xi32>
          %get3A_842 = arith.constant 2 : i32
          %get3A_843 = arith.index_cast %get3A_842 : i32 to index
          %get3A_844 = arith.constant 0 : index
          %get3A_845 = tpu.vector_load %arg11[%get3A_843, %get3A_844] {strides = array<i32>} : memref<3x80xi32, #tpu.memory_space<vmem>>, vector<1x16xi32>,
          %get3A_846 = vector.shape_cast %get3A_845 : vector<1x16xi32> to vector<16xi32>
          %add3A_847 = vector.broadcast %mul3A_0 : i32 to vector<16xi32>
          %add3A_848 = arith.addi %get3A_836, %add3A_847 : vector<16xi32>
          %swap3A_849 = arith.constant 0 : index
          %swap3A_850 = tpu.vector_load %arg17[%swap3A_849] {strides = array<i32>} : memref<80xi32, #tpu.memory_space<vmem>>, vector<16xi32>,
          %swap3A_851 = vector.shape_cast %swap3A_850 : vector<16xi32> to vector<16xi32>
          %swap3A_852 = vector.shape_cast %add3A_848 : vector<16xi32> to vector<16xi32>
          tpu.vector_store %arg17[%swap3A_849], %swap3A_852 {strides = array<i32>} : memref<80xi32, #tpu.memory_space<vmem>>, vector<16xi32>,
          %swap3A_853 = arith.constant 0 : index
          %swap3A_854 = tpu.vector_load %arg23[%swap3A_853] {strides = array<i32>} : memref<80xi32, #tpu.memory_space<vmem>>, vector<16xi32>,
          %swap3A_855 = vector.shape_cast %swap3A_854 : vector<16xi32> to vector<16xi32>
          %swap3A_856 = vector.shape_cast %get3A_841 : vector<16xi32> to vector<16xi32>
          tpu.vector_store %arg23[%swap3A_853], %swap3A_856 {strides = array<i32>} : memref<80xi32, #tpu.memory_space<vmem>>, vector<16xi32>,
          %mul3A_857 = arith.constant 64 : i32
          %mul3A_858 = vector.broadcast %mul3A_857 : i32 to vector<16xi32>
          %mul3A_859 = arith.muli %get3A_841, %mul3A_858 : vector<16xi32>
          %add3A_860 = arith.addi %mul3A_859, %get3A_846 : vector<16xi32>
          %swap3A_861 = arith.constant 0 : index
          %swap3A_862 = tpu.vector_load %arg29[%swap3A_861] {strides = array<i32>} : memref<80xi32, #tpu.memory_space<vmem>>, vector<16xi32>,
          %swap3A_863 = vector.shape_cast %swap3A_862 : vector<16xi32> to vector<16xi32>
          %swap3A_864 = vector.shape_cast %add3A_860 : vector<16xi32> to vector<16xi32>
          tpu.vector_store %arg29[%swap3A_861], %swap3A_864 {strides = array<i32>} : memref<80xi32, #tpu.memory_space<vmem>>, vector<16xi32>,
          %get3A_865 = arith.constant 0 : i32
          %get3A_866 = arith.index_cast %get3A_865 : i32 to index
          %get3A_867 = arith.constant 16 : index
          %get3A_868 = tpu.vector_load %arg11[%get3A_866, %get3A_867] {strides = array<i32>} : memref<3x80xi32, #tpu.memory_space<vmem>>, vector<1x16xi32>,
          %get3A_869 = vector.shape_cast %get3A_868 : vector<1x16xi32> to vector<16xi32>
          %get3A_870 = arith.constant 1 : i32
          %get3A_871 = arith.index_cast %get3A_870 : i32 to index
          %get3A_872 = arith.constant 16 : index
          %get3A_873 = tpu.vector_load %arg11[%get3A_871, %get3A_872] {strides = array<i32>} : memref<3x80xi32, #tpu.memory_space<vmem>>, vector<1x16xi32>,
          %get3A_874 = vector.shape_cast %get3A_873 : vector<1x16xi32> to vector<16xi32>
          %get3A_875 = arith.constant 2 : i32
          %get3A_876 = arith.index_cast %get3A_875 : i32 to index
          %get3A_877 = arith.constant 16 : index
          %get3A_878 = tpu.vector_load %arg11[%get3A_876, %get3A_877] {strides = array<i32>} : memref<3x80xi32, #tpu.memory_space<vmem>>, vector<1x16xi32>,
          %get3A_879 = vector.shape_cast %get3A_878 : vector<1x16xi32> to vector<16xi32>
          %add3A_880 = vector.broadcast %mul3A_0 : i32 to vector<16xi32>
          %add3A_881 = arith.addi %get3A_869, %add3A_880 : vector<16xi32>
          %swap3A_882 = arith.constant 16 : index
          %swap3A_883 = tpu.vector_load %arg17[%swap3A_882] {strides = array<i32>} : memref<80xi32, #tpu.memory_space<vmem>>, vector<16xi32>,
          %swap3A_884 = vector.shape_cast %swap3A_883 : vector<16xi32> to vector<16xi32>
          %swap3A_885 = vector.shape_cast %add3A_881 : vector<16xi32> to vector<16xi32>
          tpu.vector_store %arg17[%swap3A_882], %swap3A_885 {strides = array<i32>} : memref<80xi32, #tpu.memory_space<vmem>>, vector<16xi32>,
          %swap3A_886 = arith.constant 16 : index
          %swap3A_887 = tpu.vector_load %arg23[%swap3A_886] {strides = array<i32>} : memref<80xi32, #tpu.memory_space<vmem>>, vector<16xi32>,
          %swap3A_888 = vector.shape_cast %swap3A_887 : vector<16xi32> to vector<16xi32>
          %swap3A_889 = vector.shape_cast %get3A_874 : vector<16xi32> to vector<16xi32>
          tpu.vector_store %arg23[%swap3A_886], %swap3A_889 {strides = array<i32>} : memref<80xi32, #tpu.memory_space<vmem>>, vector<16xi32>,
          %mul3A_890 = arith.constant 64 : i32
          %mul3A_891 = vector.broadcast %mul3A_890 : i32 to vector<16xi32>
          %mul3A_892 = arith.muli %get3A_874, %mul3A_891 : vector<16xi32>
          %add3A_893 = arith.addi %mul3A_892, %get3A_879 : vector<16xi32>
          %swap3A_894 = arith.constant 16 : index
          %swap3A_895 = tpu.vector_load %arg29[%swap3A_894] {strides = array<i32>} : memref<80xi32, #tpu.memory_space<vmem>>, vector<16xi32>,
          %swap3A_896 = vector.shape_cast %swap3A_895 : vector<16xi32> to vector<16xi32>
          %swap3A_897 = vector.shape_cast %add3A_893 : vector<16xi32> to vector<16xi32>
          tpu.vector_store %arg29[%swap3A_894], %swap3A_897 {strides = array<i32>} : memref<80xi32, #tpu.memory_space<vmem>>, vector<16xi32>,
          %get3A_898 = arith.constant 0 : i32
          %get3A_899 = arith.index_cast %get3A_898 : i32 to index
          %get3A_900 = arith.constant 32 : index
          %get3A_901 = tpu.vector_load %arg11[%get3A_899, %get3A_900] {strides = array<i32>} : memref<3x80xi32, #tpu.memory_space<vmem>>, vector<1x16xi32>,
          %get3A_902 = vector.shape_cast %get3A_901 : vector<1x16xi32> to vector<16xi32>
          %get3A_903 = arith.constant 1 : i32
          %get3A_904 = arith.index_cast %get3A_903 : i32 to index
          %get3A_905 = arith.constant 32 : index
          %get3A_906 = tpu.vector_load %arg11[%get3A_904, %get3A_905] {strides = array<i32>} : memref<3x80xi32, #tpu.memory_space<vmem>>, vector<1x16xi32>,
          %get3A_907 = vector.shape_cast %get3A_906 : vector<1x16xi32> to vector<16xi32>
          %get3A_908 = arith.constant 2 : i32
          %get3A_909 = arith.index_cast %get3A_908 : i32 to index
          %get3A_910 = arith.constant 32 : index
          %get3A_911 = tpu.vector_load %arg11[%get3A_909, %get3A_910] {strides = array<i32>} : memref<3x80xi32, #tpu.memory_space<vmem>>, vector<1x16xi32>,
          %get3A_912 = vector.shape_cast %get3A_911 : vector<1x16xi32> to vector<16xi32>
          %add3A_913 = vector.broadcast %mul3A_0 : i32 to vector<16xi32>
          %add3A_914 = arith.addi %get3A_902, %add3A_913 : vector<16xi32>
          %swap3A_915 = arith.constant 32 : index
          %swap3A_916 = tpu.vector_load %arg17[%swap3A_915] {strides = array<i32>} : memref<80xi32, #tpu.memory_space<vmem>>, vector<16xi32>,
          %swap3A_917 = vector.shape_cast %swap3A_916 : vector<16xi32> to vector<16xi32>
          %swap3A_918 = vector.shape_cast %add3A_914 : vector<16xi32> to vector<16xi32>
          tpu.vector_store %arg17[%swap3A_915], %swap3A_918 {strides = array<i32>} : memref<80xi32, #tpu.memory_space<vmem>>, vector<16xi32>,
          %swap3A_919 = arith.constant 32 : index
          %swap3A_920 = tpu.vector_load %arg23[%swap3A_919] {strides = array<i32>} : memref<80xi32, #tpu.memory_space<vmem>>, vector<16xi32>,
          %swap3A_921 = vector.shape_cast %swap3A_920 : vector<16xi32> to vector<16xi32>
          %swap3A_922 = vector.shape_cast %get3A_907 : vector<16xi32> to vector<16xi32>
          tpu.vector_store %arg23[%swap3A_919], %swap3A_922 {strides = array<i32>} : memref<80xi32, #tpu.memory_space<vmem>>, vector<16xi32>,
          %mul3A_923 = arith.constant 64 : i32
          %mul3A_924 = vector.broadcast %mul3A_923 : i32 to vector<16xi32>
          %mul3A_925 = arith.muli %get3A_907, %mul3A_924 : vector<16xi32>
          %add3A_926 = arith.addi %mul3A_925, %get3A_912 : vector<16xi32>
          %swap3A_927 = arith.constant 32 : index
          %swap3A_928 = tpu.vector_load %arg29[%swap3A_927] {strides = array<i32>} : memref<80xi32, #tpu.memory_space<vmem>>, vector<16xi32>,
          %swap3A_929 = vector.shape_cast %swap3A_928 : vector<16xi32> to vector<16xi32>
          %swap3A_930 = vector.shape_cast %add3A_926 : vector<16xi32> to vector<16xi32>
          tpu.vector_store %arg29[%swap3A_927], %swap3A_930 {strides = array<i32>} : memref<80xi32, #tpu.memory_space<vmem>>, vector<16xi32>,
          %get3A_931 = arith.constant 0 : i32
          %get3A_932 = arith.index_cast %get3A_931 : i32 to index
          %get3A_933 = arith.constant 48 : index
          %get3A_934 = tpu.vector_load %arg11[%get3A_932, %get3A_933] {strides = array<i32>} : memref<3x80xi32, #tpu.memory_space<vmem>>, vector<1x16xi32>,
          %get3A_935 = vector.shape_cast %get3A_934 : vector<1x16xi32> to vector<16xi32>
          %get3A_936 = arith.constant 1 : i32
          %get3A_937 = arith.index_cast %get3A_936 : i32 to index
          %get3A_938 = arith.constant 48 : index
          %get3A_939 = tpu.vector_load %arg11[%get3A_937, %get3A_938] {strides = array<i32>} : memref<3x80xi32, #tpu.memory_space<vmem>>, vector<1x16xi32>,
          %get3A_940 = vector.shape_cast %get3A_939 : vector<1x16xi32> to vector<16xi32>
          %get3A_941 = arith.constant 2 : i32
          %get3A_942 = arith.index_cast %get3A_941 : i32 to index
          %get3A_943 = arith.constant 48 : index
          %get3A_944 = tpu.vector_load %arg11[%get3A_942, %get3A_943] {strides = array<i32>} : memref<3x80xi32, #tpu.memory_space<vmem>>, vector<1x16xi32>,
          %get3A_945 = vector.shape_cast %get3A_944 : vector<1x16xi32> to vector<16xi32>
          %add3A_946 = vector.broadcast %mul3A_0 : i32 to vector<16xi32>
          %add3A_947 = arith.addi %get3A_935, %add3A_946 : vector<16xi32>
          %swap3A_948 = arith.constant 48 : index
          %swap3A_949 = tpu.vector_load %arg17[%swap3A_948] {strides = array<i32>} : memref<80xi32, #tpu.memory_space<vmem>>, vector<16xi32>,
          %swap3A_950 = vector.shape_cast %swap3A_949 : vector<16xi32> to vector<16xi32>
          %swap3A_951 = vector.shape_cast %add3A_947 : vector<16xi32> to vector<16xi32>
          tpu.vector_store %arg17[%swap3A_948], %swap3A_951 {strides = array<i32>} : memref<80xi32, #tpu.memory_space<vmem>>, vector<16xi32>,
          %swap3A_952 = arith.constant 48 : index
          %swap3A_953 = tpu.vector_load %arg23[%swap3A_952] {strides = array<i32>} : memref<80xi32, #tpu.memory_space<vmem>>, vector<16xi32>,
          %swap3A_954 = vector.shape_cast %swap3A_953 : vector<16xi32> to vector<16xi32>
          %swap3A_955 = vector.shape_cast %get3A_940 : vector<16xi32> to vector<16xi32>
          tpu.vector_store %arg23[%swap3A_952], %swap3A_955 {strides = array<i32>} : memref<80xi32, #tpu.memory_space<vmem>>, vector<16xi32>,
          %mul3A_956 = arith.constant 64 : i32
          %mul3A_957 = vector.broadcast %mul3A_956 : i32 to vector<16xi32>
          %mul3A_958 = arith.muli %get3A_940, %mul3A_957 : vector<16xi32>
          %add3A_959 = arith.addi %mul3A_958, %get3A_945 : vector<16xi32>
          %swap3A_960 = arith.constant 48 : index
          %swap3A_961 = tpu.vector_load %arg29[%swap3A_960] {strides = array<i32>} : memref<80xi32, #tpu.memory_space<vmem>>, vector<16xi32>,
          %swap3A_962 = vector.shape_cast %swap3A_961 : vector<16xi32> to vector<16xi32>
          %swap3A_963 = vector.shape_cast %add3A_959 : vector<16xi32> to vector<16xi32>
          tpu.vector_store %arg29[%swap3A_960], %swap3A_963 {strides = array<i32>} : memref<80xi32, #tpu.memory_space<vmem>>, vector<16xi32>,
          %get3A_964 = arith.constant 0 : i32
          %get3A_965 = arith.index_cast %get3A_964 : i32 to index
          %get3A_966 = arith.constant 64 : index
          %get3A_967 = tpu.vector_load %arg11[%get3A_965, %get3A_966] {strides = array<i32>} : memref<3x80xi32, #tpu.memory_space<vmem>>, vector<1x16xi32>,
          %get3A_968 = vector.shape_cast %get3A_967 : vector<1x16xi32> to vector<16xi32>
          %get3A_969 = arith.constant 1 : i32
          %get3A_970 = arith.index_cast %get3A_969 : i32 to index
          %get3A_971 = arith.constant 64 : index
          %get3A_972 = tpu.vector_load %arg11[%get3A_970, %get3A_971] {strides = array<i32>} : memref<3x80xi32, #tpu.memory_space<vmem>>, vector<1x16xi32>,
          %get3A_973 = vector.shape_cast %get3A_972 : vector<1x16xi32> to vector<16xi32>
          %get3A_974 = arith.constant 2 : i32
          %get3A_975 = arith.index_cast %get3A_974 : i32 to index
          %get3A_976 = arith.constant 64 : index
          %get3A_977 = tpu.vector_load %arg11[%get3A_975, %get3A_976] {strides = array<i32>} : memref<3x80xi32, #tpu.memory_space<vmem>>, vector<1x16xi32>,
          %get3A_978 = vector.shape_cast %get3A_977 : vector<1x16xi32> to vector<16xi32>
          %add3A_979 = vector.broadcast %mul3A_0 : i32 to vector<16xi32>
          %add3A_980 = arith.addi %get3A_968, %add3A_979 : vector<16xi32>
          %swap3A_981 = arith.constant 64 : index
          %swap3A_982 = tpu.vector_load %arg17[%swap3A_981] {strides = array<i32>} : memref<80xi32, #tpu.memory_space<vmem>>, vector<16xi32>,
          %swap3A_983 = vector.shape_cast %swap3A_982 : vector<16xi32> to vector<16xi32>
          %swap3A_984 = vector.shape_cast %add3A_980 : vector<16xi32> to vector<16xi32>
          tpu.vector_store %arg17[%swap3A_981], %swap3A_984 {strides = array<i32>} : memref<80xi32, #tpu.memory_space<vmem>>, vector<16xi32>,
          %swap3A_985 = arith.constant 64 : index
          %swap3A_986 = tpu.vector_load %arg23[%swap3A_985] {strides = array<i32>} : memref<80xi32, #tpu.memory_space<vmem>>, vector<16xi32>,
          %swap3A_987 = vector.shape_cast %swap3A_986 : vector<16xi32> to vector<16xi32>
          %swap3A_988 = vector.shape_cast %get3A_973 : vector<16xi32> to vector<16xi32>
          tpu.vector_store %arg23[%swap3A_985], %swap3A_988 {strides = array<i32>} : memref<80xi32, #tpu.memory_space<vmem>>, vector<16xi32>,
          %mul3A_989 = arith.constant 64 : i32
          %mul3A_990 = vector.broadcast %mul3A_989 : i32 to vector<16xi32>
          %mul3A_991 = arith.muli %get3A_973, %mul3A_990 : vector<16xi32>
          %add3A_992 = arith.addi %mul3A_991, %get3A_978 : vector<16xi32>
          %swap3A_993 = arith.constant 64 : index
          %swap3A_994 = tpu.vector_load %arg29[%swap3A_993] {strides = array<i32>} : memref<80xi32, #tpu.memory_space<vmem>>, vector<16xi32>,
          %swap3A_995 = vector.shape_cast %swap3A_994 : vector<16xi32> to vector<16xi32>
          %swap3A_996 = vector.shape_cast %add3A_992 : vector<16xi32> to vector<16xi32>
          tpu.vector_store %arg29[%swap3A_993], %swap3A_996 {strides = array<i32>} : memref<80xi32, #tpu.memory_space<vmem>>, vector<16xi32>,
          %dma_start3A_997 = arith.constant 0 : i32
          %dma_start3A_998 = arith.constant 0 : i32
          %dma_start3A_999 = tpu.memref_slice %arg2[%dma_start3A_997, %dma_start3A_998] : memref<20000x64xf32, #tpu.memory_space<hbm>> -> memref<20000x64xf32, #tpu.memory_space<hbm>>
          tpu.enqueue_indirect_dma source(%dma_start3A_999 : memref<20000x64xf32, #tpu.memory_space<hbm>>) target(%arg35 : memref<80x64xf32, #tpu.memory_space<vmem>>) offsets(%arg17 : memref<80xi32, #tpu.memory_space<vmem>>) semaphore(%arg50 : memref<!tpu.dma_semaphore, #tpu.memory_space<semaphore_mem>>)
          %add3A_1000 = arith.constant 6 : i32
          %add3A_1001 = arith.addi %add3A_813, %add3A_1000 : i32
          %lt3A_1002 = arith.constant 250 : i32
          %lt3A_1003 = arith.cmpi slt, %add3A_1001, %lt3A_1002 : i32
          %convert_element_type3A_1004 = arith.extui %lt3A_1003 : i1 to i32
          %cond3A_1005 = arith.constant 0 : i32
          %cond3A_1006 = arith.cmpi ne, %convert_element_type3A_1004, %cond3A_1005 : i32
          scf.if %cond3A_1006 {
            %add3A_1007 = arith.constant 6 : i32
            %add3A_1008 = arith.addi %add3A_813, %add3A_1007 : i32
            %dma_start3A_1009 = arith.constant 0 : i32
            %dma_start3A_1010 = arith.constant 0 : i32
            %dma_start3A_1011 = tpu.memref_slice %arg3[%arg1, %add3A_1008, %dma_start3A_1009, %dma_start3A_1010] : memref<16x250x3x80xi32, #tpu.memory_space<hbm>> -> memref<1x1x3x80xi32, #tpu.memory_space<hbm>>
            %dma_start3A_1012 = tpu.memref_squeeze %dma_start3A_1011 : memref<1x1x3x80xi32, #tpu.memory_space<hbm>> -> memref<3x80xi32, #tpu.memory_space<hbm>>
            %dma_start3A_1013 = arith.constant 0 : i32
            %dma_start3A_1014 = arith.constant 0 : i32
            %dma_start3A_1015 = tpu.memref_slice %arg3[%arg1, %add3A_1008, %dma_start3A_1013, %dma_start3A_1014] : memref<16x250x3x80xi32, #tpu.memory_space<hbm>> -> memref<1x1x3x80xi32, #tpu.memory_space<hbm>>
            %dma_start3A_1016 = tpu.memref_squeeze %dma_start3A_1015 : memref<1x1x3x80xi32, #tpu.memory_space<hbm>> -> memref<3x80xi32, #tpu.memory_space<hbm>>
            tpu.enqueue_dma source(%dma_start3A_1016 : memref<3x80xi32, #tpu.memory_space<hbm>>) target(%arg11 : memref<3x80xi32, #tpu.memory_space<vmem>>) target_semaphore(%arg44 : memref<!tpu.dma_semaphore, #tpu.memory_space<semaphore_mem>>)
          } else {
          }
        } else {
        }
      } else {
      }
      %mul3A_756 = arith.constant 6 : i32
      %mul3A_757 = arith.muli %mul3A_756, %scan3A_747 : i32
      %add3A_758 = arith.constant 1 : i32
      %add3A_759 = arith.addi %mul3A_757, %add3A_758 : i32
      %lt3A_760 = arith.constant 250 : i32
      %lt3A_761 = arith.cmpi slt, %add3A_759, %lt3A_760 : i32
      %convert_element_type3A_762 = arith.extui %lt3A_761 : i1 to i32
      %cond3A_763 = arith.constant 0 : i32
      %cond3A_764 = arith.cmpi ne, %convert_element_type3A_762, %cond3A_763 : i32
      scf.if %cond3A_764 {
        %dma_wait3A_801 = arith.constant 0 : i32
        %dma_wait3A_802 = arith.constant 0 : i32
        %dma_wait3A_803 = tpu.memref_slice %arg2[%dma_wait3A_801, %dma_wait3A_802] : memref<20000x64xf32, #tpu.memory_space<hbm>> -> memref<20000x64xf32, #tpu.memory_space<hbm>>
        tpu.wait_indirect_dma semaphore(%arg48 : memref<!tpu.dma_semaphore, #tpu.memory_space<semaphore_mem>>) src(%dma_wait3A_803 : memref<20000x64xf32, #tpu.memory_space<hbm>>) dst(%arg33 : memref<80x64xf32, #tpu.memory_space<vmem>>)
        %dma_start3A_804 = arith.constant 0 : i32
        %dma_start3A_805 = arith.constant 0 : i32
        %dma_start3A_806 = tpu.memref_slice %arg6[%dma_start3A_804, %dma_start3A_805] : memref<10000x64xf32, #tpu.memory_space<vmem_shared>> -> memref<10000x64xf32, #tpu.memory_space<vmem_shared>>
        tpu.enqueue_indirect_dma source(%arg33 : memref<80x64xf32, #tpu.memory_space<vmem>>) target(%dma_start3A_806 : memref<10000x64xf32, #tpu.memory_space<vmem_shared>>) offsets(%arg21 : memref<80xi32, #tpu.memory_space<vmem>>) semaphore(%arg54 : memref<!tpu.dma_semaphore, #tpu.memory_space<semaphore_mem>>) {add = true}
        %eq3A_807 = arith.constant 1 : i32
        %eq3A_808 = arith.cmpi eq, %arg0, %eq3A_807 : i32
        %convert_element_type3A_809 = arith.extui %eq3A_808 : i1 to i32
        %cond3A_810 = arith.constant 0 : i32
        %cond3A_811 = arith.cmpi ne, %convert_element_type3A_809, %cond3A_810 : i32
        scf.if %cond3A_811 {
          %dma_start3A_819 = arith.constant 0 : i32
          %dma_start3A_820 = tpu.memref_slice %arg7[%dma_start3A_819] : memref<640000xf32, #tpu.memory_space<vmem_shared>> -> memref<640000xf32, #tpu.memory_space<vmem_shared>>
          tpu.enqueue_indirect_dma source(%arg38 : memref<80xf32, #tpu.memory_space<vmem>>) target(%dma_start3A_820 : memref<640000xf32, #tpu.memory_space<vmem_shared>>) offsets(%arg27 : memref<80xi32, #tpu.memory_space<vmem>>) semaphore(%arg60 : memref<!tpu.dma_semaphore, #tpu.memory_space<semaphore_mem>>) {add = true}
        } else {
        }
        %add3A_812 = arith.constant 3 : i32
        %add3A_813 = arith.addi %add3A_759, %add3A_812 : i32
        %lt3A_814 = arith.constant 250 : i32
        %lt3A_815 = arith.cmpi slt, %add3A_813, %lt3A_814 : i32
        %convert_element_type3A_816 = arith.extui %lt3A_815 : i1 to i32
        %cond3A_817 = arith.constant 0 : i32
        %cond3A_818 = arith.cmpi ne, %convert_element_type3A_816, %cond3A_817 : i32
        scf.if %cond3A_818 {
          %dma_wait3A_819 = arith.constant 0 : i32
          %dma_wait3A_820 = arith.constant 0 : i32
          %dma_wait3A_821 = arith.constant 0 : i32
          %dma_wait3A_822 = tpu.memref_slice %arg3[%arg1, %dma_wait3A_819, %dma_wait3A_820, %dma_wait3A_821] : memref<16x250x3x80xi32, #tpu.memory_space<hbm>> -> memref<1x1x3x80xi32, #tpu.memory_space<hbm>>
          %dma_wait3A_823 = tpu.memref_squeeze %dma_wait3A_822 : memref<1x1x3x80xi32, #tpu.memory_space<hbm>> -> memref<3x80xi32, #tpu.memory_space<hbm>>
          %dma_wait3A_824 = arith.constant 0 : i32
          %dma_wait3A_825 = arith.constant 0 : i32
          %dma_wait3A_826 = tpu.memref_slice %arg3[%arg1, %dma_wait3A_819, %dma_wait3A_824, %dma_wait3A_825] : memref<16x250x3x80xi32, #tpu.memory_space<hbm>> -> memref<1x1x3x80xi32, #tpu.memory_space<hbm>>
          %dma_wait3A_827 = tpu.memref_squeeze %dma_wait3A_826 : memref<1x1x3x80xi32, #tpu.memory_space<hbm>> -> memref<3x80xi32, #tpu.memory_space<hbm>>
          tpu.wait_dma2 semaphore(%arg45 : memref<!tpu.dma_semaphore, #tpu.memory_space<semaphore_mem>>) src(%dma_wait3A_827 : memref<3x80xi32, #tpu.memory_space<hbm>>) dst(%arg12 : memref<3x80xi32, #tpu.memory_space<vmem>>)
          %ge3A = arith.constant 6 : i32
          %ge3A_828 = arith.cmpi sge, %add3A_813, %ge3A : i32
          %convert_element_type3A_829 = arith.extui %ge3A_828 : i1 to i32
          %cond3A_830 = arith.constant 0 : i32
          %cond3A_831 = arith.cmpi ne, %convert_element_type3A_829, %cond3A_830 : i32
          scf.if %cond3A_831 {
            %dma_wait3A_1007 = arith.constant 0 : i32
            %dma_wait3A_1008 = arith.constant 0 : i32
            %dma_wait3A_1009 = tpu.memref_slice %arg6[%dma_wait3A_1007, %dma_wait3A_1008] : memref<10000x64xf32, #tpu.memory_space<vmem_shared>> -> memref<10000x64xf32, #tpu.memory_space<vmem_shared>>
            tpu.wait_indirect_dma semaphore(%arg57 : memref<!tpu.dma_semaphore, #tpu.memory_space<semaphore_mem>>) src(%arg36 : memref<80x64xf32, #tpu.memory_space<vmem>>) dst(%dma_wait3A_1009 : memref<10000x64xf32, #tpu.memory_space<vmem_shared>>)
            %eq3A_1010 = arith.constant 0 : i32
            %eq3A_1011 = arith.cmpi eq, %arg0, %eq3A_1010 : i32
            %convert_element_type3A_1012 = arith.extui %eq3A_1011 : i1 to i32
            %cond3A_1013 = arith.constant 0 : i32
            %cond3A_1014 = arith.cmpi ne, %convert_element_type3A_1012, %cond3A_1013 : i32
            scf.if %cond3A_1014 {
              %dma_wait3A_1015 = arith.constant 0 : i32
              %dma_wait3A_1016 = tpu.memref_slice %arg7[%dma_wait3A_1015] : memref<640000xf32, #tpu.memory_space<vmem_shared>> -> memref<640000xf32, #tpu.memory_space<vmem_shared>>
              tpu.wait_indirect_dma semaphore(%arg63 : memref<!tpu.dma_semaphore, #tpu.memory_space<semaphore_mem>>) src(%arg38 : memref<80xf32, #tpu.memory_space<vmem>>) dst(%dma_wait3A_1016 : memref<640000xf32, #tpu.memory_space<vmem_shared>>)
            } else {
            }
          } else {
          }
          %get3A_832 = arith.constant 0 : i32
          %get3A_833 = arith.index_cast %get3A_832 : i32 to index
          %get3A_834 = arith.constant 0 : index
          %get3A_835 = tpu.vector_load %arg12[%get3A_833, %get3A_834] {strides = array<i32>} : memref<3x80xi32, #tpu.memory_space<vmem>>, vector<1x16xi32>,
          %get3A_836 = vector.shape_cast %get3A_835 : vector<1x16xi32> to vector<16xi32>
          %get3A_837 = arith.constant 1 : i32
          %get3A_838 = arith.index_cast %get3A_837 : i32 to index
          %get3A_839 = arith.constant 0 : index
          %get3A_840 = tpu.vector_load %arg12[%get3A_838, %get3A_839] {strides = array<i32>} : memref<3x80xi32, #tpu.memory_space<vmem>>, vector<1x16xi32>,
          %get3A_841 = vector.shape_cast %get3A_840 : vector<1x16xi32> to vector<16xi32>
          %get3A_842 = arith.constant 2 : i32
          %get3A_843 = arith.index_cast %get3A_842 : i32 to index
          %get3A_844 = arith.constant 0 : index
          %get3A_845 = tpu.vector_load %arg12[%get3A_843, %get3A_844] {strides = array<i32>} : memref<3x80xi32, #tpu.memory_space<vmem>>, vector<1x16xi32>,
          %get3A_846 = vector.shape_cast %get3A_845 : vector<1x16xi32> to vector<16xi32>
          %add3A_847 = vector.broadcast %mul3A_0 : i32 to vector<16xi32>
          %add3A_848 = arith.addi %get3A_836, %add3A_847 : vector<16xi32>
          %swap3A_849 = arith.constant 0 : index
          %swap3A_850 = tpu.vector_load %arg18[%swap3A_849] {strides = array<i32>} : memref<80xi32, #tpu.memory_space<vmem>>, vector<16xi32>,
          %swap3A_851 = vector.shape_cast %swap3A_850 : vector<16xi32> to vector<16xi32>
          %swap3A_852 = vector.shape_cast %add3A_848 : vector<16xi32> to vector<16xi32>
          tpu.vector_store %arg18[%swap3A_849], %swap3A_852 {strides = array<i32>} : memref<80xi32, #tpu.memory_space<vmem>>, vector<16xi32>,
          %swap3A_853 = arith.constant 0 : index
          %swap3A_854 = tpu.vector_load %arg24[%swap3A_853] {strides = array<i32>} : memref<80xi32, #tpu.memory_space<vmem>>, vector<16xi32>,
          %swap3A_855 = vector.shape_cast %swap3A_854 : vector<16xi32> to vector<16xi32>
          %swap3A_856 = vector.shape_cast %get3A_841 : vector<16xi32> to vector<16xi32>
          tpu.vector_store %arg24[%swap3A_853], %swap3A_856 {strides = array<i32>} : memref<80xi32, #tpu.memory_space<vmem>>, vector<16xi32>,
          %mul3A_857 = arith.constant 64 : i32
          %mul3A_858 = vector.broadcast %mul3A_857 : i32 to vector<16xi32>
          %mul3A_859 = arith.muli %get3A_841, %mul3A_858 : vector<16xi32>
          %add3A_860 = arith.addi %mul3A_859, %get3A_846 : vector<16xi32>
          %swap3A_861 = arith.constant 0 : index
          %swap3A_862 = tpu.vector_load %arg30[%swap3A_861] {strides = array<i32>} : memref<80xi32, #tpu.memory_space<vmem>>, vector<16xi32>,
          %swap3A_863 = vector.shape_cast %swap3A_862 : vector<16xi32> to vector<16xi32>
          %swap3A_864 = vector.shape_cast %add3A_860 : vector<16xi32> to vector<16xi32>
          tpu.vector_store %arg30[%swap3A_861], %swap3A_864 {strides = array<i32>} : memref<80xi32, #tpu.memory_space<vmem>>, vector<16xi32>,
          %get3A_865 = arith.constant 0 : i32
          %get3A_866 = arith.index_cast %get3A_865 : i32 to index
          %get3A_867 = arith.constant 16 : index
          %get3A_868 = tpu.vector_load %arg12[%get3A_866, %get3A_867] {strides = array<i32>} : memref<3x80xi32, #tpu.memory_space<vmem>>, vector<1x16xi32>,
          %get3A_869 = vector.shape_cast %get3A_868 : vector<1x16xi32> to vector<16xi32>
          %get3A_870 = arith.constant 1 : i32
          %get3A_871 = arith.index_cast %get3A_870 : i32 to index
          %get3A_872 = arith.constant 16 : index
          %get3A_873 = tpu.vector_load %arg12[%get3A_871, %get3A_872] {strides = array<i32>} : memref<3x80xi32, #tpu.memory_space<vmem>>, vector<1x16xi32>,
          %get3A_874 = vector.shape_cast %get3A_873 : vector<1x16xi32> to vector<16xi32>
          %get3A_875 = arith.constant 2 : i32
          %get3A_876 = arith.index_cast %get3A_875 : i32 to index
          %get3A_877 = arith.constant 16 : index
          %get3A_878 = tpu.vector_load %arg12[%get3A_876, %get3A_877] {strides = array<i32>} : memref<3x80xi32, #tpu.memory_space<vmem>>, vector<1x16xi32>,
          %get3A_879 = vector.shape_cast %get3A_878 : vector<1x16xi32> to vector<16xi32>
          %add3A_880 = vector.broadcast %mul3A_0 : i32 to vector<16xi32>
          %add3A_881 = arith.addi %get3A_869, %add3A_880 : vector<16xi32>
          %swap3A_882 = arith.constant 16 : index
          %swap3A_883 = tpu.vector_load %arg18[%swap3A_882] {strides = array<i32>} : memref<80xi32, #tpu.memory_space<vmem>>, vector<16xi32>,
          %swap3A_884 = vector.shape_cast %swap3A_883 : vector<16xi32> to vector<16xi32>
          %swap3A_885 = vector.shape_cast %add3A_881 : vector<16xi32> to vector<16xi32>
          tpu.vector_store %arg18[%swap3A_882], %swap3A_885 {strides = array<i32>} : memref<80xi32, #tpu.memory_space<vmem>>, vector<16xi32>,
          %swap3A_886 = arith.constant 16 : index
          %swap3A_887 = tpu.vector_load %arg24[%swap3A_886] {strides = array<i32>} : memref<80xi32, #tpu.memory_space<vmem>>, vector<16xi32>,
          %swap3A_888 = vector.shape_cast %swap3A_887 : vector<16xi32> to vector<16xi32>
          %swap3A_889 = vector.shape_cast %get3A_874 : vector<16xi32> to vector<16xi32>
          tpu.vector_store %arg24[%swap3A_886], %swap3A_889 {strides = array<i32>} : memref<80xi32, #tpu.memory_space<vmem>>, vector<16xi32>,
          %mul3A_890 = arith.constant 64 : i32
          %mul3A_891 = vector.broadcast %mul3A_890 : i32 to vector<16xi32>
          %mul3A_892 = arith.muli %get3A_874, %mul3A_891 : vector<16xi32>
          %add3A_893 = arith.addi %mul3A_892, %get3A_879 : vector<16xi32>
          %swap3A_894 = arith.constant 16 : index
          %swap3A_895 = tpu.vector_load %arg30[%swap3A_894] {strides = array<i32>} : memref<80xi32, #tpu.memory_space<vmem>>, vector<16xi32>,
          %swap3A_896 = vector.shape_cast %swap3A_895 : vector<16xi32> to vector<16xi32>
          %swap3A_897 = vector.shape_cast %add3A_893 : vector<16xi32> to vector<16xi32>
          tpu.vector_store %arg30[%swap3A_894], %swap3A_897 {strides = array<i32>} : memref<80xi32, #tpu.memory_space<vmem>>, vector<16xi32>,
          %get3A_898 = arith.constant 0 : i32
          %get3A_899 = arith.index_cast %get3A_898 : i32 to index
          %get3A_900 = arith.constant 32 : index
          %get3A_901 = tpu.vector_load %arg12[%get3A_899, %get3A_900] {strides = array<i32>} : memref<3x80xi32, #tpu.memory_space<vmem>>, vector<1x16xi32>,
          %get3A_902 = vector.shape_cast %get3A_901 : vector<1x16xi32> to vector<16xi32>
          %get3A_903 = arith.constant 1 : i32
          %get3A_904 = arith.index_cast %get3A_903 : i32 to index
          %get3A_905 = arith.constant 32 : index
          %get3A_906 = tpu.vector_load %arg12[%get3A_904, %get3A_905] {strides = array<i32>} : memref<3x80xi32, #tpu.memory_space<vmem>>, vector<1x16xi32>,
          %get3A_907 = vector.shape_cast %get3A_906 : vector<1x16xi32> to vector<16xi32>
          %get3A_908 = arith.constant 2 : i32
          %get3A_909 = arith.index_cast %get3A_908 : i32 to index
          %get3A_910 = arith.constant 32 : index
          %get3A_911 = tpu.vector_load %arg12[%get3A_909, %get3A_910] {strides = array<i32>} : memref<3x80xi32, #tpu.memory_space<vmem>>, vector<1x16xi32>,
          %get3A_912 = vector.shape_cast %get3A_911 : vector<1x16xi32> to vector<16xi32>
          %add3A_913 = vector.broadcast %mul3A_0 : i32 to vector<16xi32>
          %add3A_914 = arith.addi %get3A_902, %add3A_913 : vector<16xi32>
          %swap3A_915 = arith.constant 32 : index
          %swap3A_916 = tpu.vector_load %arg18[%swap3A_915] {strides = array<i32>} : memref<80xi32, #tpu.memory_space<vmem>>, vector<16xi32>,
          %swap3A_917 = vector.shape_cast %swap3A_916 : vector<16xi32> to vector<16xi32>
          %swap3A_918 = vector.shape_cast %add3A_914 : vector<16xi32> to vector<16xi32>
          tpu.vector_store %arg18[%swap3A_915], %swap3A_918 {strides = array<i32>} : memref<80xi32, #tpu.memory_space<vmem>>, vector<16xi32>,
          %swap3A_919 = arith.constant 32 : index
          %swap3A_920 = tpu.vector_load %arg24[%swap3A_919] {strides = array<i32>} : memref<80xi32, #tpu.memory_space<vmem>>, vector<16xi32>,
          %swap3A_921 = vector.shape_cast %swap3A_920 : vector<16xi32> to vector<16xi32>
          %swap3A_922 = vector.shape_cast %get3A_907 : vector<16xi32> to vector<16xi32>
          tpu.vector_store %arg24[%swap3A_919], %swap3A_922 {strides = array<i32>} : memref<80xi32, #tpu.memory_space<vmem>>, vector<16xi32>,
          %mul3A_923 = arith.constant 64 : i32
          %mul3A_924 = vector.broadcast %mul3A_923 : i32 to vector<16xi32>
          %mul3A_925 = arith.muli %get3A_907, %mul3A_924 : vector<16xi32>
          %add3A_926 = arith.addi %mul3A_925, %get3A_912 : vector<16xi32>
          %swap3A_927 = arith.constant 32 : index
          %swap3A_928 = tpu.vector_load %arg30[%swap3A_927] {strides = array<i32>} : memref<80xi32, #tpu.memory_space<vmem>>, vector<16xi32>,
          %swap3A_929 = vector.shape_cast %swap3A_928 : vector<16xi32> to vector<16xi32>
          %swap3A_930 = vector.shape_cast %add3A_926 : vector<16xi32> to vector<16xi32>
          tpu.vector_store %arg30[%swap3A_927], %swap3A_930 {strides = array<i32>} : memref<80xi32, #tpu.memory_space<vmem>>, vector<16xi32>,
          %get3A_931 = arith.constant 0 : i32
          %get3A_932 = arith.index_cast %get3A_931 : i32 to index
          %get3A_933 = arith.constant 48 : index
          %get3A_934 = tpu.vector_load %arg12[%get3A_932, %get3A_933] {strides = array<i32>} : memref<3x80xi32, #tpu.memory_space<vmem>>, vector<1x16xi32>,
          %get3A_935 = vector.shape_cast %get3A_934 : vector<1x16xi32> to vector<16xi32>
          %get3A_936 = arith.constant 1 : i32
          %get3A_937 = arith.index_cast %get3A_936 : i32 to index
          %get3A_938 = arith.constant 48 : index
          %get3A_939 = tpu.vector_load %arg12[%get3A_937, %get3A_938] {strides = array<i32>} : memref<3x80xi32, #tpu.memory_space<vmem>>, vector<1x16xi32>,
          %get3A_940 = vector.shape_cast %get3A_939 : vector<1x16xi32> to vector<16xi32>
          %get3A_941 = arith.constant 2 : i32
          %get3A_942 = arith.index_cast %get3A_941 : i32 to index
          %get3A_943 = arith.constant 48 : index
          %get3A_944 = tpu.vector_load %arg12[%get3A_942, %get3A_943] {strides = array<i32>} : memref<3x80xi32, #tpu.memory_space<vmem>>, vector<1x16xi32>,
          %get3A_945 = vector.shape_cast %get3A_944 : vector<1x16xi32> to vector<16xi32>
          %add3A_946 = vector.broadcast %mul3A_0 : i32 to vector<16xi32>
          %add3A_947 = arith.addi %get3A_935, %add3A_946 : vector<16xi32>
          %swap3A_948 = arith.constant 48 : index
          %swap3A_949 = tpu.vector_load %arg18[%swap3A_948] {strides = array<i32>} : memref<80xi32, #tpu.memory_space<vmem>>, vector<16xi32>,
          %swap3A_950 = vector.shape_cast %swap3A_949 : vector<16xi32> to vector<16xi32>
          %swap3A_951 = vector.shape_cast %add3A_947 : vector<16xi32> to vector<16xi32>
          tpu.vector_store %arg18[%swap3A_948], %swap3A_951 {strides = array<i32>} : memref<80xi32, #tpu.memory_space<vmem>>, vector<16xi32>,
          %swap3A_952 = arith.constant 48 : index
          %swap3A_953 = tpu.vector_load %arg24[%swap3A_952] {strides = array<i32>} : memref<80xi32, #tpu.memory_space<vmem>>, vector<16xi32>,
          %swap3A_954 = vector.shape_cast %swap3A_953 : vector<16xi32> to vector<16xi32>
          %swap3A_955 = vector.shape_cast %get3A_940 : vector<16xi32> to vector<16xi32>
          tpu.vector_store %arg24[%swap3A_952], %swap3A_955 {strides = array<i32>} : memref<80xi32, #tpu.memory_space<vmem>>, vector<16xi32>,
          %mul3A_956 = arith.constant 64 : i32
          %mul3A_957 = vector.broadcast %mul3A_956 : i32 to vector<16xi32>
          %mul3A_958 = arith.muli %get3A_940, %mul3A_957 : vector<16xi32>
          %add3A_959 = arith.addi %mul3A_958, %get3A_945 : vector<16xi32>
          %swap3A_960 = arith.constant 48 : index
          %swap3A_961 = tpu.vector_load %arg30[%swap3A_960] {strides = array<i32>} : memref<80xi32, #tpu.memory_space<vmem>>, vector<16xi32>,
          %swap3A_962 = vector.shape_cast %swap3A_961 : vector<16xi32> to vector<16xi32>
          %swap3A_963 = vector.shape_cast %add3A_959 : vector<16xi32> to vector<16xi32>
          tpu.vector_store %arg30[%swap3A_960], %swap3A_963 {strides = array<i32>} : memref<80xi32, #tpu.memory_space<vmem>>, vector<16xi32>,
          %get3A_964 = arith.constant 0 : i32
          %get3A_965 = arith.index_cast %get3A_964 : i32 to index
          %get3A_966 = arith.constant 64 : index
          %get3A_967 = tpu.vector_load %arg12[%get3A_965, %get3A_966] {strides = array<i32>} : memref<3x80xi32, #tpu.memory_space<vmem>>, vector<1x16xi32>,
          %get3A_968 = vector.shape_cast %get3A_967 : vector<1x16xi32> to vector<16xi32>
          %get3A_969 = arith.constant 1 : i32
          %get3A_970 = arith.index_cast %get3A_969 : i32 to index
          %get3A_971 = arith.constant 64 : index
          %get3A_972 = tpu.vector_load %arg12[%get3A_970, %get3A_971] {strides = array<i32>} : memref<3x80xi32, #tpu.memory_space<vmem>>, vector<1x16xi32>,
          %get3A_973 = vector.shape_cast %get3A_972 : vector<1x16xi32> to vector<16xi32>
          %get3A_974 = arith.constant 2 : i32
          %get3A_975 = arith.index_cast %get3A_974 : i32 to index
          %get3A_976 = arith.constant 64 : index
          %get3A_977 = tpu.vector_load %arg12[%get3A_975, %get3A_976] {strides = array<i32>} : memref<3x80xi32, #tpu.memory_space<vmem>>, vector<1x16xi32>,
          %get3A_978 = vector.shape_cast %get3A_977 : vector<1x16xi32> to vector<16xi32>
          %add3A_979 = vector.broadcast %mul3A_0 : i32 to vector<16xi32>
          %add3A_980 = arith.addi %get3A_968, %add3A_979 : vector<16xi32>
          %swap3A_981 = arith.constant 64 : index
          %swap3A_982 = tpu.vector_load %arg18[%swap3A_981] {strides = array<i32>} : memref<80xi32, #tpu.memory_space<vmem>>, vector<16xi32>,
          %swap3A_983 = vector.shape_cast %swap3A_982 : vector<16xi32> to vector<16xi32>
          %swap3A_984 = vector.shape_cast %add3A_980 : vector<16xi32> to vector<16xi32>
          tpu.vector_store %arg18[%swap3A_981], %swap3A_984 {strides = array<i32>} : memref<80xi32, #tpu.memory_space<vmem>>, vector<16xi32>,
          %swap3A_985 = arith.constant 64 : index
          %swap3A_986 = tpu.vector_load %arg24[%swap3A_985] {strides = array<i32>} : memref<80xi32, #tpu.memory_space<vmem>>, vector<16xi32>,
          %swap3A_987 = vector.shape_cast %swap3A_986 : vector<16xi32> to vector<16xi32>
          %swap3A_988 = vector.shape_cast %get3A_973 : vector<16xi32> to vector<16xi32>
          tpu.vector_store %arg24[%swap3A_985], %swap3A_988 {strides = array<i32>} : memref<80xi32, #tpu.memory_space<vmem>>, vector<16xi32>,
          %mul3A_989 = arith.constant 64 : i32
          %mul3A_990 = vector.broadcast %mul3A_989 : i32 to vector<16xi32>
          %mul3A_991 = arith.muli %get3A_973, %mul3A_990 : vector<16xi32>
          %add3A_992 = arith.addi %mul3A_991, %get3A_978 : vector<16xi32>
          %swap3A_993 = arith.constant 64 : index
          %swap3A_994 = tpu.vector_load %arg30[%swap3A_993] {strides = array<i32>} : memref<80xi32, #tpu.memory_space<vmem>>, vector<16xi32>,
          %swap3A_995 = vector.shape_cast %swap3A_994 : vector<16xi32> to vector<16xi32>
          %swap3A_996 = vector.shape_cast %add3A_992 : vector<16xi32> to vector<16xi32>
          tpu.vector_store %arg30[%swap3A_993], %swap3A_996 {strides = array<i32>} : memref<80xi32, #tpu.memory_space<vmem>>, vector<16xi32>,
          %dma_start3A_997 = arith.constant 0 : i32
          %dma_start3A_998 = arith.constant 0 : i32
          %dma_start3A_999 = tpu.memref_slice %arg2[%dma_start3A_997, %dma_start3A_998] : memref<20000x64xf32, #tpu.memory_space<hbm>> -> memref<20000x64xf32, #tpu.memory_space<hbm>>
          tpu.enqueue_indirect_dma source(%dma_start3A_999 : memref<20000x64xf32, #tpu.memory_space<hbm>>) target(%arg36 : memref<80x64xf32, #tpu.memory_space<vmem>>) offsets(%arg18 : memref<80xi32, #tpu.memory_space<vmem>>) semaphore(%arg51 : memref<!tpu.dma_semaphore, #tpu.memory_space<semaphore_mem>>)
          %add3A_1000 = arith.constant 6 : i32
          %add3A_1001 = arith.addi %add3A_813, %add3A_1000 : i32
          %lt3A_1002 = arith.constant 250 : i32
          %lt3A_1003 = arith.cmpi slt, %add3A_1001, %lt3A_1002 : i32
          %convert_element_type3A_1004 = arith.extui %lt3A_1003 : i1 to i32
          %cond3A_1005 = arith.constant 0 : i32
          %cond3A_1006 = arith.cmpi ne, %convert_element_type3A_1004, %cond3A_1005 : i32
          scf.if %cond3A_1006 {
            %add3A_1007 = arith.constant 6 : i32
            %add3A_1008 = arith.addi %add3A_813, %add3A_1007 : i32
            %dma_start3A_1009 = arith.constant 0 : i32
            %dma_start3A_1010 = arith.constant 0 : i32
            %dma_start3A_1011 = tpu.memref_slice %arg3[%arg1, %add3A_1008, %dma_start3A_1009, %dma_start3A_1010] : memref<16x250x3x80xi32, #tpu.memory_space<hbm>> -> memref<1x1x3x80xi32, #tpu.memory_space<hbm>>
            %dma_start3A_1012 = tpu.memref_squeeze %dma_start3A_1011 : memref<1x1x3x80xi32, #tpu.memory_space<hbm>> -> memref<3x80xi32, #tpu.memory_space<hbm>>
            %dma_start3A_1013 = arith.constant 0 : i32
            %dma_start3A_1014 = arith.constant 0 : i32
            %dma_start3A_1015 = tpu.memref_slice %arg3[%arg1, %add3A_1008, %dma_start3A_1013, %dma_start3A_1014] : memref<16x250x3x80xi32, #tpu.memory_space<hbm>> -> memref<1x1x3x80xi32, #tpu.memory_space<hbm>>
            %dma_start3A_1016 = tpu.memref_squeeze %dma_start3A_1015 : memref<1x1x3x80xi32, #tpu.memory_space<hbm>> -> memref<3x80xi32, #tpu.memory_space<hbm>>
            tpu.enqueue_dma source(%dma_start3A_1016 : memref<3x80xi32, #tpu.memory_space<hbm>>) target(%arg12 : memref<3x80xi32, #tpu.memory_space<vmem>>) target_semaphore(%arg45 : memref<!tpu.dma_semaphore, #tpu.memory_space<semaphore_mem>>)
          } else {
          }
        } else {
        }
      } else {
      }
      %mul3A_765 = arith.constant 6 : i32
      %mul3A_766 = arith.muli %mul3A_765, %scan3A_747 : i32
      %add3A_767 = arith.constant 2 : i32
      %add3A_768 = arith.addi %mul3A_766, %add3A_767 : i32
      %lt3A_769 = arith.constant 250 : i32
      %lt3A_770 = arith.cmpi slt, %add3A_768, %lt3A_769 : i32
      %convert_element_type3A_771 = arith.extui %lt3A_770 : i1 to i32
      %cond3A_772 = arith.constant 0 : i32
      %cond3A_773 = arith.cmpi ne, %convert_element_type3A_771, %cond3A_772 : i32
      scf.if %cond3A_773 {
        %dma_wait3A_801 = arith.constant 0 : i32
        %dma_wait3A_802 = arith.constant 0 : i32
        %dma_wait3A_803 = tpu.memref_slice %arg2[%dma_wait3A_801, %dma_wait3A_802] : memref<20000x64xf32, #tpu.memory_space<hbm>> -> memref<20000x64xf32, #tpu.memory_space<hbm>>
        tpu.wait_indirect_dma semaphore(%arg49 : memref<!tpu.dma_semaphore, #tpu.memory_space<semaphore_mem>>) src(%dma_wait3A_803 : memref<20000x64xf32, #tpu.memory_space<hbm>>) dst(%arg34 : memref<80x64xf32, #tpu.memory_space<vmem>>)
        %dma_start3A_804 = arith.constant 0 : i32
        %dma_start3A_805 = arith.constant 0 : i32
        %dma_start3A_806 = tpu.memref_slice %arg6[%dma_start3A_804, %dma_start3A_805] : memref<10000x64xf32, #tpu.memory_space<vmem_shared>> -> memref<10000x64xf32, #tpu.memory_space<vmem_shared>>
        tpu.enqueue_indirect_dma source(%arg34 : memref<80x64xf32, #tpu.memory_space<vmem>>) target(%dma_start3A_806 : memref<10000x64xf32, #tpu.memory_space<vmem_shared>>) offsets(%arg22 : memref<80xi32, #tpu.memory_space<vmem>>) semaphore(%arg55 : memref<!tpu.dma_semaphore, #tpu.memory_space<semaphore_mem>>) {add = true}
        %eq3A_807 = arith.constant 0 : i32
        %eq3A_808 = arith.cmpi eq, %arg0, %eq3A_807 : i32
        %convert_element_type3A_809 = arith.extui %eq3A_808 : i1 to i32
        %cond3A_810 = arith.constant 0 : i32
        %cond3A_811 = arith.cmpi ne, %convert_element_type3A_809, %cond3A_810 : i32
        scf.if %cond3A_811 {
          %dma_start3A_819 = arith.constant 0 : i32
          %dma_start3A_820 = tpu.memref_slice %arg7[%dma_start3A_819] : memref<640000xf32, #tpu.memory_space<vmem_shared>> -> memref<640000xf32, #tpu.memory_space<vmem_shared>>
          tpu.enqueue_indirect_dma source(%arg38 : memref<80xf32, #tpu.memory_space<vmem>>) target(%dma_start3A_820 : memref<640000xf32, #tpu.memory_space<vmem_shared>>) offsets(%arg28 : memref<80xi32, #tpu.memory_space<vmem>>) semaphore(%arg61 : memref<!tpu.dma_semaphore, #tpu.memory_space<semaphore_mem>>) {add = true}
        } else {
        }
        %add3A_812 = arith.constant 3 : i32
        %add3A_813 = arith.addi %add3A_768, %add3A_812 : i32
        %lt3A_814 = arith.constant 250 : i32
        %lt3A_815 = arith.cmpi slt, %add3A_813, %lt3A_814 : i32
        %convert_element_type3A_816 = arith.extui %lt3A_815 : i1 to i32
        %cond3A_817 = arith.constant 0 : i32
        %cond3A_818 = arith.cmpi ne, %convert_element_type3A_816, %cond3A_817 : i32
        scf.if %cond3A_818 {
          %dma_wait3A_819 = arith.constant 0 : i32
          %dma_wait3A_820 = arith.constant 0 : i32
          %dma_wait3A_821 = arith.constant 0 : i32
          %dma_wait3A_822 = tpu.memref_slice %arg3[%arg1, %dma_wait3A_819, %dma_wait3A_820, %dma_wait3A_821] : memref<16x250x3x80xi32, #tpu.memory_space<hbm>> -> memref<1x1x3x80xi32, #tpu.memory_space<hbm>>
          %dma_wait3A_823 = tpu.memref_squeeze %dma_wait3A_822 : memref<1x1x3x80xi32, #tpu.memory_space<hbm>> -> memref<3x80xi32, #tpu.memory_space<hbm>>
          %dma_wait3A_824 = arith.constant 0 : i32
          %dma_wait3A_825 = arith.constant 0 : i32
          %dma_wait3A_826 = tpu.memref_slice %arg3[%arg1, %dma_wait3A_819, %dma_wait3A_824, %dma_wait3A_825] : memref<16x250x3x80xi32, #tpu.memory_space<hbm>> -> memref<1x1x3x80xi32, #tpu.memory_space<hbm>>
          %dma_wait3A_827 = tpu.memref_squeeze %dma_wait3A_826 : memref<1x1x3x80xi32, #tpu.memory_space<hbm>> -> memref<3x80xi32, #tpu.memory_space<hbm>>
          tpu.wait_dma2 semaphore(%arg46 : memref<!tpu.dma_semaphore, #tpu.memory_space<semaphore_mem>>) src(%dma_wait3A_827 : memref<3x80xi32, #tpu.memory_space<hbm>>) dst(%arg13 : memref<3x80xi32, #tpu.memory_space<vmem>>)
          %ge3A = arith.constant 6 : i32
          %ge3A_828 = arith.cmpi sge, %add3A_813, %ge3A : i32
          %convert_element_type3A_829 = arith.extui %ge3A_828 : i1 to i32
          %cond3A_830 = arith.constant 0 : i32
          %cond3A_831 = arith.cmpi ne, %convert_element_type3A_829, %cond3A_830 : i32
          scf.if %cond3A_831 {
            %dma_wait3A_1007 = arith.constant 0 : i32
            %dma_wait3A_1008 = arith.constant 0 : i32
            %dma_wait3A_1009 = tpu.memref_slice %arg6[%dma_wait3A_1007, %dma_wait3A_1008] : memref<10000x64xf32, #tpu.memory_space<vmem_shared>> -> memref<10000x64xf32, #tpu.memory_space<vmem_shared>>
            tpu.wait_indirect_dma semaphore(%arg58 : memref<!tpu.dma_semaphore, #tpu.memory_space<semaphore_mem>>) src(%arg37 : memref<80x64xf32, #tpu.memory_space<vmem>>) dst(%dma_wait3A_1009 : memref<10000x64xf32, #tpu.memory_space<vmem_shared>>)
            %eq3A_1010 = arith.constant 1 : i32
            %eq3A_1011 = arith.cmpi eq, %arg0, %eq3A_1010 : i32
            %convert_element_type3A_1012 = arith.extui %eq3A_1011 : i1 to i32
            %cond3A_1013 = arith.constant 0 : i32
            %cond3A_1014 = arith.cmpi ne, %convert_element_type3A_1012, %cond3A_1013 : i32
            scf.if %cond3A_1014 {
              %dma_wait3A_1015 = arith.constant 0 : i32
              %dma_wait3A_1016 = tpu.memref_slice %arg7[%dma_wait3A_1015] : memref<640000xf32, #tpu.memory_space<vmem_shared>> -> memref<640000xf32, #tpu.memory_space<vmem_shared>>
              tpu.wait_indirect_dma semaphore(%arg64 : memref<!tpu.dma_semaphore, #tpu.memory_space<semaphore_mem>>) src(%arg38 : memref<80xf32, #tpu.memory_space<vmem>>) dst(%dma_wait3A_1016 : memref<640000xf32, #tpu.memory_space<vmem_shared>>)
            } else {
            }
          } else {
          }
          %get3A_832 = arith.constant 0 : i32
          %get3A_833 = arith.index_cast %get3A_832 : i32 to index
          %get3A_834 = arith.constant 0 : index
          %get3A_835 = tpu.vector_load %arg13[%get3A_833, %get3A_834] {strides = array<i32>} : memref<3x80xi32, #tpu.memory_space<vmem>>, vector<1x16xi32>,
          %get3A_836 = vector.shape_cast %get3A_835 : vector<1x16xi32> to vector<16xi32>
          %get3A_837 = arith.constant 1 : i32
          %get3A_838 = arith.index_cast %get3A_837 : i32 to index
          %get3A_839 = arith.constant 0 : index
          %get3A_840 = tpu.vector_load %arg13[%get3A_838, %get3A_839] {strides = array<i32>} : memref<3x80xi32, #tpu.memory_space<vmem>>, vector<1x16xi32>,
          %get3A_841 = vector.shape_cast %get3A_840 : vector<1x16xi32> to vector<16xi32>
          %get3A_842 = arith.constant 2 : i32
          %get3A_843 = arith.index_cast %get3A_842 : i32 to index
          %get3A_844 = arith.constant 0 : index
          %get3A_845 = tpu.vector_load %arg13[%get3A_843, %get3A_844] {strides = array<i32>} : memref<3x80xi32, #tpu.memory_space<vmem>>, vector<1x16xi32>,
          %get3A_846 = vector.shape_cast %get3A_845 : vector<1x16xi32> to vector<16xi32>
          %add3A_847 = vector.broadcast %mul3A_0 : i32 to vector<16xi32>
          %add3A_848 = arith.addi %get3A_836, %add3A_847 : vector<16xi32>
          %swap3A_849 = arith.constant 0 : index
          %swap3A_850 = tpu.vector_load %arg19[%swap3A_849] {strides = array<i32>} : memref<80xi32, #tpu.memory_space<vmem>>, vector<16xi32>,
          %swap3A_851 = vector.shape_cast %swap3A_850 : vector<16xi32> to vector<16xi32>
          %swap3A_852 = vector.shape_cast %add3A_848 : vector<16xi32> to vector<16xi32>
          tpu.vector_store %arg19[%swap3A_849], %swap3A_852 {strides = array<i32>} : memref<80xi32, #tpu.memory_space<vmem>>, vector<16xi32>,
          %swap3A_853 = arith.constant 0 : index
          %swap3A_854 = tpu.vector_load %arg25[%swap3A_853] {strides = array<i32>} : memref<80xi32, #tpu.memory_space<vmem>>, vector<16xi32>,
          %swap3A_855 = vector.shape_cast %swap3A_854 : vector<16xi32> to vector<16xi32>
          %swap3A_856 = vector.shape_cast %get3A_841 : vector<16xi32> to vector<16xi32>
          tpu.vector_store %arg25[%swap3A_853], %swap3A_856 {strides = array<i32>} : memref<80xi32, #tpu.memory_space<vmem>>, vector<16xi32>,
          %mul3A_857 = arith.constant 64 : i32
          %mul3A_858 = vector.broadcast %mul3A_857 : i32 to vector<16xi32>
          %mul3A_859 = arith.muli %get3A_841, %mul3A_858 : vector<16xi32>
          %add3A_860 = arith.addi %mul3A_859, %get3A_846 : vector<16xi32>
          %swap3A_861 = arith.constant 0 : index
          %swap3A_862 = tpu.vector_load %arg31[%swap3A_861] {strides = array<i32>} : memref<80xi32, #tpu.memory_space<vmem>>, vector<16xi32>,
          %swap3A_863 = vector.shape_cast %swap3A_862 : vector<16xi32> to vector<16xi32>
          %swap3A_864 = vector.shape_cast %add3A_860 : vector<16xi32> to vector<16xi32>
          tpu.vector_store %arg31[%swap3A_861], %swap3A_864 {strides = array<i32>} : memref<80xi32, #tpu.memory_space<vmem>>, vector<16xi32>,
          %get3A_865 = arith.constant 0 : i32
          %get3A_866 = arith.index_cast %get3A_865 : i32 to index
          %get3A_867 = arith.constant 16 : index
          %get3A_868 = tpu.vector_load %arg13[%get3A_866, %get3A_867] {strides = array<i32>} : memref<3x80xi32, #tpu.memory_space<vmem>>, vector<1x16xi32>,
          %get3A_869 = vector.shape_cast %get3A_868 : vector<1x16xi32> to vector<16xi32>
          %get3A_870 = arith.constant 1 : i32
          %get3A_871 = arith.index_cast %get3A_870 : i32 to index
          %get3A_872 = arith.constant 16 : index
          %get3A_873 = tpu.vector_load %arg13[%get3A_871, %get3A_872] {strides = array<i32>} : memref<3x80xi32, #tpu.memory_space<vmem>>, vector<1x16xi32>,
          %get3A_874 = vector.shape_cast %get3A_873 : vector<1x16xi32> to vector<16xi32>
          %get3A_875 = arith.constant 2 : i32
          %get3A_876 = arith.index_cast %get3A_875 : i32 to index
          %get3A_877 = arith.constant 16 : index
          %get3A_878 = tpu.vector_load %arg13[%get3A_876, %get3A_877] {strides = array<i32>} : memref<3x80xi32, #tpu.memory_space<vmem>>, vector<1x16xi32>,
          %get3A_879 = vector.shape_cast %get3A_878 : vector<1x16xi32> to vector<16xi32>
          %add3A_880 = vector.broadcast %mul3A_0 : i32 to vector<16xi32>
          %add3A_881 = arith.addi %get3A_869, %add3A_880 : vector<16xi32>
          %swap3A_882 = arith.constant 16 : index
          %swap3A_883 = tpu.vector_load %arg19[%swap3A_882] {strides = array<i32>} : memref<80xi32, #tpu.memory_space<vmem>>, vector<16xi32>,
          %swap3A_884 = vector.shape_cast %swap3A_883 : vector<16xi32> to vector<16xi32>
          %swap3A_885 = vector.shape_cast %add3A_881 : vector<16xi32> to vector<16xi32>
          tpu.vector_store %arg19[%swap3A_882], %swap3A_885 {strides = array<i32>} : memref<80xi32, #tpu.memory_space<vmem>>, vector<16xi32>,
          %swap3A_886 = arith.constant 16 : index
          %swap3A_887 = tpu.vector_load %arg25[%swap3A_886] {strides = array<i32>} : memref<80xi32, #tpu.memory_space<vmem>>, vector<16xi32>,
          %swap3A_888 = vector.shape_cast %swap3A_887 : vector<16xi32> to vector<16xi32>
          %swap3A_889 = vector.shape_cast %get3A_874 : vector<16xi32> to vector<16xi32>
          tpu.vector_store %arg25[%swap3A_886], %swap3A_889 {strides = array<i32>} : memref<80xi32, #tpu.memory_space<vmem>>, vector<16xi32>,
          %mul3A_890 = arith.constant 64 : i32
          %mul3A_891 = vector.broadcast %mul3A_890 : i32 to vector<16xi32>
          %mul3A_892 = arith.muli %get3A_874, %mul3A_891 : vector<16xi32>
          %add3A_893 = arith.addi %mul3A_892, %get3A_879 : vector<16xi32>
          %swap3A_894 = arith.constant 16 : index
          %swap3A_895 = tpu.vector_load %arg31[%swap3A_894] {strides = array<i32>} : memref<80xi32, #tpu.memory_space<vmem>>, vector<16xi32>,
          %swap3A_896 = vector.shape_cast %swap3A_895 : vector<16xi32> to vector<16xi32>
          %swap3A_897 = vector.shape_cast %add3A_893 : vector<16xi32> to vector<16xi32>
          tpu.vector_store %arg31[%swap3A_894], %swap3A_897 {strides = array<i32>} : memref<80xi32, #tpu.memory_space<vmem>>, vector<16xi32>,
          %get3A_898 = arith.constant 0 : i32
          %get3A_899 = arith.index_cast %get3A_898 : i32 to index
          %get3A_900 = arith.constant 32 : index
          %get3A_901 = tpu.vector_load %arg13[%get3A_899, %get3A_900] {strides = array<i32>} : memref<3x80xi32, #tpu.memory_space<vmem>>, vector<1x16xi32>,
          %get3A_902 = vector.shape_cast %get3A_901 : vector<1x16xi32> to vector<16xi32>
          %get3A_903 = arith.constant 1 : i32
          %get3A_904 = arith.index_cast %get3A_903 : i32 to index
          %get3A_905 = arith.constant 32 : index
          %get3A_906 = tpu.vector_load %arg13[%get3A_904, %get3A_905] {strides = array<i32>} : memref<3x80xi32, #tpu.memory_space<vmem>>, vector<1x16xi32>,
          %get3A_907 = vector.shape_cast %get3A_906 : vector<1x16xi32> to vector<16xi32>
          %get3A_908 = arith.constant 2 : i32
          %get3A_909 = arith.index_cast %get3A_908 : i32 to index
          %get3A_910 = arith.constant 32 : index
          %get3A_911 = tpu.vector_load %arg13[%get3A_909, %get3A_910] {strides = array<i32>} : memref<3x80xi32, #tpu.memory_space<vmem>>, vector<1x16xi32>,
          %get3A_912 = vector.shape_cast %get3A_911 : vector<1x16xi32> to vector<16xi32>
          %add3A_913 = vector.broadcast %mul3A_0 : i32 to vector<16xi32>
          %add3A_914 = arith.addi %get3A_902, %add3A_913 : vector<16xi32>
          %swap3A_915 = arith.constant 32 : index
          %swap3A_916 = tpu.vector_load %arg19[%swap3A_915] {strides = array<i32>} : memref<80xi32, #tpu.memory_space<vmem>>, vector<16xi32>,
          %swap3A_917 = vector.shape_cast %swap3A_916 : vector<16xi32> to vector<16xi32>
          %swap3A_918 = vector.shape_cast %add3A_914 : vector<16xi32> to vector<16xi32>
          tpu.vector_store %arg19[%swap3A_915], %swap3A_918 {strides = array<i32>} : memref<80xi32, #tpu.memory_space<vmem>>, vector<16xi32>,
          %swap3A_919 = arith.constant 32 : index
          %swap3A_920 = tpu.vector_load %arg25[%swap3A_919] {strides = array<i32>} : memref<80xi32, #tpu.memory_space<vmem>>, vector<16xi32>,
          %swap3A_921 = vector.shape_cast %swap3A_920 : vector<16xi32> to vector<16xi32>
          %swap3A_922 = vector.shape_cast %get3A_907 : vector<16xi32> to vector<16xi32>
          tpu.vector_store %arg25[%swap3A_919], %swap3A_922 {strides = array<i32>} : memref<80xi32, #tpu.memory_space<vmem>>, vector<16xi32>,
          %mul3A_923 = arith.constant 64 : i32
          %mul3A_924 = vector.broadcast %mul3A_923 : i32 to vector<16xi32>
          %mul3A_925 = arith.muli %get3A_907, %mul3A_924 : vector<16xi32>
          %add3A_926 = arith.addi %mul3A_925, %get3A_912 : vector<16xi32>
          %swap3A_927 = arith.constant 32 : index
          %swap3A_928 = tpu.vector_load %arg31[%swap3A_927] {strides = array<i32>} : memref<80xi32, #tpu.memory_space<vmem>>, vector<16xi32>,
          %swap3A_929 = vector.shape_cast %swap3A_928 : vector<16xi32> to vector<16xi32>
          %swap3A_930 = vector.shape_cast %add3A_926 : vector<16xi32> to vector<16xi32>
          tpu.vector_store %arg31[%swap3A_927], %swap3A_930 {strides = array<i32>} : memref<80xi32, #tpu.memory_space<vmem>>, vector<16xi32>,
          %get3A_931 = arith.constant 0 : i32
          %get3A_932 = arith.index_cast %get3A_931 : i32 to index
          %get3A_933 = arith.constant 48 : index
          %get3A_934 = tpu.vector_load %arg13[%get3A_932, %get3A_933] {strides = array<i32>} : memref<3x80xi32, #tpu.memory_space<vmem>>, vector<1x16xi32>,
          %get3A_935 = vector.shape_cast %get3A_934 : vector<1x16xi32> to vector<16xi32>
          %get3A_936 = arith.constant 1 : i32
          %get3A_937 = arith.index_cast %get3A_936 : i32 to index
          %get3A_938 = arith.constant 48 : index
          %get3A_939 = tpu.vector_load %arg13[%get3A_937, %get3A_938] {strides = array<i32>} : memref<3x80xi32, #tpu.memory_space<vmem>>, vector<1x16xi32>,
          %get3A_940 = vector.shape_cast %get3A_939 : vector<1x16xi32> to vector<16xi32>
          %get3A_941 = arith.constant 2 : i32
          %get3A_942 = arith.index_cast %get3A_941 : i32 to index
          %get3A_943 = arith.constant 48 : index
          %get3A_944 = tpu.vector_load %arg13[%get3A_942, %get3A_943] {strides = array<i32>} : memref<3x80xi32, #tpu.memory_space<vmem>>, vector<1x16xi32>,
          %get3A_945 = vector.shape_cast %get3A_944 : vector<1x16xi32> to vector<16xi32>
          %add3A_946 = vector.broadcast %mul3A_0 : i32 to vector<16xi32>
          %add3A_947 = arith.addi %get3A_935, %add3A_946 : vector<16xi32>
          %swap3A_948 = arith.constant 48 : index
          %swap3A_949 = tpu.vector_load %arg19[%swap3A_948] {strides = array<i32>} : memref<80xi32, #tpu.memory_space<vmem>>, vector<16xi32>,
          %swap3A_950 = vector.shape_cast %swap3A_949 : vector<16xi32> to vector<16xi32>
          %swap3A_951 = vector.shape_cast %add3A_947 : vector<16xi32> to vector<16xi32>
          tpu.vector_store %arg19[%swap3A_948], %swap3A_951 {strides = array<i32>} : memref<80xi32, #tpu.memory_space<vmem>>, vector<16xi32>,
          %swap3A_952 = arith.constant 48 : index
          %swap3A_953 = tpu.vector_load %arg25[%swap3A_952] {strides = array<i32>} : memref<80xi32, #tpu.memory_space<vmem>>, vector<16xi32>,
          %swap3A_954 = vector.shape_cast %swap3A_953 : vector<16xi32> to vector<16xi32>
          %swap3A_955 = vector.shape_cast %get3A_940 : vector<16xi32> to vector<16xi32>
          tpu.vector_store %arg25[%swap3A_952], %swap3A_955 {strides = array<i32>} : memref<80xi32, #tpu.memory_space<vmem>>, vector<16xi32>,
          %mul3A_956 = arith.constant 64 : i32
          %mul3A_957 = vector.broadcast %mul3A_956 : i32 to vector<16xi32>
          %mul3A_958 = arith.muli %get3A_940, %mul3A_957 : vector<16xi32>
          %add3A_959 = arith.addi %mul3A_958, %get3A_945 : vector<16xi32>
          %swap3A_960 = arith.constant 48 : index
          %swap3A_961 = tpu.vector_load %arg31[%swap3A_960] {strides = array<i32>} : memref<80xi32, #tpu.memory_space<vmem>>, vector<16xi32>,
          %swap3A_962 = vector.shape_cast %swap3A_961 : vector<16xi32> to vector<16xi32>
          %swap3A_963 = vector.shape_cast %add3A_959 : vector<16xi32> to vector<16xi32>
          tpu.vector_store %arg31[%swap3A_960], %swap3A_963 {strides = array<i32>} : memref<80xi32, #tpu.memory_space<vmem>>, vector<16xi32>,
          %get3A_964 = arith.constant 0 : i32
          %get3A_965 = arith.index_cast %get3A_964 : i32 to index
          %get3A_966 = arith.constant 64 : index
          %get3A_967 = tpu.vector_load %arg13[%get3A_965, %get3A_966] {strides = array<i32>} : memref<3x80xi32, #tpu.memory_space<vmem>>, vector<1x16xi32>,
          %get3A_968 = vector.shape_cast %get3A_967 : vector<1x16xi32> to vector<16xi32>
          %get3A_969 = arith.constant 1 : i32
          %get3A_970 = arith.index_cast %get3A_969 : i32 to index
          %get3A_971 = arith.constant 64 : index
          %get3A_972 = tpu.vector_load %arg13[%get3A_970, %get3A_971] {strides = array<i32>} : memref<3x80xi32, #tpu.memory_space<vmem>>, vector<1x16xi32>,
          %get3A_973 = vector.shape_cast %get3A_972 : vector<1x16xi32> to vector<16xi32>
          %get3A_974 = arith.constant 2 : i32
          %get3A_975 = arith.index_cast %get3A_974 : i32 to index
          %get3A_976 = arith.constant 64 : index
          %get3A_977 = tpu.vector_load %arg13[%get3A_975, %get3A_976] {strides = array<i32>} : memref<3x80xi32, #tpu.memory_space<vmem>>, vector<1x16xi32>,
          %get3A_978 = vector.shape_cast %get3A_977 : vector<1x16xi32> to vector<16xi32>
          %add3A_979 = vector.broadcast %mul3A_0 : i32 to vector<16xi32>
          %add3A_980 = arith.addi %get3A_968, %add3A_979 : vector<16xi32>
          %swap3A_981 = arith.constant 64 : index
          %swap3A_982 = tpu.vector_load %arg19[%swap3A_981] {strides = array<i32>} : memref<80xi32, #tpu.memory_space<vmem>>, vector<16xi32>,
          %swap3A_983 = vector.shape_cast %swap3A_982 : vector<16xi32> to vector<16xi32>
          %swap3A_984 = vector.shape_cast %add3A_980 : vector<16xi32> to vector<16xi32>
          tpu.vector_store %arg19[%swap3A_981], %swap3A_984 {strides = array<i32>} : memref<80xi32, #tpu.memory_space<vmem>>, vector<16xi32>,
          %swap3A_985 = arith.constant 64 : index
          %swap3A_986 = tpu.vector_load %arg25[%swap3A_985] {strides = array<i32>} : memref<80xi32, #tpu.memory_space<vmem>>, vector<16xi32>,
          %swap3A_987 = vector.shape_cast %swap3A_986 : vector<16xi32> to vector<16xi32>
          %swap3A_988 = vector.shape_cast %get3A_973 : vector<16xi32> to vector<16xi32>
          tpu.vector_store %arg25[%swap3A_985], %swap3A_988 {strides = array<i32>} : memref<80xi32, #tpu.memory_space<vmem>>, vector<16xi32>,
          %mul3A_989 = arith.constant 64 : i32
          %mul3A_990 = vector.broadcast %mul3A_989 : i32 to vector<16xi32>
          %mul3A_991 = arith.muli %get3A_973, %mul3A_990 : vector<16xi32>
          %add3A_992 = arith.addi %mul3A_991, %get3A_978 : vector<16xi32>
          %swap3A_993 = arith.constant 64 : index
          %swap3A_994 = tpu.vector_load %arg31[%swap3A_993] {strides = array<i32>} : memref<80xi32, #tpu.memory_space<vmem>>, vector<16xi32>,
          %swap3A_995 = vector.shape_cast %swap3A_994 : vector<16xi32> to vector<16xi32>
          %swap3A_996 = vector.shape_cast %add3A_992 : vector<16xi32> to vector<16xi32>
          tpu.vector_store %arg31[%swap3A_993], %swap3A_996 {strides = array<i32>} : memref<80xi32, #tpu.memory_space<vmem>>, vector<16xi32>,
          %dma_start3A_997 = arith.constant 0 : i32
          %dma_start3A_998 = arith.constant 0 : i32
          %dma_start3A_999 = tpu.memref_slice %arg2[%dma_start3A_997, %dma_start3A_998] : memref<20000x64xf32, #tpu.memory_space<hbm>> -> memref<20000x64xf32, #tpu.memory_space<hbm>>
          tpu.enqueue_indirect_dma source(%dma_start3A_999 : memref<20000x64xf32, #tpu.memory_space<hbm>>) target(%arg37 : memref<80x64xf32, #tpu.memory_space<vmem>>) offsets(%arg19 : memref<80xi32, #tpu.memory_space<vmem>>) semaphore(%arg52 : memref<!tpu.dma_semaphore, #tpu.memory_space<semaphore_mem>>)
          %add3A_1000 = arith.constant 6 : i32
          %add3A_1001 = arith.addi %add3A_813, %add3A_1000 : i32
          %lt3A_1002 = arith.constant 250 : i32
          %lt3A_1003 = arith.cmpi slt, %add3A_1001, %lt3A_1002 : i32
          %convert_element_type3A_1004 = arith.extui %lt3A_1003 : i1 to i32
          %cond3A_1005 = arith.constant 0 : i32
          %cond3A_1006 = arith.cmpi ne, %convert_element_type3A_1004, %cond3A_1005 : i32
          scf.if %cond3A_1006 {
            %add3A_1007 = arith.constant 6 : i32
            %add3A_1008 = arith.addi %add3A_813, %add3A_1007 : i32
            %dma_start3A_1009 = arith.constant 0 : i32
            %dma_start3A_1010 = arith.constant 0 : i32
            %dma_start3A_1011 = tpu.memref_slice %arg3[%arg1, %add3A_1008, %dma_start3A_1009, %dma_start3A_1010] : memref<16x250x3x80xi32, #tpu.memory_space<hbm>> -> memref<1x1x3x80xi32, #tpu.memory_space<hbm>>
            %dma_start3A_1012 = tpu.memref_squeeze %dma_start3A_1011 : memref<1x1x3x80xi32, #tpu.memory_space<hbm>> -> memref<3x80xi32, #tpu.memory_space<hbm>>
            %dma_start3A_1013 = arith.constant 0 : i32
            %dma_start3A_1014 = arith.constant 0 : i32
            %dma_start3A_1015 = tpu.memref_slice %arg3[%arg1, %add3A_1008, %dma_start3A_1013, %dma_start3A_1014] : memref<16x250x3x80xi32, #tpu.memory_space<hbm>> -> memref<1x1x3x80xi32, #tpu.memory_space<hbm>>
            %dma_start3A_1016 = tpu.memref_squeeze %dma_start3A_1015 : memref<1x1x3x80xi32, #tpu.memory_space<hbm>> -> memref<3x80xi32, #tpu.memory_space<hbm>>
            tpu.enqueue_dma source(%dma_start3A_1016 : memref<3x80xi32, #tpu.memory_space<hbm>>) target(%arg13 : memref<3x80xi32, #tpu.memory_space<vmem>>) target_semaphore(%arg46 : memref<!tpu.dma_semaphore, #tpu.memory_space<semaphore_mem>>)
          } else {
          }
        } else {
        }
      } else {
      }
      %mul3A_774 = arith.constant 6 : i32
      %mul3A_775 = arith.muli %mul3A_774, %scan3A_747 : i32
      %add3A_776 = arith.constant 3 : i32
      %add3A_777 = arith.addi %mul3A_775, %add3A_776 : i32
      %lt3A_778 = arith.constant 250 : i32
      %lt3A_779 = arith.cmpi slt, %add3A_777, %lt3A_778 : i32
      %convert_element_type3A_780 = arith.extui %lt3A_779 : i1 to i32
      %cond3A_781 = arith.constant 0 : i32
      %cond3A_782 = arith.cmpi ne, %convert_element_type3A_780, %cond3A_781 : i32
      scf.if %cond3A_782 {
        %dma_wait3A_801 = arith.constant 0 : i32
        %dma_wait3A_802 = arith.constant 0 : i32
        %dma_wait3A_803 = tpu.memref_slice %arg2[%dma_wait3A_801, %dma_wait3A_802] : memref<20000x64xf32, #tpu.memory_space<hbm>> -> memref<20000x64xf32, #tpu.memory_space<hbm>>
        tpu.wait_indirect_dma semaphore(%arg50 : memref<!tpu.dma_semaphore, #tpu.memory_space<semaphore_mem>>) src(%dma_wait3A_803 : memref<20000x64xf32, #tpu.memory_space<hbm>>) dst(%arg35 : memref<80x64xf32, #tpu.memory_space<vmem>>)
        %dma_start3A_804 = arith.constant 0 : i32
        %dma_start3A_805 = arith.constant 0 : i32
        %dma_start3A_806 = tpu.memref_slice %arg6[%dma_start3A_804, %dma_start3A_805] : memref<10000x64xf32, #tpu.memory_space<vmem_shared>> -> memref<10000x64xf32, #tpu.memory_space<vmem_shared>>
        tpu.enqueue_indirect_dma source(%arg35 : memref<80x64xf32, #tpu.memory_space<vmem>>) target(%dma_start3A_806 : memref<10000x64xf32, #tpu.memory_space<vmem_shared>>) offsets(%arg23 : memref<80xi32, #tpu.memory_space<vmem>>) semaphore(%arg56 : memref<!tpu.dma_semaphore, #tpu.memory_space<semaphore_mem>>) {add = true}
        %eq3A_807 = arith.constant 1 : i32
        %eq3A_808 = arith.cmpi eq, %arg0, %eq3A_807 : i32
        %convert_element_type3A_809 = arith.extui %eq3A_808 : i1 to i32
        %cond3A_810 = arith.constant 0 : i32
        %cond3A_811 = arith.cmpi ne, %convert_element_type3A_809, %cond3A_810 : i32
        scf.if %cond3A_811 {
          %dma_start3A_819 = arith.constant 0 : i32
          %dma_start3A_820 = tpu.memref_slice %arg7[%dma_start3A_819] : memref<640000xf32, #tpu.memory_space<vmem_shared>> -> memref<640000xf32, #tpu.memory_space<vmem_shared>>
          tpu.enqueue_indirect_dma source(%arg38 : memref<80xf32, #tpu.memory_space<vmem>>) target(%dma_start3A_820 : memref<640000xf32, #tpu.memory_space<vmem_shared>>) offsets(%arg29 : memref<80xi32, #tpu.memory_space<vmem>>) semaphore(%arg62 : memref<!tpu.dma_semaphore, #tpu.memory_space<semaphore_mem>>) {add = true}
        } else {
        }
        %add3A_812 = arith.constant 3 : i32
        %add3A_813 = arith.addi %add3A_777, %add3A_812 : i32
        %lt3A_814 = arith.constant 250 : i32
        %lt3A_815 = arith.cmpi slt, %add3A_813, %lt3A_814 : i32
        %convert_element_type3A_816 = arith.extui %lt3A_815 : i1 to i32
        %cond3A_817 = arith.constant 0 : i32
        %cond3A_818 = arith.cmpi ne, %convert_element_type3A_816, %cond3A_817 : i32
        scf.if %cond3A_818 {
          %dma_wait3A_819 = arith.constant 0 : i32
          %dma_wait3A_820 = arith.constant 0 : i32
          %dma_wait3A_821 = arith.constant 0 : i32
          %dma_wait3A_822 = tpu.memref_slice %arg3[%arg1, %dma_wait3A_819, %dma_wait3A_820, %dma_wait3A_821] : memref<16x250x3x80xi32, #tpu.memory_space<hbm>> -> memref<1x1x3x80xi32, #tpu.memory_space<hbm>>
          %dma_wait3A_823 = tpu.memref_squeeze %dma_wait3A_822 : memref<1x1x3x80xi32, #tpu.memory_space<hbm>> -> memref<3x80xi32, #tpu.memory_space<hbm>>
          %dma_wait3A_824 = arith.constant 0 : i32
          %dma_wait3A_825 = arith.constant 0 : i32
          %dma_wait3A_826 = tpu.memref_slice %arg3[%arg1, %dma_wait3A_819, %dma_wait3A_824, %dma_wait3A_825] : memref<16x250x3x80xi32, #tpu.memory_space<hbm>> -> memref<1x1x3x80xi32, #tpu.memory_space<hbm>>
          %dma_wait3A_827 = tpu.memref_squeeze %dma_wait3A_826 : memref<1x1x3x80xi32, #tpu.memory_space<hbm>> -> memref<3x80xi32, #tpu.memory_space<hbm>>
          tpu.wait_dma2 semaphore(%arg41 : memref<!tpu.dma_semaphore, #tpu.memory_space<semaphore_mem>>) src(%dma_wait3A_827 : memref<3x80xi32, #tpu.memory_space<hbm>>) dst(%arg8 : memref<3x80xi32, #tpu.memory_space<vmem>>)
          %ge3A = arith.constant 6 : i32
          %ge3A_828 = arith.cmpi sge, %add3A_813, %ge3A : i32
          %convert_element_type3A_829 = arith.extui %ge3A_828 : i1 to i32
          %cond3A_830 = arith.constant 0 : i32
          %cond3A_831 = arith.cmpi ne, %convert_element_type3A_829, %cond3A_830 : i32
          scf.if %cond3A_831 {
            %dma_wait3A_1007 = arith.constant 0 : i32
            %dma_wait3A_1008 = arith.constant 0 : i32
            %dma_wait3A_1009 = tpu.memref_slice %arg6[%dma_wait3A_1007, %dma_wait3A_1008] : memref<10000x64xf32, #tpu.memory_space<vmem_shared>> -> memref<10000x64xf32, #tpu.memory_space<vmem_shared>>
            tpu.wait_indirect_dma semaphore(%arg53 : memref<!tpu.dma_semaphore, #tpu.memory_space<semaphore_mem>>) src(%arg32 : memref<80x64xf32, #tpu.memory_space<vmem>>) dst(%dma_wait3A_1009 : memref<10000x64xf32, #tpu.memory_space<vmem_shared>>)
            %eq3A_1010 = arith.constant 0 : i32
            %eq3A_1011 = arith.cmpi eq, %arg0, %eq3A_1010 : i32
            %convert_element_type3A_1012 = arith.extui %eq3A_1011 : i1 to i32
            %cond3A_1013 = arith.constant 0 : i32
            %cond3A_1014 = arith.cmpi ne, %convert_element_type3A_1012, %cond3A_1013 : i32
            scf.if %cond3A_1014 {
              %dma_wait3A_1015 = arith.constant 0 : i32
              %dma_wait3A_1016 = tpu.memref_slice %arg7[%dma_wait3A_1015] : memref<640000xf32, #tpu.memory_space<vmem_shared>> -> memref<640000xf32, #tpu.memory_space<vmem_shared>>
              tpu.wait_indirect_dma semaphore(%arg59 : memref<!tpu.dma_semaphore, #tpu.memory_space<semaphore_mem>>) src(%arg38 : memref<80xf32, #tpu.memory_space<vmem>>) dst(%dma_wait3A_1016 : memref<640000xf32, #tpu.memory_space<vmem_shared>>)
            } else {
            }
          } else {
          }
          %get3A_832 = arith.constant 0 : i32
          %get3A_833 = arith.index_cast %get3A_832 : i32 to index
          %get3A_834 = arith.constant 0 : index
          %get3A_835 = tpu.vector_load %arg8[%get3A_833, %get3A_834] {strides = array<i32>} : memref<3x80xi32, #tpu.memory_space<vmem>>, vector<1x16xi32>,
          %get3A_836 = vector.shape_cast %get3A_835 : vector<1x16xi32> to vector<16xi32>
          %get3A_837 = arith.constant 1 : i32
          %get3A_838 = arith.index_cast %get3A_837 : i32 to index
          %get3A_839 = arith.constant 0 : index
          %get3A_840 = tpu.vector_load %arg8[%get3A_838, %get3A_839] {strides = array<i32>} : memref<3x80xi32, #tpu.memory_space<vmem>>, vector<1x16xi32>,
          %get3A_841 = vector.shape_cast %get3A_840 : vector<1x16xi32> to vector<16xi32>
          %get3A_842 = arith.constant 2 : i32
          %get3A_843 = arith.index_cast %get3A_842 : i32 to index
          %get3A_844 = arith.constant 0 : index
          %get3A_845 = tpu.vector_load %arg8[%get3A_843, %get3A_844] {strides = array<i32>} : memref<3x80xi32, #tpu.memory_space<vmem>>, vector<1x16xi32>,
          %get3A_846 = vector.shape_cast %get3A_845 : vector<1x16xi32> to vector<16xi32>
          %add3A_847 = vector.broadcast %mul3A_0 : i32 to vector<16xi32>
          %add3A_848 = arith.addi %get3A_836, %add3A_847 : vector<16xi32>
          %swap3A_849 = arith.constant 0 : index
          %swap3A_850 = tpu.vector_load %arg14[%swap3A_849] {strides = array<i32>} : memref<80xi32, #tpu.memory_space<vmem>>, vector<16xi32>,
          %swap3A_851 = vector.shape_cast %swap3A_850 : vector<16xi32> to vector<16xi32>
          %swap3A_852 = vector.shape_cast %add3A_848 : vector<16xi32> to vector<16xi32>
          tpu.vector_store %arg14[%swap3A_849], %swap3A_852 {strides = array<i32>} : memref<80xi32, #tpu.memory_space<vmem>>, vector<16xi32>,
          %swap3A_853 = arith.constant 0 : index
          %swap3A_854 = tpu.vector_load %arg20[%swap3A_853] {strides = array<i32>} : memref<80xi32, #tpu.memory_space<vmem>>, vector<16xi32>,
          %swap3A_855 = vector.shape_cast %swap3A_854 : vector<16xi32> to vector<16xi32>
          %swap3A_856 = vector.shape_cast %get3A_841 : vector<16xi32> to vector<16xi32>
          tpu.vector_store %arg20[%swap3A_853], %swap3A_856 {strides = array<i32>} : memref<80xi32, #tpu.memory_space<vmem>>, vector<16xi32>,
          %mul3A_857 = arith.constant 64 : i32
          %mul3A_858 = vector.broadcast %mul3A_857 : i32 to vector<16xi32>
          %mul3A_859 = arith.muli %get3A_841, %mul3A_858 : vector<16xi32>
          %add3A_860 = arith.addi %mul3A_859, %get3A_846 : vector<16xi32>
          %swap3A_861 = arith.constant 0 : index
          %swap3A_862 = tpu.vector_load %arg26[%swap3A_861] {strides = array<i32>} : memref<80xi32, #tpu.memory_space<vmem>>, vector<16xi32>,
          %swap3A_863 = vector.shape_cast %swap3A_862 : vector<16xi32> to vector<16xi32>
          %swap3A_864 = vector.shape_cast %add3A_860 : vector<16xi32> to vector<16xi32>
          tpu.vector_store %arg26[%swap3A_861], %swap3A_864 {strides = array<i32>} : memref<80xi32, #tpu.memory_space<vmem>>, vector<16xi32>,
          %get3A_865 = arith.constant 0 : i32
          %get3A_866 = arith.index_cast %get3A_865 : i32 to index
          %get3A_867 = arith.constant 16 : index
          %get3A_868 = tpu.vector_load %arg8[%get3A_866, %get3A_867] {strides = array<i32>} : memref<3x80xi32, #tpu.memory_space<vmem>>, vector<1x16xi32>,
          %get3A_869 = vector.shape_cast %get3A_868 : vector<1x16xi32> to vector<16xi32>
          %get3A_870 = arith.constant 1 : i32
          %get3A_871 = arith.index_cast %get3A_870 : i32 to index
          %get3A_872 = arith.constant 16 : index
          %get3A_873 = tpu.vector_load %arg8[%get3A_871, %get3A_872] {strides = array<i32>} : memref<3x80xi32, #tpu.memory_space<vmem>>, vector<1x16xi32>,
          %get3A_874 = vector.shape_cast %get3A_873 : vector<1x16xi32> to vector<16xi32>
          %get3A_875 = arith.constant 2 : i32
          %get3A_876 = arith.index_cast %get3A_875 : i32 to index
          %get3A_877 = arith.constant 16 : index
          %get3A_878 = tpu.vector_load %arg8[%get3A_876, %get3A_877] {strides = array<i32>} : memref<3x80xi32, #tpu.memory_space<vmem>>, vector<1x16xi32>,
          %get3A_879 = vector.shape_cast %get3A_878 : vector<1x16xi32> to vector<16xi32>
          %add3A_880 = vector.broadcast %mul3A_0 : i32 to vector<16xi32>
          %add3A_881 = arith.addi %get3A_869, %add3A_880 : vector<16xi32>
          %swap3A_882 = arith.constant 16 : index
          %swap3A_883 = tpu.vector_load %arg14[%swap3A_882] {strides = array<i32>} : memref<80xi32, #tpu.memory_space<vmem>>, vector<16xi32>,
          %swap3A_884 = vector.shape_cast %swap3A_883 : vector<16xi32> to vector<16xi32>
          %swap3A_885 = vector.shape_cast %add3A_881 : vector<16xi32> to vector<16xi32>
          tpu.vector_store %arg14[%swap3A_882], %swap3A_885 {strides = array<i32>} : memref<80xi32, #tpu.memory_space<vmem>>, vector<16xi32>,
          %swap3A_886 = arith.constant 16 : index
          %swap3A_887 = tpu.vector_load %arg20[%swap3A_886] {strides = array<i32>} : memref<80xi32, #tpu.memory_space<vmem>>, vector<16xi32>,
          %swap3A_888 = vector.shape_cast %swap3A_887 : vector<16xi32> to vector<16xi32>
          %swap3A_889 = vector.shape_cast %get3A_874 : vector<16xi32> to vector<16xi32>
          tpu.vector_store %arg20[%swap3A_886], %swap3A_889 {strides = array<i32>} : memref<80xi32, #tpu.memory_space<vmem>>, vector<16xi32>,
          %mul3A_890 = arith.constant 64 : i32
          %mul3A_891 = vector.broadcast %mul3A_890 : i32 to vector<16xi32>
          %mul3A_892 = arith.muli %get3A_874, %mul3A_891 : vector<16xi32>
          %add3A_893 = arith.addi %mul3A_892, %get3A_879 : vector<16xi32>
          %swap3A_894 = arith.constant 16 : index
          %swap3A_895 = tpu.vector_load %arg26[%swap3A_894] {strides = array<i32>} : memref<80xi32, #tpu.memory_space<vmem>>, vector<16xi32>,
          %swap3A_896 = vector.shape_cast %swap3A_895 : vector<16xi32> to vector<16xi32>
          %swap3A_897 = vector.shape_cast %add3A_893 : vector<16xi32> to vector<16xi32>
          tpu.vector_store %arg26[%swap3A_894], %swap3A_897 {strides = array<i32>} : memref<80xi32, #tpu.memory_space<vmem>>, vector<16xi32>,
          %get3A_898 = arith.constant 0 : i32
          %get3A_899 = arith.index_cast %get3A_898 : i32 to index
          %get3A_900 = arith.constant 32 : index
          %get3A_901 = tpu.vector_load %arg8[%get3A_899, %get3A_900] {strides = array<i32>} : memref<3x80xi32, #tpu.memory_space<vmem>>, vector<1x16xi32>,
          %get3A_902 = vector.shape_cast %get3A_901 : vector<1x16xi32> to vector<16xi32>
          %get3A_903 = arith.constant 1 : i32
          %get3A_904 = arith.index_cast %get3A_903 : i32 to index
          %get3A_905 = arith.constant 32 : index
          %get3A_906 = tpu.vector_load %arg8[%get3A_904, %get3A_905] {strides = array<i32>} : memref<3x80xi32, #tpu.memory_space<vmem>>, vector<1x16xi32>,
          %get3A_907 = vector.shape_cast %get3A_906 : vector<1x16xi32> to vector<16xi32>
          %get3A_908 = arith.constant 2 : i32
          %get3A_909 = arith.index_cast %get3A_908 : i32 to index
          %get3A_910 = arith.constant 32 : index
          %get3A_911 = tpu.vector_load %arg8[%get3A_909, %get3A_910] {strides = array<i32>} : memref<3x80xi32, #tpu.memory_space<vmem>>, vector<1x16xi32>,
          %get3A_912 = vector.shape_cast %get3A_911 : vector<1x16xi32> to vector<16xi32>
          %add3A_913 = vector.broadcast %mul3A_0 : i32 to vector<16xi32>
          %add3A_914 = arith.addi %get3A_902, %add3A_913 : vector<16xi32>
          %swap3A_915 = arith.constant 32 : index
          %swap3A_916 = tpu.vector_load %arg14[%swap3A_915] {strides = array<i32>} : memref<80xi32, #tpu.memory_space<vmem>>, vector<16xi32>,
          %swap3A_917 = vector.shape_cast %swap3A_916 : vector<16xi32> to vector<16xi32>
          %swap3A_918 = vector.shape_cast %add3A_914 : vector<16xi32> to vector<16xi32>
          tpu.vector_store %arg14[%swap3A_915], %swap3A_918 {strides = array<i32>} : memref<80xi32, #tpu.memory_space<vmem>>, vector<16xi32>,
          %swap3A_919 = arith.constant 32 : index
          %swap3A_920 = tpu.vector_load %arg20[%swap3A_919] {strides = array<i32>} : memref<80xi32, #tpu.memory_space<vmem>>, vector<16xi32>,
          %swap3A_921 = vector.shape_cast %swap3A_920 : vector<16xi32> to vector<16xi32>
          %swap3A_922 = vector.shape_cast %get3A_907 : vector<16xi32> to vector<16xi32>
          tpu.vector_store %arg20[%swap3A_919], %swap3A_922 {strides = array<i32>} : memref<80xi32, #tpu.memory_space<vmem>>, vector<16xi32>,
          %mul3A_923 = arith.constant 64 : i32
          %mul3A_924 = vector.broadcast %mul3A_923 : i32 to vector<16xi32>
          %mul3A_925 = arith.muli %get3A_907, %mul3A_924 : vector<16xi32>
          %add3A_926 = arith.addi %mul3A_925, %get3A_912 : vector<16xi32>
          %swap3A_927 = arith.constant 32 : index
          %swap3A_928 = tpu.vector_load %arg26[%swap3A_927] {strides = array<i32>} : memref<80xi32, #tpu.memory_space<vmem>>, vector<16xi32>,
          %swap3A_929 = vector.shape_cast %swap3A_928 : vector<16xi32> to vector<16xi32>
          %swap3A_930 = vector.shape_cast %add3A_926 : vector<16xi32> to vector<16xi32>
          tpu.vector_store %arg26[%swap3A_927], %swap3A_930 {strides = array<i32>} : memref<80xi32, #tpu.memory_space<vmem>>, vector<16xi32>,
          %get3A_931 = arith.constant 0 : i32
          %get3A_932 = arith.index_cast %get3A_931 : i32 to index
          %get3A_933 = arith.constant 48 : index
          %get3A_934 = tpu.vector_load %arg8[%get3A_932, %get3A_933] {strides = array<i32>} : memref<3x80xi32, #tpu.memory_space<vmem>>, vector<1x16xi32>,
          %get3A_935 = vector.shape_cast %get3A_934 : vector<1x16xi32> to vector<16xi32>
          %get3A_936 = arith.constant 1 : i32
          %get3A_937 = arith.index_cast %get3A_936 : i32 to index
          %get3A_938 = arith.constant 48 : index
          %get3A_939 = tpu.vector_load %arg8[%get3A_937, %get3A_938] {strides = array<i32>} : memref<3x80xi32, #tpu.memory_space<vmem>>, vector<1x16xi32>,
          %get3A_940 = vector.shape_cast %get3A_939 : vector<1x16xi32> to vector<16xi32>
          %get3A_941 = arith.constant 2 : i32
          %get3A_942 = arith.index_cast %get3A_941 : i32 to index
          %get3A_943 = arith.constant 48 : index
          %get3A_944 = tpu.vector_load %arg8[%get3A_942, %get3A_943] {strides = array<i32>} : memref<3x80xi32, #tpu.memory_space<vmem>>, vector<1x16xi32>,
          %get3A_945 = vector.shape_cast %get3A_944 : vector<1x16xi32> to vector<16xi32>
          %add3A_946 = vector.broadcast %mul3A_0 : i32 to vector<16xi32>
          %add3A_947 = arith.addi %get3A_935, %add3A_946 : vector<16xi32>
          %swap3A_948 = arith.constant 48 : index
          %swap3A_949 = tpu.vector_load %arg14[%swap3A_948] {strides = array<i32>} : memref<80xi32, #tpu.memory_space<vmem>>, vector<16xi32>,
          %swap3A_950 = vector.shape_cast %swap3A_949 : vector<16xi32> to vector<16xi32>
          %swap3A_951 = vector.shape_cast %add3A_947 : vector<16xi32> to vector<16xi32>
          tpu.vector_store %arg14[%swap3A_948], %swap3A_951 {strides = array<i32>} : memref<80xi32, #tpu.memory_space<vmem>>, vector<16xi32>,
          %swap3A_952 = arith.constant 48 : index
          %swap3A_953 = tpu.vector_load %arg20[%swap3A_952] {strides = array<i32>} : memref<80xi32, #tpu.memory_space<vmem>>, vector<16xi32>,
          %swap3A_954 = vector.shape_cast %swap3A_953 : vector<16xi32> to vector<16xi32>
          %swap3A_955 = vector.shape_cast %get3A_940 : vector<16xi32> to vector<16xi32>
          tpu.vector_store %arg20[%swap3A_952], %swap3A_955 {strides = array<i32>} : memref<80xi32, #tpu.memory_space<vmem>>, vector<16xi32>,
          %mul3A_956 = arith.constant 64 : i32
          %mul3A_957 = vector.broadcast %mul3A_956 : i32 to vector<16xi32>
          %mul3A_958 = arith.muli %get3A_940, %mul3A_957 : vector<16xi32>
          %add3A_959 = arith.addi %mul3A_958, %get3A_945 : vector<16xi32>
          %swap3A_960 = arith.constant 48 : index
          %swap3A_961 = tpu.vector_load %arg26[%swap3A_960] {strides = array<i32>} : memref<80xi32, #tpu.memory_space<vmem>>, vector<16xi32>,
          %swap3A_962 = vector.shape_cast %swap3A_961 : vector<16xi32> to vector<16xi32>
          %swap3A_963 = vector.shape_cast %add3A_959 : vector<16xi32> to vector<16xi32>
          tpu.vector_store %arg26[%swap3A_960], %swap3A_963 {strides = array<i32>} : memref<80xi32, #tpu.memory_space<vmem>>, vector<16xi32>,
          %get3A_964 = arith.constant 0 : i32
          %get3A_965 = arith.index_cast %get3A_964 : i32 to index
          %get3A_966 = arith.constant 64 : index
          %get3A_967 = tpu.vector_load %arg8[%get3A_965, %get3A_966] {strides = array<i32>} : memref<3x80xi32, #tpu.memory_space<vmem>>, vector<1x16xi32>,
          %get3A_968 = vector.shape_cast %get3A_967 : vector<1x16xi32> to vector<16xi32>
          %get3A_969 = arith.constant 1 : i32
          %get3A_970 = arith.index_cast %get3A_969 : i32 to index
          %get3A_971 = arith.constant 64 : index
          %get3A_972 = tpu.vector_load %arg8[%get3A_970, %get3A_971] {strides = array<i32>} : memref<3x80xi32, #tpu.memory_space<vmem>>, vector<1x16xi32>,
          %get3A_973 = vector.shape_cast %get3A_972 : vector<1x16xi32> to vector<16xi32>
          %get3A_974 = arith.constant 2 : i32
          %get3A_975 = arith.index_cast %get3A_974 : i32 to index
          %get3A_976 = arith.constant 64 : index
          %get3A_977 = tpu.vector_load %arg8[%get3A_975, %get3A_976] {strides = array<i32>} : memref<3x80xi32, #tpu.memory_space<vmem>>, vector<1x16xi32>,
          %get3A_978 = vector.shape_cast %get3A_977 : vector<1x16xi32> to vector<16xi32>
          %add3A_979 = vector.broadcast %mul3A_0 : i32 to vector<16xi32>
          %add3A_980 = arith.addi %get3A_968, %add3A_979 : vector<16xi32>
          %swap3A_981 = arith.constant 64 : index
          %swap3A_982 = tpu.vector_load %arg14[%swap3A_981] {strides = array<i32>} : memref<80xi32, #tpu.memory_space<vmem>>, vector<16xi32>,
          %swap3A_983 = vector.shape_cast %swap3A_982 : vector<16xi32> to vector<16xi32>
          %swap3A_984 = vector.shape_cast %add3A_980 : vector<16xi32> to vector<16xi32>
          tpu.vector_store %arg14[%swap3A_981], %swap3A_984 {strides = array<i32>} : memref<80xi32, #tpu.memory_space<vmem>>, vector<16xi32>,
          %swap3A_985 = arith.constant 64 : index
          %swap3A_986 = tpu.vector_load %arg20[%swap3A_985] {strides = array<i32>} : memref<80xi32, #tpu.memory_space<vmem>>, vector<16xi32>,
          %swap3A_987 = vector.shape_cast %swap3A_986 : vector<16xi32> to vector<16xi32>
          %swap3A_988 = vector.shape_cast %get3A_973 : vector<16xi32> to vector<16xi32>
          tpu.vector_store %arg20[%swap3A_985], %swap3A_988 {strides = array<i32>} : memref<80xi32, #tpu.memory_space<vmem>>, vector<16xi32>,
          %mul3A_989 = arith.constant 64 : i32
          %mul3A_990 = vector.broadcast %mul3A_989 : i32 to vector<16xi32>
          %mul3A_991 = arith.muli %get3A_973, %mul3A_990 : vector<16xi32>
          %add3A_992 = arith.addi %mul3A_991, %get3A_978 : vector<16xi32>
          %swap3A_993 = arith.constant 64 : index
          %swap3A_994 = tpu.vector_load %arg26[%swap3A_993] {strides = array<i32>} : memref<80xi32, #tpu.memory_space<vmem>>, vector<16xi32>,
          %swap3A_995 = vector.shape_cast %swap3A_994 : vector<16xi32> to vector<16xi32>
          %swap3A_996 = vector.shape_cast %add3A_992 : vector<16xi32> to vector<16xi32>
          tpu.vector_store %arg26[%swap3A_993], %swap3A_996 {strides = array<i32>} : memref<80xi32, #tpu.memory_space<vmem>>, vector<16xi32>,
          %dma_start3A_997 = arith.constant 0 : i32
          %dma_start3A_998 = arith.constant 0 : i32
          %dma_start3A_999 = tpu.memref_slice %arg2[%dma_start3A_997, %dma_start3A_998] : memref<20000x64xf32, #tpu.memory_space<hbm>> -> memref<20000x64xf32, #tpu.memory_space<hbm>>
          tpu.enqueue_indirect_dma source(%dma_start3A_999 : memref<20000x64xf32, #tpu.memory_space<hbm>>) target(%arg32 : memref<80x64xf32, #tpu.memory_space<vmem>>) offsets(%arg14 : memref<80xi32, #tpu.memory_space<vmem>>) semaphore(%arg47 : memref<!tpu.dma_semaphore, #tpu.memory_space<semaphore_mem>>)
          %add3A_1000 = arith.constant 6 : i32
          %add3A_1001 = arith.addi %add3A_813, %add3A_1000 : i32
          %lt3A_1002 = arith.constant 250 : i32
          %lt3A_1003 = arith.cmpi slt, %add3A_1001, %lt3A_1002 : i32
          %convert_element_type3A_1004 = arith.extui %lt3A_1003 : i1 to i32
          %cond3A_1005 = arith.constant 0 : i32
          %cond3A_1006 = arith.cmpi ne, %convert_element_type3A_1004, %cond3A_1005 : i32
          scf.if %cond3A_1006 {
            %add3A_1007 = arith.constant 6 : i32
            %add3A_1008 = arith.addi %add3A_813, %add3A_1007 : i32
            %dma_start3A_1009 = arith.constant 0 : i32
            %dma_start3A_1010 = arith.constant 0 : i32
            %dma_start3A_1011 = tpu.memref_slice %arg3[%arg1, %add3A_1008, %dma_start3A_1009, %dma_start3A_1010] : memref<16x250x3x80xi32, #tpu.memory_space<hbm>> -> memref<1x1x3x80xi32, #tpu.memory_space<hbm>>
            %dma_start3A_1012 = tpu.memref_squeeze %dma_start3A_1011 : memref<1x1x3x80xi32, #tpu.memory_space<hbm>> -> memref<3x80xi32, #tpu.memory_space<hbm>>
            %dma_start3A_1013 = arith.constant 0 : i32
            %dma_start3A_1014 = arith.constant 0 : i32
            %dma_start3A_1015 = tpu.memref_slice %arg3[%arg1, %add3A_1008, %dma_start3A_1013, %dma_start3A_1014] : memref<16x250x3x80xi32, #tpu.memory_space<hbm>> -> memref<1x1x3x80xi32, #tpu.memory_space<hbm>>
            %dma_start3A_1016 = tpu.memref_squeeze %dma_start3A_1015 : memref<1x1x3x80xi32, #tpu.memory_space<hbm>> -> memref<3x80xi32, #tpu.memory_space<hbm>>
            tpu.enqueue_dma source(%dma_start3A_1016 : memref<3x80xi32, #tpu.memory_space<hbm>>) target(%arg8 : memref<3x80xi32, #tpu.memory_space<vmem>>) target_semaphore(%arg41 : memref<!tpu.dma_semaphore, #tpu.memory_space<semaphore_mem>>)
          } else {
          }
        } else {
        }
      } else {
      }
      %mul3A_783 = arith.constant 6 : i32
      %mul3A_784 = arith.muli %mul3A_783, %scan3A_747 : i32
      %add3A_785 = arith.constant 4 : i32
      %add3A_786 = arith.addi %mul3A_784, %add3A_785 : i32
      %lt3A_787 = arith.constant 250 : i32
      %lt3A_788 = arith.cmpi slt, %add3A_786, %lt3A_787 : i32
      %convert_element_type3A_789 = arith.extui %lt3A_788 : i1 to i32
      %cond3A_790 = arith.constant 0 : i32
      %cond3A_791 = arith.cmpi ne, %convert_element_type3A_789, %cond3A_790 : i32
      scf.if %cond3A_791 {
        %dma_wait3A_801 = arith.constant 0 : i32
        %dma_wait3A_802 = arith.constant 0 : i32
        %dma_wait3A_803 = tpu.memref_slice %arg2[%dma_wait3A_801, %dma_wait3A_802] : memref<20000x64xf32, #tpu.memory_space<hbm>> -> memref<20000x64xf32, #tpu.memory_space<hbm>>
        tpu.wait_indirect_dma semaphore(%arg51 : memref<!tpu.dma_semaphore, #tpu.memory_space<semaphore_mem>>) src(%dma_wait3A_803 : memref<20000x64xf32, #tpu.memory_space<hbm>>) dst(%arg36 : memref<80x64xf32, #tpu.memory_space<vmem>>)
        %dma_start3A_804 = arith.constant 0 : i32
        %dma_start3A_805 = arith.constant 0 : i32
        %dma_start3A_806 = tpu.memref_slice %arg6[%dma_start3A_804, %dma_start3A_805] : memref<10000x64xf32, #tpu.memory_space<vmem_shared>> -> memref<10000x64xf32, #tpu.memory_space<vmem_shared>>
        tpu.enqueue_indirect_dma source(%arg36 : memref<80x64xf32, #tpu.memory_space<vmem>>) target(%dma_start3A_806 : memref<10000x64xf32, #tpu.memory_space<vmem_shared>>) offsets(%arg24 : memref<80xi32, #tpu.memory_space<vmem>>) semaphore(%arg57 : memref<!tpu.dma_semaphore, #tpu.memory_space<semaphore_mem>>) {add = true}
        %eq3A_807 = arith.constant 0 : i32
        %eq3A_808 = arith.cmpi eq, %arg0, %eq3A_807 : i32
        %convert_element_type3A_809 = arith.extui %eq3A_808 : i1 to i32
        %cond3A_810 = arith.constant 0 : i32
        %cond3A_811 = arith.cmpi ne, %convert_element_type3A_809, %cond3A_810 : i32
        scf.if %cond3A_811 {
          %dma_start3A_819 = arith.constant 0 : i32
          %dma_start3A_820 = tpu.memref_slice %arg7[%dma_start3A_819] : memref<640000xf32, #tpu.memory_space<vmem_shared>> -> memref<640000xf32, #tpu.memory_space<vmem_shared>>
          tpu.enqueue_indirect_dma source(%arg38 : memref<80xf32, #tpu.memory_space<vmem>>) target(%dma_start3A_820 : memref<640000xf32, #tpu.memory_space<vmem_shared>>) offsets(%arg30 : memref<80xi32, #tpu.memory_space<vmem>>) semaphore(%arg63 : memref<!tpu.dma_semaphore, #tpu.memory_space<semaphore_mem>>) {add = true}
        } else {
        }
        %add3A_812 = arith.constant 3 : i32
        %add3A_813 = arith.addi %add3A_786, %add3A_812 : i32
        %lt3A_814 = arith.constant 250 : i32
        %lt3A_815 = arith.cmpi slt, %add3A_813, %lt3A_814 : i32
        %convert_element_type3A_816 = arith.extui %lt3A_815 : i1 to i32
        %cond3A_817 = arith.constant 0 : i32
        %cond3A_818 = arith.cmpi ne, %convert_element_type3A_816, %cond3A_817 : i32
        scf.if %cond3A_818 {
          %dma_wait3A_819 = arith.constant 0 : i32
          %dma_wait3A_820 = arith.constant 0 : i32
          %dma_wait3A_821 = arith.constant 0 : i32
          %dma_wait3A_822 = tpu.memref_slice %arg3[%arg1, %dma_wait3A_819, %dma_wait3A_820, %dma_wait3A_821] : memref<16x250x3x80xi32, #tpu.memory_space<hbm>> -> memref<1x1x3x80xi32, #tpu.memory_space<hbm>>
          %dma_wait3A_823 = tpu.memref_squeeze %dma_wait3A_822 : memref<1x1x3x80xi32, #tpu.memory_space<hbm>> -> memref<3x80xi32, #tpu.memory_space<hbm>>
          %dma_wait3A_824 = arith.constant 0 : i32
          %dma_wait3A_825 = arith.constant 0 : i32
          %dma_wait3A_826 = tpu.memref_slice %arg3[%arg1, %dma_wait3A_819, %dma_wait3A_824, %dma_wait3A_825] : memref<16x250x3x80xi32, #tpu.memory_space<hbm>> -> memref<1x1x3x80xi32, #tpu.memory_space<hbm>>
          %dma_wait3A_827 = tpu.memref_squeeze %dma_wait3A_826 : memref<1x1x3x80xi32, #tpu.memory_space<hbm>> -> memref<3x80xi32, #tpu.memory_space<hbm>>
          tpu.wait_dma2 semaphore(%arg42 : memref<!tpu.dma_semaphore, #tpu.memory_space<semaphore_mem>>) src(%dma_wait3A_827 : memref<3x80xi32, #tpu.memory_space<hbm>>) dst(%arg9 : memref<3x80xi32, #tpu.memory_space<vmem>>)
          %ge3A = arith.constant 6 : i32
          %ge3A_828 = arith.cmpi sge, %add3A_813, %ge3A : i32
          %convert_element_type3A_829 = arith.extui %ge3A_828 : i1 to i32
          %cond3A_830 = arith.constant 0 : i32
          %cond3A_831 = arith.cmpi ne, %convert_element_type3A_829, %cond3A_830 : i32
          scf.if %cond3A_831 {
            %dma_wait3A_1007 = arith.constant 0 : i32
            %dma_wait3A_1008 = arith.constant 0 : i32
            %dma_wait3A_1009 = tpu.memref_slice %arg6[%dma_wait3A_1007, %dma_wait3A_1008] : memref<10000x64xf32, #tpu.memory_space<vmem_shared>> -> memref<10000x64xf32, #tpu.memory_space<vmem_shared>>
            tpu.wait_indirect_dma semaphore(%arg54 : memref<!tpu.dma_semaphore, #tpu.memory_space<semaphore_mem>>) src(%arg33 : memref<80x64xf32, #tpu.memory_space<vmem>>) dst(%dma_wait3A_1009 : memref<10000x64xf32, #tpu.memory_space<vmem_shared>>)
            %eq3A_1010 = arith.constant 1 : i32
            %eq3A_1011 = arith.cmpi eq, %arg0, %eq3A_1010 : i32
            %convert_element_type3A_1012 = arith.extui %eq3A_1011 : i1 to i32
            %cond3A_1013 = arith.constant 0 : i32
            %cond3A_1014 = arith.cmpi ne, %convert_element_type3A_1012, %cond3A_1013 : i32
            scf.if %cond3A_1014 {
              %dma_wait3A_1015 = arith.constant 0 : i32
              %dma_wait3A_1016 = tpu.memref_slice %arg7[%dma_wait3A_1015] : memref<640000xf32, #tpu.memory_space<vmem_shared>> -> memref<640000xf32, #tpu.memory_space<vmem_shared>>
              tpu.wait_indirect_dma semaphore(%arg60 : memref<!tpu.dma_semaphore, #tpu.memory_space<semaphore_mem>>) src(%arg38 : memref<80xf32, #tpu.memory_space<vmem>>) dst(%dma_wait3A_1016 : memref<640000xf32, #tpu.memory_space<vmem_shared>>)
            } else {
            }
          } else {
          }
          %get3A_832 = arith.constant 0 : i32
          %get3A_833 = arith.index_cast %get3A_832 : i32 to index
          %get3A_834 = arith.constant 0 : index
          %get3A_835 = tpu.vector_load %arg9[%get3A_833, %get3A_834] {strides = array<i32>} : memref<3x80xi32, #tpu.memory_space<vmem>>, vector<1x16xi32>,
          %get3A_836 = vector.shape_cast %get3A_835 : vector<1x16xi32> to vector<16xi32>
          %get3A_837 = arith.constant 1 : i32
          %get3A_838 = arith.index_cast %get3A_837 : i32 to index
          %get3A_839 = arith.constant 0 : index
          %get3A_840 = tpu.vector_load %arg9[%get3A_838, %get3A_839] {strides = array<i32>} : memref<3x80xi32, #tpu.memory_space<vmem>>, vector<1x16xi32>,
          %get3A_841 = vector.shape_cast %get3A_840 : vector<1x16xi32> to vector<16xi32>
          %get3A_842 = arith.constant 2 : i32
          %get3A_843 = arith.index_cast %get3A_842 : i32 to index
          %get3A_844 = arith.constant 0 : index
          %get3A_845 = tpu.vector_load %arg9[%get3A_843, %get3A_844] {strides = array<i32>} : memref<3x80xi32, #tpu.memory_space<vmem>>, vector<1x16xi32>,
          %get3A_846 = vector.shape_cast %get3A_845 : vector<1x16xi32> to vector<16xi32>
          %add3A_847 = vector.broadcast %mul3A_0 : i32 to vector<16xi32>
          %add3A_848 = arith.addi %get3A_836, %add3A_847 : vector<16xi32>
          %swap3A_849 = arith.constant 0 : index
          %swap3A_850 = tpu.vector_load %arg15[%swap3A_849] {strides = array<i32>} : memref<80xi32, #tpu.memory_space<vmem>>, vector<16xi32>,
          %swap3A_851 = vector.shape_cast %swap3A_850 : vector<16xi32> to vector<16xi32>
          %swap3A_852 = vector.shape_cast %add3A_848 : vector<16xi32> to vector<16xi32>
          tpu.vector_store %arg15[%swap3A_849], %swap3A_852 {strides = array<i32>} : memref<80xi32, #tpu.memory_space<vmem>>, vector<16xi32>,
          %swap3A_853 = arith.constant 0 : index
          %swap3A_854 = tpu.vector_load %arg21[%swap3A_853] {strides = array<i32>} : memref<80xi32, #tpu.memory_space<vmem>>, vector<16xi32>,
          %swap3A_855 = vector.shape_cast %swap3A_854 : vector<16xi32> to vector<16xi32>
          %swap3A_856 = vector.shape_cast %get3A_841 : vector<16xi32> to vector<16xi32>
          tpu.vector_store %arg21[%swap3A_853], %swap3A_856 {strides = array<i32>} : memref<80xi32, #tpu.memory_space<vmem>>, vector<16xi32>,
          %mul3A_857 = arith.constant 64 : i32
          %mul3A_858 = vector.broadcast %mul3A_857 : i32 to vector<16xi32>
          %mul3A_859 = arith.muli %get3A_841, %mul3A_858 : vector<16xi32>
          %add3A_860 = arith.addi %mul3A_859, %get3A_846 : vector<16xi32>
          %swap3A_861 = arith.constant 0 : index
          %swap3A_862 = tpu.vector_load %arg27[%swap3A_861] {strides = array<i32>} : memref<80xi32, #tpu.memory_space<vmem>>, vector<16xi32>,
          %swap3A_863 = vector.shape_cast %swap3A_862 : vector<16xi32> to vector<16xi32>
          %swap3A_864 = vector.shape_cast %add3A_860 : vector<16xi32> to vector<16xi32>
          tpu.vector_store %arg27[%swap3A_861], %swap3A_864 {strides = array<i32>} : memref<80xi32, #tpu.memory_space<vmem>>, vector<16xi32>,
          %get3A_865 = arith.constant 0 : i32
          %get3A_866 = arith.index_cast %get3A_865 : i32 to index
          %get3A_867 = arith.constant 16 : index
          %get3A_868 = tpu.vector_load %arg9[%get3A_866, %get3A_867] {strides = array<i32>} : memref<3x80xi32, #tpu.memory_space<vmem>>, vector<1x16xi32>,
          %get3A_869 = vector.shape_cast %get3A_868 : vector<1x16xi32> to vector<16xi32>
          %get3A_870 = arith.constant 1 : i32
          %get3A_871 = arith.index_cast %get3A_870 : i32 to index
          %get3A_872 = arith.constant 16 : index
          %get3A_873 = tpu.vector_load %arg9[%get3A_871, %get3A_872] {strides = array<i32>} : memref<3x80xi32, #tpu.memory_space<vmem>>, vector<1x16xi32>,
          %get3A_874 = vector.shape_cast %get3A_873 : vector<1x16xi32> to vector<16xi32>
          %get3A_875 = arith.constant 2 : i32
          %get3A_876 = arith.index_cast %get3A_875 : i32 to index
          %get3A_877 = arith.constant 16 : index
          %get3A_878 = tpu.vector_load %arg9[%get3A_876, %get3A_877] {strides = array<i32>} : memref<3x80xi32, #tpu.memory_space<vmem>>, vector<1x16xi32>,
          %get3A_879 = vector.shape_cast %get3A_878 : vector<1x16xi32> to vector<16xi32>
          %add3A_880 = vector.broadcast %mul3A_0 : i32 to vector<16xi32>
          %add3A_881 = arith.addi %get3A_869, %add3A_880 : vector<16xi32>
          %swap3A_882 = arith.constant 16 : index
          %swap3A_883 = tpu.vector_load %arg15[%swap3A_882] {strides = array<i32>} : memref<80xi32, #tpu.memory_space<vmem>>, vector<16xi32>,
          %swap3A_884 = vector.shape_cast %swap3A_883 : vector<16xi32> to vector<16xi32>
          %swap3A_885 = vector.shape_cast %add3A_881 : vector<16xi32> to vector<16xi32>
          tpu.vector_store %arg15[%swap3A_882], %swap3A_885 {strides = array<i32>} : memref<80xi32, #tpu.memory_space<vmem>>, vector<16xi32>,
          %swap3A_886 = arith.constant 16 : index
          %swap3A_887 = tpu.vector_load %arg21[%swap3A_886] {strides = array<i32>} : memref<80xi32, #tpu.memory_space<vmem>>, vector<16xi32>,
          %swap3A_888 = vector.shape_cast %swap3A_887 : vector<16xi32> to vector<16xi32>
          %swap3A_889 = vector.shape_cast %get3A_874 : vector<16xi32> to vector<16xi32>
          tpu.vector_store %arg21[%swap3A_886], %swap3A_889 {strides = array<i32>} : memref<80xi32, #tpu.memory_space<vmem>>, vector<16xi32>,
          %mul3A_890 = arith.constant 64 : i32
          %mul3A_891 = vector.broadcast %mul3A_890 : i32 to vector<16xi32>
          %mul3A_892 = arith.muli %get3A_874, %mul3A_891 : vector<16xi32>
          %add3A_893 = arith.addi %mul3A_892, %get3A_879 : vector<16xi32>
          %swap3A_894 = arith.constant 16 : index
          %swap3A_895 = tpu.vector_load %arg27[%swap3A_894] {strides = array<i32>} : memref<80xi32, #tpu.memory_space<vmem>>, vector<16xi32>,
          %swap3A_896 = vector.shape_cast %swap3A_895 : vector<16xi32> to vector<16xi32>
          %swap3A_897 = vector.shape_cast %add3A_893 : vector<16xi32> to vector<16xi32>
          tpu.vector_store %arg27[%swap3A_894], %swap3A_897 {strides = array<i32>} : memref<80xi32, #tpu.memory_space<vmem>>, vector<16xi32>,
          %get3A_898 = arith.constant 0 : i32
          %get3A_899 = arith.index_cast %get3A_898 : i32 to index
          %get3A_900 = arith.constant 32 : index
          %get3A_901 = tpu.vector_load %arg9[%get3A_899, %get3A_900] {strides = array<i32>} : memref<3x80xi32, #tpu.memory_space<vmem>>, vector<1x16xi32>,
          %get3A_902 = vector.shape_cast %get3A_901 : vector<1x16xi32> to vector<16xi32>
          %get3A_903 = arith.constant 1 : i32
          %get3A_904 = arith.index_cast %get3A_903 : i32 to index
          %get3A_905 = arith.constant 32 : index
          %get3A_906 = tpu.vector_load %arg9[%get3A_904, %get3A_905] {strides = array<i32>} : memref<3x80xi32, #tpu.memory_space<vmem>>, vector<1x16xi32>,
          %get3A_907 = vector.shape_cast %get3A_906 : vector<1x16xi32> to vector<16xi32>
          %get3A_908 = arith.constant 2 : i32
          %get3A_909 = arith.index_cast %get3A_908 : i32 to index
          %get3A_910 = arith.constant 32 : index
          %get3A_911 = tpu.vector_load %arg9[%get3A_909, %get3A_910] {strides = array<i32>} : memref<3x80xi32, #tpu.memory_space<vmem>>, vector<1x16xi32>,
          %get3A_912 = vector.shape_cast %get3A_911 : vector<1x16xi32> to vector<16xi32>
          %add3A_913 = vector.broadcast %mul3A_0 : i32 to vector<16xi32>
          %add3A_914 = arith.addi %get3A_902, %add3A_913 : vector<16xi32>
          %swap3A_915 = arith.constant 32 : index
          %swap3A_916 = tpu.vector_load %arg15[%swap3A_915] {strides = array<i32>} : memref<80xi32, #tpu.memory_space<vmem>>, vector<16xi32>,
          %swap3A_917 = vector.shape_cast %swap3A_916 : vector<16xi32> to vector<16xi32>
          %swap3A_918 = vector.shape_cast %add3A_914 : vector<16xi32> to vector<16xi32>
          tpu.vector_store %arg15[%swap3A_915], %swap3A_918 {strides = array<i32>} : memref<80xi32, #tpu.memory_space<vmem>>, vector<16xi32>,
          %swap3A_919 = arith.constant 32 : index
          %swap3A_920 = tpu.vector_load %arg21[%swap3A_919] {strides = array<i32>} : memref<80xi32, #tpu.memory_space<vmem>>, vector<16xi32>,
          %swap3A_921 = vector.shape_cast %swap3A_920 : vector<16xi32> to vector<16xi32>
          %swap3A_922 = vector.shape_cast %get3A_907 : vector<16xi32> to vector<16xi32>
          tpu.vector_store %arg21[%swap3A_919], %swap3A_922 {strides = array<i32>} : memref<80xi32, #tpu.memory_space<vmem>>, vector<16xi32>,
          %mul3A_923 = arith.constant 64 : i32
          %mul3A_924 = vector.broadcast %mul3A_923 : i32 to vector<16xi32>
          %mul3A_925 = arith.muli %get3A_907, %mul3A_924 : vector<16xi32>
          %add3A_926 = arith.addi %mul3A_925, %get3A_912 : vector<16xi32>
          %swap3A_927 = arith.constant 32 : index
          %swap3A_928 = tpu.vector_load %arg27[%swap3A_927] {strides = array<i32>} : memref<80xi32, #tpu.memory_space<vmem>>, vector<16xi32>,
          %swap3A_929 = vector.shape_cast %swap3A_928 : vector<16xi32> to vector<16xi32>
          %swap3A_930 = vector.shape_cast %add3A_926 : vector<16xi32> to vector<16xi32>
          tpu.vector_store %arg27[%swap3A_927], %swap3A_930 {strides = array<i32>} : memref<80xi32, #tpu.memory_space<vmem>>, vector<16xi32>,
          %get3A_931 = arith.constant 0 : i32
          %get3A_932 = arith.index_cast %get3A_931 : i32 to index
          %get3A_933 = arith.constant 48 : index
          %get3A_934 = tpu.vector_load %arg9[%get3A_932, %get3A_933] {strides = array<i32>} : memref<3x80xi32, #tpu.memory_space<vmem>>, vector<1x16xi32>,
          %get3A_935 = vector.shape_cast %get3A_934 : vector<1x16xi32> to vector<16xi32>
          %get3A_936 = arith.constant 1 : i32
          %get3A_937 = arith.index_cast %get3A_936 : i32 to index
          %get3A_938 = arith.constant 48 : index
          %get3A_939 = tpu.vector_load %arg9[%get3A_937, %get3A_938] {strides = array<i32>} : memref<3x80xi32, #tpu.memory_space<vmem>>, vector<1x16xi32>,
          %get3A_940 = vector.shape_cast %get3A_939 : vector<1x16xi32> to vector<16xi32>
          %get3A_941 = arith.constant 2 : i32
          %get3A_942 = arith.index_cast %get3A_941 : i32 to index
          %get3A_943 = arith.constant 48 : index
          %get3A_944 = tpu.vector_load %arg9[%get3A_942, %get3A_943] {strides = array<i32>} : memref<3x80xi32, #tpu.memory_space<vmem>>, vector<1x16xi32>,
          %get3A_945 = vector.shape_cast %get3A_944 : vector<1x16xi32> to vector<16xi32>
          %add3A_946 = vector.broadcast %mul3A_0 : i32 to vector<16xi32>
          %add3A_947 = arith.addi %get3A_935, %add3A_946 : vector<16xi32>
          %swap3A_948 = arith.constant 48 : index
          %swap3A_949 = tpu.vector_load %arg15[%swap3A_948] {strides = array<i32>} : memref<80xi32, #tpu.memory_space<vmem>>, vector<16xi32>,
          %swap3A_950 = vector.shape_cast %swap3A_949 : vector<16xi32> to vector<16xi32>
          %swap3A_951 = vector.shape_cast %add3A_947 : vector<16xi32> to vector<16xi32>
          tpu.vector_store %arg15[%swap3A_948], %swap3A_951 {strides = array<i32>} : memref<80xi32, #tpu.memory_space<vmem>>, vector<16xi32>,
          %swap3A_952 = arith.constant 48 : index
          %swap3A_953 = tpu.vector_load %arg21[%swap3A_952] {strides = array<i32>} : memref<80xi32, #tpu.memory_space<vmem>>, vector<16xi32>,
          %swap3A_954 = vector.shape_cast %swap3A_953 : vector<16xi32> to vector<16xi32>
          %swap3A_955 = vector.shape_cast %get3A_940 : vector<16xi32> to vector<16xi32>
          tpu.vector_store %arg21[%swap3A_952], %swap3A_955 {strides = array<i32>} : memref<80xi32, #tpu.memory_space<vmem>>, vector<16xi32>,
          %mul3A_956 = arith.constant 64 : i32
          %mul3A_957 = vector.broadcast %mul3A_956 : i32 to vector<16xi32>
          %mul3A_958 = arith.muli %get3A_940, %mul3A_957 : vector<16xi32>
          %add3A_959 = arith.addi %mul3A_958, %get3A_945 : vector<16xi32>
          %swap3A_960 = arith.constant 48 : index
          %swap3A_961 = tpu.vector_load %arg27[%swap3A_960] {strides = array<i32>} : memref<80xi32, #tpu.memory_space<vmem>>, vector<16xi32>,
          %swap3A_962 = vector.shape_cast %swap3A_961 : vector<16xi32> to vector<16xi32>
          %swap3A_963 = vector.shape_cast %add3A_959 : vector<16xi32> to vector<16xi32>
          tpu.vector_store %arg27[%swap3A_960], %swap3A_963 {strides = array<i32>} : memref<80xi32, #tpu.memory_space<vmem>>, vector<16xi32>,
          %get3A_964 = arith.constant 0 : i32
          %get3A_965 = arith.index_cast %get3A_964 : i32 to index
          %get3A_966 = arith.constant 64 : index
          %get3A_967 = tpu.vector_load %arg9[%get3A_965, %get3A_966] {strides = array<i32>} : memref<3x80xi32, #tpu.memory_space<vmem>>, vector<1x16xi32>,
          %get3A_968 = vector.shape_cast %get3A_967 : vector<1x16xi32> to vector<16xi32>
          %get3A_969 = arith.constant 1 : i32
          %get3A_970 = arith.index_cast %get3A_969 : i32 to index
          %get3A_971 = arith.constant 64 : index
          %get3A_972 = tpu.vector_load %arg9[%get3A_970, %get3A_971] {strides = array<i32>} : memref<3x80xi32, #tpu.memory_space<vmem>>, vector<1x16xi32>,
          %get3A_973 = vector.shape_cast %get3A_972 : vector<1x16xi32> to vector<16xi32>
          %get3A_974 = arith.constant 2 : i32
          %get3A_975 = arith.index_cast %get3A_974 : i32 to index
          %get3A_976 = arith.constant 64 : index
          %get3A_977 = tpu.vector_load %arg9[%get3A_975, %get3A_976] {strides = array<i32>} : memref<3x80xi32, #tpu.memory_space<vmem>>, vector<1x16xi32>,
          %get3A_978 = vector.shape_cast %get3A_977 : vector<1x16xi32> to vector<16xi32>
          %add3A_979 = vector.broadcast %mul3A_0 : i32 to vector<16xi32>
          %add3A_980 = arith.addi %get3A_968, %add3A_979 : vector<16xi32>
          %swap3A_981 = arith.constant 64 : index
          %swap3A_982 = tpu.vector_load %arg15[%swap3A_981] {strides = array<i32>} : memref<80xi32, #tpu.memory_space<vmem>>, vector<16xi32>,
          %swap3A_983 = vector.shape_cast %swap3A_982 : vector<16xi32> to vector<16xi32>
          %swap3A_984 = vector.shape_cast %add3A_980 : vector<16xi32> to vector<16xi32>
          tpu.vector_store %arg15[%swap3A_981], %swap3A_984 {strides = array<i32>} : memref<80xi32, #tpu.memory_space<vmem>>, vector<16xi32>,
          %swap3A_985 = arith.constant 64 : index
          %swap3A_986 = tpu.vector_load %arg21[%swap3A_985] {strides = array<i32>} : memref<80xi32, #tpu.memory_space<vmem>>, vector<16xi32>,
          %swap3A_987 = vector.shape_cast %swap3A_986 : vector<16xi32> to vector<16xi32>
          %swap3A_988 = vector.shape_cast %get3A_973 : vector<16xi32> to vector<16xi32>
          tpu.vector_store %arg21[%swap3A_985], %swap3A_988 {strides = array<i32>} : memref<80xi32, #tpu.memory_space<vmem>>, vector<16xi32>,
          %mul3A_989 = arith.constant 64 : i32
          %mul3A_990 = vector.broadcast %mul3A_989 : i32 to vector<16xi32>
          %mul3A_991 = arith.muli %get3A_973, %mul3A_990 : vector<16xi32>
          %add3A_992 = arith.addi %mul3A_991, %get3A_978 : vector<16xi32>
          %swap3A_993 = arith.constant 64 : index
          %swap3A_994 = tpu.vector_load %arg27[%swap3A_993] {strides = array<i32>} : memref<80xi32, #tpu.memory_space<vmem>>, vector<16xi32>,
          %swap3A_995 = vector.shape_cast %swap3A_994 : vector<16xi32> to vector<16xi32>
          %swap3A_996 = vector.shape_cast %add3A_992 : vector<16xi32> to vector<16xi32>
          tpu.vector_store %arg27[%swap3A_993], %swap3A_996 {strides = array<i32>} : memref<80xi32, #tpu.memory_space<vmem>>, vector<16xi32>,
          %dma_start3A_997 = arith.constant 0 : i32
          %dma_start3A_998 = arith.constant 0 : i32
          %dma_start3A_999 = tpu.memref_slice %arg2[%dma_start3A_997, %dma_start3A_998] : memref<20000x64xf32, #tpu.memory_space<hbm>> -> memref<20000x64xf32, #tpu.memory_space<hbm>>
          tpu.enqueue_indirect_dma source(%dma_start3A_999 : memref<20000x64xf32, #tpu.memory_space<hbm>>) target(%arg33 : memref<80x64xf32, #tpu.memory_space<vmem>>) offsets(%arg15 : memref<80xi32, #tpu.memory_space<vmem>>) semaphore(%arg48 : memref<!tpu.dma_semaphore, #tpu.memory_space<semaphore_mem>>)
          %add3A_1000 = arith.constant 6 : i32
          %add3A_1001 = arith.addi %add3A_813, %add3A_1000 : i32
          %lt3A_1002 = arith.constant 250 : i32
          %lt3A_1003 = arith.cmpi slt, %add3A_1001, %lt3A_1002 : i32
          %convert_element_type3A_1004 = arith.extui %lt3A_1003 : i1 to i32
          %cond3A_1005 = arith.constant 0 : i32
          %cond3A_1006 = arith.cmpi ne, %convert_element_type3A_1004, %cond3A_1005 : i32
          scf.if %cond3A_1006 {
            %add3A_1007 = arith.constant 6 : i32
            %add3A_1008 = arith.addi %add3A_813, %add3A_1007 : i32
            %dma_start3A_1009 = arith.constant 0 : i32
            %dma_start3A_1010 = arith.constant 0 : i32
            %dma_start3A_1011 = tpu.memref_slice %arg3[%arg1, %add3A_1008, %dma_start3A_1009, %dma_start3A_1010] : memref<16x250x3x80xi32, #tpu.memory_space<hbm>> -> memref<1x1x3x80xi32, #tpu.memory_space<hbm>>
            %dma_start3A_1012 = tpu.memref_squeeze %dma_start3A_1011 : memref<1x1x3x80xi32, #tpu.memory_space<hbm>> -> memref<3x80xi32, #tpu.memory_space<hbm>>
            %dma_start3A_1013 = arith.constant 0 : i32
            %dma_start3A_1014 = arith.constant 0 : i32
            %dma_start3A_1015 = tpu.memref_slice %arg3[%arg1, %add3A_1008, %dma_start3A_1013, %dma_start3A_1014] : memref<16x250x3x80xi32, #tpu.memory_space<hbm>> -> memref<1x1x3x80xi32, #tpu.memory_space<hbm>>
            %dma_start3A_1016 = tpu.memref_squeeze %dma_start3A_1015 : memref<1x1x3x80xi32, #tpu.memory_space<hbm>> -> memref<3x80xi32, #tpu.memory_space<hbm>>
            tpu.enqueue_dma source(%dma_start3A_1016 : memref<3x80xi32, #tpu.memory_space<hbm>>) target(%arg9 : memref<3x80xi32, #tpu.memory_space<vmem>>) target_semaphore(%arg42 : memref<!tpu.dma_semaphore, #tpu.memory_space<semaphore_mem>>)
          } else {
          }
        } else {
        }
      } else {
      }
      %mul3A_792 = arith.constant 6 : i32
      %mul3A_793 = arith.muli %mul3A_792, %scan3A_747 : i32
      %add3A_794 = arith.constant 5 : i32
      %add3A_795 = arith.addi %mul3A_793, %add3A_794 : i32
      %lt3A_796 = arith.constant 250 : i32
      %lt3A_797 = arith.cmpi slt, %add3A_795, %lt3A_796 : i32
      %convert_element_type3A_798 = arith.extui %lt3A_797 : i1 to i32
      %cond3A_799 = arith.constant 0 : i32
      %cond3A_800 = arith.cmpi ne, %convert_element_type3A_798, %cond3A_799 : i32
      scf.if %cond3A_800 {
        %dma_wait3A_801 = arith.constant 0 : i32
        %dma_wait3A_802 = arith.constant 0 : i32
        %dma_wait3A_803 = tpu.memref_slice %arg2[%dma_wait3A_801, %dma_wait3A_802] : memref<20000x64xf32, #tpu.memory_space<hbm>> -> memref<20000x64xf32, #tpu.memory_space<hbm>>
        tpu.wait_indirect_dma semaphore(%arg52 : memref<!tpu.dma_semaphore, #tpu.memory_space<semaphore_mem>>) src(%dma_wait3A_803 : memref<20000x64xf32, #tpu.memory_space<hbm>>) dst(%arg37 : memref<80x64xf32, #tpu.memory_space<vmem>>)
        %dma_start3A_804 = arith.constant 0 : i32
        %dma_start3A_805 = arith.constant 0 : i32
        %dma_start3A_806 = tpu.memref_slice %arg6[%dma_start3A_804, %dma_start3A_805] : memref<10000x64xf32, #tpu.memory_space<vmem_shared>> -> memref<10000x64xf32, #tpu.memory_space<vmem_shared>>
        tpu.enqueue_indirect_dma source(%arg37 : memref<80x64xf32, #tpu.memory_space<vmem>>) target(%dma_start3A_806 : memref<10000x64xf32, #tpu.memory_space<vmem_shared>>) offsets(%arg25 : memref<80xi32, #tpu.memory_space<vmem>>) semaphore(%arg58 : memref<!tpu.dma_semaphore, #tpu.memory_space<semaphore_mem>>) {add = true}
        %eq3A_807 = arith.constant 1 : i32
        %eq3A_808 = arith.cmpi eq, %arg0, %eq3A_807 : i32
        %convert_element_type3A_809 = arith.extui %eq3A_808 : i1 to i32
        %cond3A_810 = arith.constant 0 : i32
        %cond3A_811 = arith.cmpi ne, %convert_element_type3A_809, %cond3A_810 : i32
        scf.if %cond3A_811 {
          %dma_start3A_819 = arith.constant 0 : i32
          %dma_start3A_820 = tpu.memref_slice %arg7[%dma_start3A_819] : memref<640000xf32, #tpu.memory_space<vmem_shared>> -> memref<640000xf32, #tpu.memory_space<vmem_shared>>
          tpu.enqueue_indirect_dma source(%arg38 : memref<80xf32, #tpu.memory_space<vmem>>) target(%dma_start3A_820 : memref<640000xf32, #tpu.memory_space<vmem_shared>>) offsets(%arg31 : memref<80xi32, #tpu.memory_space<vmem>>) semaphore(%arg64 : memref<!tpu.dma_semaphore, #tpu.memory_space<semaphore_mem>>) {add = true}
        } else {
        }
        %add3A_812 = arith.constant 3 : i32
        %add3A_813 = arith.addi %add3A_795, %add3A_812 : i32
        %lt3A_814 = arith.constant 250 : i32
        %lt3A_815 = arith.cmpi slt, %add3A_813, %lt3A_814 : i32
        %convert_element_type3A_816 = arith.extui %lt3A_815 : i1 to i32
        %cond3A_817 = arith.constant 0 : i32
        %cond3A_818 = arith.cmpi ne, %convert_element_type3A_816, %cond3A_817 : i32
        scf.if %cond3A_818 {
          %dma_wait3A_819 = arith.constant 0 : i32
          %dma_wait3A_820 = arith.constant 0 : i32
          %dma_wait3A_821 = arith.constant 0 : i32
          %dma_wait3A_822 = tpu.memref_slice %arg3[%arg1, %dma_wait3A_819, %dma_wait3A_820, %dma_wait3A_821] : memref<16x250x3x80xi32, #tpu.memory_space<hbm>> -> memref<1x1x3x80xi32, #tpu.memory_space<hbm>>
          %dma_wait3A_823 = tpu.memref_squeeze %dma_wait3A_822 : memref<1x1x3x80xi32, #tpu.memory_space<hbm>> -> memref<3x80xi32, #tpu.memory_space<hbm>>
          %dma_wait3A_824 = arith.constant 0 : i32
          %dma_wait3A_825 = arith.constant 0 : i32
          %dma_wait3A_826 = tpu.memref_slice %arg3[%arg1, %dma_wait3A_819, %dma_wait3A_824, %dma_wait3A_825] : memref<16x250x3x80xi32, #tpu.memory_space<hbm>> -> memref<1x1x3x80xi32, #tpu.memory_space<hbm>>
          %dma_wait3A_827 = tpu.memref_squeeze %dma_wait3A_826 : memref<1x1x3x80xi32, #tpu.memory_space<hbm>> -> memref<3x80xi32, #tpu.memory_space<hbm>>
          tpu.wait_dma2 semaphore(%arg43 : memref<!tpu.dma_semaphore, #tpu.memory_space<semaphore_mem>>) src(%dma_wait3A_827 : memref<3x80xi32, #tpu.memory_space<hbm>>) dst(%arg10 : memref<3x80xi32, #tpu.memory_space<vmem>>)
          %ge3A = arith.constant 6 : i32
          %ge3A_828 = arith.cmpi sge, %add3A_813, %ge3A : i32
          %convert_element_type3A_829 = arith.extui %ge3A_828 : i1 to i32
          %cond3A_830 = arith.constant 0 : i32
          %cond3A_831 = arith.cmpi ne, %convert_element_type3A_829, %cond3A_830 : i32
          scf.if %cond3A_831 {
            %dma_wait3A_1007 = arith.constant 0 : i32
            %dma_wait3A_1008 = arith.constant 0 : i32
            %dma_wait3A_1009 = tpu.memref_slice %arg6[%dma_wait3A_1007, %dma_wait3A_1008] : memref<10000x64xf32, #tpu.memory_space<vmem_shared>> -> memref<10000x64xf32, #tpu.memory_space<vmem_shared>>
            tpu.wait_indirect_dma semaphore(%arg55 : memref<!tpu.dma_semaphore, #tpu.memory_space<semaphore_mem>>) src(%arg34 : memref<80x64xf32, #tpu.memory_space<vmem>>) dst(%dma_wait3A_1009 : memref<10000x64xf32, #tpu.memory_space<vmem_shared>>)
            %eq3A_1010 = arith.constant 0 : i32
            %eq3A_1011 = arith.cmpi eq, %arg0, %eq3A_1010 : i32
            %convert_element_type3A_1012 = arith.extui %eq3A_1011 : i1 to i32
            %cond3A_1013 = arith.constant 0 : i32
            %cond3A_1014 = arith.cmpi ne, %convert_element_type3A_1012, %cond3A_1013 : i32
            scf.if %cond3A_1014 {
              %dma_wait3A_1015 = arith.constant 0 : i32
              %dma_wait3A_1016 = tpu.memref_slice %arg7[%dma_wait3A_1015] : memref<640000xf32, #tpu.memory_space<vmem_shared>> -> memref<640000xf32, #tpu.memory_space<vmem_shared>>
              tpu.wait_indirect_dma semaphore(%arg61 : memref<!tpu.dma_semaphore, #tpu.memory_space<semaphore_mem>>) src(%arg38 : memref<80xf32, #tpu.memory_space<vmem>>) dst(%dma_wait3A_1016 : memref<640000xf32, #tpu.memory_space<vmem_shared>>)
            } else {
            }
          } else {
          }
          %get3A_832 = arith.constant 0 : i32
          %get3A_833 = arith.index_cast %get3A_832 : i32 to index
          %get3A_834 = arith.constant 0 : index
          %get3A_835 = tpu.vector_load %arg10[%get3A_833, %get3A_834] {strides = array<i32>} : memref<3x80xi32, #tpu.memory_space<vmem>>, vector<1x16xi32>,
          %get3A_836 = vector.shape_cast %get3A_835 : vector<1x16xi32> to vector<16xi32>
          %get3A_837 = arith.constant 1 : i32
          %get3A_838 = arith.index_cast %get3A_837 : i32 to index
          %get3A_839 = arith.constant 0 : index
          %get3A_840 = tpu.vector_load %arg10[%get3A_838, %get3A_839] {strides = array<i32>} : memref<3x80xi32, #tpu.memory_space<vmem>>, vector<1x16xi32>,
          %get3A_841 = vector.shape_cast %get3A_840 : vector<1x16xi32> to vector<16xi32>
          %get3A_842 = arith.constant 2 : i32
          %get3A_843 = arith.index_cast %get3A_842 : i32 to index
          %get3A_844 = arith.constant 0 : index
          %get3A_845 = tpu.vector_load %arg10[%get3A_843, %get3A_844] {strides = array<i32>} : memref<3x80xi32, #tpu.memory_space<vmem>>, vector<1x16xi32>,
          %get3A_846 = vector.shape_cast %get3A_845 : vector<1x16xi32> to vector<16xi32>
          %add3A_847 = vector.broadcast %mul3A_0 : i32 to vector<16xi32>
          %add3A_848 = arith.addi %get3A_836, %add3A_847 : vector<16xi32>
          %swap3A_849 = arith.constant 0 : index
          %swap3A_850 = tpu.vector_load %arg16[%swap3A_849] {strides = array<i32>} : memref<80xi32, #tpu.memory_space<vmem>>, vector<16xi32>,
          %swap3A_851 = vector.shape_cast %swap3A_850 : vector<16xi32> to vector<16xi32>
          %swap3A_852 = vector.shape_cast %add3A_848 : vector<16xi32> to vector<16xi32>
          tpu.vector_store %arg16[%swap3A_849], %swap3A_852 {strides = array<i32>} : memref<80xi32, #tpu.memory_space<vmem>>, vector<16xi32>,
          %swap3A_853 = arith.constant 0 : index
          %swap3A_854 = tpu.vector_load %arg22[%swap3A_853] {strides = array<i32>} : memref<80xi32, #tpu.memory_space<vmem>>, vector<16xi32>,
          %swap3A_855 = vector.shape_cast %swap3A_854 : vector<16xi32> to vector<16xi32>
          %swap3A_856 = vector.shape_cast %get3A_841 : vector<16xi32> to vector<16xi32>
          tpu.vector_store %arg22[%swap3A_853], %swap3A_856 {strides = array<i32>} : memref<80xi32, #tpu.memory_space<vmem>>, vector<16xi32>,
          %mul3A_857 = arith.constant 64 : i32
          %mul3A_858 = vector.broadcast %mul3A_857 : i32 to vector<16xi32>
          %mul3A_859 = arith.muli %get3A_841, %mul3A_858 : vector<16xi32>
          %add3A_860 = arith.addi %mul3A_859, %get3A_846 : vector<16xi32>
          %swap3A_861 = arith.constant 0 : index
          %swap3A_862 = tpu.vector_load %arg28[%swap3A_861] {strides = array<i32>} : memref<80xi32, #tpu.memory_space<vmem>>, vector<16xi32>,
          %swap3A_863 = vector.shape_cast %swap3A_862 : vector<16xi32> to vector<16xi32>
          %swap3A_864 = vector.shape_cast %add3A_860 : vector<16xi32> to vector<16xi32>
          tpu.vector_store %arg28[%swap3A_861], %swap3A_864 {strides = array<i32>} : memref<80xi32, #tpu.memory_space<vmem>>, vector<16xi32>,
          %get3A_865 = arith.constant 0 : i32
          %get3A_866 = arith.index_cast %get3A_865 : i32 to index
          %get3A_867 = arith.constant 16 : index
          %get3A_868 = tpu.vector_load %arg10[%get3A_866, %get3A_867] {strides = array<i32>} : memref<3x80xi32, #tpu.memory_space<vmem>>, vector<1x16xi32>,
          %get3A_869 = vector.shape_cast %get3A_868 : vector<1x16xi32> to vector<16xi32>
          %get3A_870 = arith.constant 1 : i32
          %get3A_871 = arith.index_cast %get3A_870 : i32 to index
          %get3A_872 = arith.constant 16 : index
          %get3A_873 = tpu.vector_load %arg10[%get3A_871, %get3A_872] {strides = array<i32>} : memref<3x80xi32, #tpu.memory_space<vmem>>, vector<1x16xi32>,
          %get3A_874 = vector.shape_cast %get3A_873 : vector<1x16xi32> to vector<16xi32>
          %get3A_875 = arith.constant 2 : i32
          %get3A_876 = arith.index_cast %get3A_875 : i32 to index
          %get3A_877 = arith.constant 16 : index
          %get3A_878 = tpu.vector_load %arg10[%get3A_876, %get3A_877] {strides = array<i32>} : memref<3x80xi32, #tpu.memory_space<vmem>>, vector<1x16xi32>,
          %get3A_879 = vector.shape_cast %get3A_878 : vector<1x16xi32> to vector<16xi32>
          %add3A_880 = vector.broadcast %mul3A_0 : i32 to vector<16xi32>
          %add3A_881 = arith.addi %get3A_869, %add3A_880 : vector<16xi32>
          %swap3A_882 = arith.constant 16 : index
          %swap3A_883 = tpu.vector_load %arg16[%swap3A_882] {strides = array<i32>} : memref<80xi32, #tpu.memory_space<vmem>>, vector<16xi32>,
          %swap3A_884 = vector.shape_cast %swap3A_883 : vector<16xi32> to vector<16xi32>
          %swap3A_885 = vector.shape_cast %add3A_881 : vector<16xi32> to vector<16xi32>
          tpu.vector_store %arg16[%swap3A_882], %swap3A_885 {strides = array<i32>} : memref<80xi32, #tpu.memory_space<vmem>>, vector<16xi32>,
          %swap3A_886 = arith.constant 16 : index
          %swap3A_887 = tpu.vector_load %arg22[%swap3A_886] {strides = array<i32>} : memref<80xi32, #tpu.memory_space<vmem>>, vector<16xi32>,
          %swap3A_888 = vector.shape_cast %swap3A_887 : vector<16xi32> to vector<16xi32>
          %swap3A_889 = vector.shape_cast %get3A_874 : vector<16xi32> to vector<16xi32>
          tpu.vector_store %arg22[%swap3A_886], %swap3A_889 {strides = array<i32>} : memref<80xi32, #tpu.memory_space<vmem>>, vector<16xi32>,
          %mul3A_890 = arith.constant 64 : i32
          %mul3A_891 = vector.broadcast %mul3A_890 : i32 to vector<16xi32>
          %mul3A_892 = arith.muli %get3A_874, %mul3A_891 : vector<16xi32>
          %add3A_893 = arith.addi %mul3A_892, %get3A_879 : vector<16xi32>
          %swap3A_894 = arith.constant 16 : index
          %swap3A_895 = tpu.vector_load %arg28[%swap3A_894] {strides = array<i32>} : memref<80xi32, #tpu.memory_space<vmem>>, vector<16xi32>,
          %swap3A_896 = vector.shape_cast %swap3A_895 : vector<16xi32> to vector<16xi32>
          %swap3A_897 = vector.shape_cast %add3A_893 : vector<16xi32> to vector<16xi32>
          tpu.vector_store %arg28[%swap3A_894], %swap3A_897 {strides = array<i32>} : memref<80xi32, #tpu.memory_space<vmem>>, vector<16xi32>,
          %get3A_898 = arith.constant 0 : i32
          %get3A_899 = arith.index_cast %get3A_898 : i32 to index
          %get3A_900 = arith.constant 32 : index
          %get3A_901 = tpu.vector_load %arg10[%get3A_899, %get3A_900] {strides = array<i32>} : memref<3x80xi32, #tpu.memory_space<vmem>>, vector<1x16xi32>,
          %get3A_902 = vector.shape_cast %get3A_901 : vector<1x16xi32> to vector<16xi32>
          %get3A_903 = arith.constant 1 : i32
          %get3A_904 = arith.index_cast %get3A_903 : i32 to index
          %get3A_905 = arith.constant 32 : index
          %get3A_906 = tpu.vector_load %arg10[%get3A_904, %get3A_905] {strides = array<i32>} : memref<3x80xi32, #tpu.memory_space<vmem>>, vector<1x16xi32>,
          %get3A_907 = vector.shape_cast %get3A_906 : vector<1x16xi32> to vector<16xi32>
          %get3A_908 = arith.constant 2 : i32
          %get3A_909 = arith.index_cast %get3A_908 : i32 to index
          %get3A_910 = arith.constant 32 : index
          %get3A_911 = tpu.vector_load %arg10[%get3A_909, %get3A_910] {strides = array<i32>} : memref<3x80xi32, #tpu.memory_space<vmem>>, vector<1x16xi32>,
          %get3A_912 = vector.shape_cast %get3A_911 : vector<1x16xi32> to vector<16xi32>
          %add3A_913 = vector.broadcast %mul3A_0 : i32 to vector<16xi32>
          %add3A_914 = arith.addi %get3A_902, %add3A_913 : vector<16xi32>
          %swap3A_915 = arith.constant 32 : index
          %swap3A_916 = tpu.vector_load %arg16[%swap3A_915] {strides = array<i32>} : memref<80xi32, #tpu.memory_space<vmem>>, vector<16xi32>,
          %swap3A_917 = vector.shape_cast %swap3A_916 : vector<16xi32> to vector<16xi32>
          %swap3A_918 = vector.shape_cast %add3A_914 : vector<16xi32> to vector<16xi32>
          tpu.vector_store %arg16[%swap3A_915], %swap3A_918 {strides = array<i32>} : memref<80xi32, #tpu.memory_space<vmem>>, vector<16xi32>,
          %swap3A_919 = arith.constant 32 : index
          %swap3A_920 = tpu.vector_load %arg22[%swap3A_919] {strides = array<i32>} : memref<80xi32, #tpu.memory_space<vmem>>, vector<16xi32>,
          %swap3A_921 = vector.shape_cast %swap3A_920 : vector<16xi32> to vector<16xi32>
          %swap3A_922 = vector.shape_cast %get3A_907 : vector<16xi32> to vector<16xi32>
          tpu.vector_store %arg22[%swap3A_919], %swap3A_922 {strides = array<i32>} : memref<80xi32, #tpu.memory_space<vmem>>, vector<16xi32>,
          %mul3A_923 = arith.constant 64 : i32
          %mul3A_924 = vector.broadcast %mul3A_923 : i32 to vector<16xi32>
          %mul3A_925 = arith.muli %get3A_907, %mul3A_924 : vector<16xi32>
          %add3A_926 = arith.addi %mul3A_925, %get3A_912 : vector<16xi32>
          %swap3A_927 = arith.constant 32 : index
          %swap3A_928 = tpu.vector_load %arg28[%swap3A_927] {strides = array<i32>} : memref<80xi32, #tpu.memory_space<vmem>>, vector<16xi32>,
          %swap3A_929 = vector.shape_cast %swap3A_928 : vector<16xi32> to vector<16xi32>
          %swap3A_930 = vector.shape_cast %add3A_926 : vector<16xi32> to vector<16xi32>
          tpu.vector_store %arg28[%swap3A_927], %swap3A_930 {strides = array<i32>} : memref<80xi32, #tpu.memory_space<vmem>>, vector<16xi32>,
          %get3A_931 = arith.constant 0 : i32
          %get3A_932 = arith.index_cast %get3A_931 : i32 to index
          %get3A_933 = arith.constant 48 : index
          %get3A_934 = tpu.vector_load %arg10[%get3A_932, %get3A_933] {strides = array<i32>} : memref<3x80xi32, #tpu.memory_space<vmem>>, vector<1x16xi32>,
          %get3A_935 = vector.shape_cast %get3A_934 : vector<1x16xi32> to vector<16xi32>
          %get3A_936 = arith.constant 1 : i32
          %get3A_937 = arith.index_cast %get3A_936 : i32 to index
          %get3A_938 = arith.constant 48 : index
          %get3A_939 = tpu.vector_load %arg10[%get3A_937, %get3A_938] {strides = array<i32>} : memref<3x80xi32, #tpu.memory_space<vmem>>, vector<1x16xi32>,
          %get3A_940 = vector.shape_cast %get3A_939 : vector<1x16xi32> to vector<16xi32>
          %get3A_941 = arith.constant 2 : i32
          %get3A_942 = arith.index_cast %get3A_941 : i32 to index
          %get3A_943 = arith.constant 48 : index
          %get3A_944 = tpu.vector_load %arg10[%get3A_942, %get3A_943] {strides = array<i32>} : memref<3x80xi32, #tpu.memory_space<vmem>>, vector<1x16xi32>,
          %get3A_945 = vector.shape_cast %get3A_944 : vector<1x16xi32> to vector<16xi32>
          %add3A_946 = vector.broadcast %mul3A_0 : i32 to vector<16xi32>
          %add3A_947 = arith.addi %get3A_935, %add3A_946 : vector<16xi32>
          %swap3A_948 = arith.constant 48 : index
          %swap3A_949 = tpu.vector_load %arg16[%swap3A_948] {strides = array<i32>} : memref<80xi32, #tpu.memory_space<vmem>>, vector<16xi32>,
          %swap3A_950 = vector.shape_cast %swap3A_949 : vector<16xi32> to vector<16xi32>
          %swap3A_951 = vector.shape_cast %add3A_947 : vector<16xi32> to vector<16xi32>
          tpu.vector_store %arg16[%swap3A_948], %swap3A_951 {strides = array<i32>} : memref<80xi32, #tpu.memory_space<vmem>>, vector<16xi32>,
          %swap3A_952 = arith.constant 48 : index
          %swap3A_953 = tpu.vector_load %arg22[%swap3A_952] {strides = array<i32>} : memref<80xi32, #tpu.memory_space<vmem>>, vector<16xi32>,
          %swap3A_954 = vector.shape_cast %swap3A_953 : vector<16xi32> to vector<16xi32>
          %swap3A_955 = vector.shape_cast %get3A_940 : vector<16xi32> to vector<16xi32>
          tpu.vector_store %arg22[%swap3A_952], %swap3A_955 {strides = array<i32>} : memref<80xi32, #tpu.memory_space<vmem>>, vector<16xi32>,
          %mul3A_956 = arith.constant 64 : i32
          %mul3A_957 = vector.broadcast %mul3A_956 : i32 to vector<16xi32>
          %mul3A_958 = arith.muli %get3A_940, %mul3A_957 : vector<16xi32>
          %add3A_959 = arith.addi %mul3A_958, %get3A_945 : vector<16xi32>
          %swap3A_960 = arith.constant 48 : index
          %swap3A_961 = tpu.vector_load %arg28[%swap3A_960] {strides = array<i32>} : memref<80xi32, #tpu.memory_space<vmem>>, vector<16xi32>,
          %swap3A_962 = vector.shape_cast %swap3A_961 : vector<16xi32> to vector<16xi32>
          %swap3A_963 = vector.shape_cast %add3A_959 : vector<16xi32> to vector<16xi32>
          tpu.vector_store %arg28[%swap3A_960], %swap3A_963 {strides = array<i32>} : memref<80xi32, #tpu.memory_space<vmem>>, vector<16xi32>,
          %get3A_964 = arith.constant 0 : i32
          %get3A_965 = arith.index_cast %get3A_964 : i32 to index
          %get3A_966 = arith.constant 64 : index
          %get3A_967 = tpu.vector_load %arg10[%get3A_965, %get3A_966] {strides = array<i32>} : memref<3x80xi32, #tpu.memory_space<vmem>>, vector<1x16xi32>,
          %get3A_968 = vector.shape_cast %get3A_967 : vector<1x16xi32> to vector<16xi32>
          %get3A_969 = arith.constant 1 : i32
          %get3A_970 = arith.index_cast %get3A_969 : i32 to index
          %get3A_971 = arith.constant 64 : index
          %get3A_972 = tpu.vector_load %arg10[%get3A_970, %get3A_971] {strides = array<i32>} : memref<3x80xi32, #tpu.memory_space<vmem>>, vector<1x16xi32>,
          %get3A_973 = vector.shape_cast %get3A_972 : vector<1x16xi32> to vector<16xi32>
          %get3A_974 = arith.constant 2 : i32
          %get3A_975 = arith.index_cast %get3A_974 : i32 to index
          %get3A_976 = arith.constant 64 : index
          %get3A_977 = tpu.vector_load %arg10[%get3A_975, %get3A_976] {strides = array<i32>} : memref<3x80xi32, #tpu.memory_space<vmem>>, vector<1x16xi32>,
          %get3A_978 = vector.shape_cast %get3A_977 : vector<1x16xi32> to vector<16xi32>
          %add3A_979 = vector.broadcast %mul3A_0 : i32 to vector<16xi32>
          %add3A_980 = arith.addi %get3A_968, %add3A_979 : vector<16xi32>
          %swap3A_981 = arith.constant 64 : index
          %swap3A_982 = tpu.vector_load %arg16[%swap3A_981] {strides = array<i32>} : memref<80xi32, #tpu.memory_space<vmem>>, vector<16xi32>,
          %swap3A_983 = vector.shape_cast %swap3A_982 : vector<16xi32> to vector<16xi32>
          %swap3A_984 = vector.shape_cast %add3A_980 : vector<16xi32> to vector<16xi32>
          tpu.vector_store %arg16[%swap3A_981], %swap3A_984 {strides = array<i32>} : memref<80xi32, #tpu.memory_space<vmem>>, vector<16xi32>,
          %swap3A_985 = arith.constant 64 : index
          %swap3A_986 = tpu.vector_load %arg22[%swap3A_985] {strides = array<i32>} : memref<80xi32, #tpu.memory_space<vmem>>, vector<16xi32>,
          %swap3A_987 = vector.shape_cast %swap3A_986 : vector<16xi32> to vector<16xi32>
          %swap3A_988 = vector.shape_cast %get3A_973 : vector<16xi32> to vector<16xi32>
          tpu.vector_store %arg22[%swap3A_985], %swap3A_988 {strides = array<i32>} : memref<80xi32, #tpu.memory_space<vmem>>, vector<16xi32>,
          %mul3A_989 = arith.constant 64 : i32
          %mul3A_990 = vector.broadcast %mul3A_989 : i32 to vector<16xi32>
          %mul3A_991 = arith.muli %get3A_973, %mul3A_990 : vector<16xi32>
          %add3A_992 = arith.addi %mul3A_991, %get3A_978 : vector<16xi32>
          %swap3A_993 = arith.constant 64 : index
          %swap3A_994 = tpu.vector_load %arg28[%swap3A_993] {strides = array<i32>} : memref<80xi32, #tpu.memory_space<vmem>>, vector<16xi32>,
          %swap3A_995 = vector.shape_cast %swap3A_994 : vector<16xi32> to vector<16xi32>
          %swap3A_996 = vector.shape_cast %add3A_992 : vector<16xi32> to vector<16xi32>
          tpu.vector_store %arg28[%swap3A_993], %swap3A_996 {strides = array<i32>} : memref<80xi32, #tpu.memory_space<vmem>>, vector<16xi32>,
          %dma_start3A_997 = arith.constant 0 : i32
          %dma_start3A_998 = arith.constant 0 : i32
          %dma_start3A_999 = tpu.memref_slice %arg2[%dma_start3A_997, %dma_start3A_998] : memref<20000x64xf32, #tpu.memory_space<hbm>> -> memref<20000x64xf32, #tpu.memory_space<hbm>>
          tpu.enqueue_indirect_dma source(%dma_start3A_999 : memref<20000x64xf32, #tpu.memory_space<hbm>>) target(%arg34 : memref<80x64xf32, #tpu.memory_space<vmem>>) offsets(%arg16 : memref<80xi32, #tpu.memory_space<vmem>>) semaphore(%arg49 : memref<!tpu.dma_semaphore, #tpu.memory_space<semaphore_mem>>)
          %add3A_1000 = arith.constant 6 : i32
          %add3A_1001 = arith.addi %add3A_813, %add3A_1000 : i32
          %lt3A_1002 = arith.constant 250 : i32
          %lt3A_1003 = arith.cmpi slt, %add3A_1001, %lt3A_1002 : i32
          %convert_element_type3A_1004 = arith.extui %lt3A_1003 : i1 to i32
          %cond3A_1005 = arith.constant 0 : i32
          %cond3A_1006 = arith.cmpi ne, %convert_element_type3A_1004, %cond3A_1005 : i32
          scf.if %cond3A_1006 {
            %add3A_1007 = arith.constant 6 : i32
            %add3A_1008 = arith.addi %add3A_813, %add3A_1007 : i32
            %dma_start3A_1009 = arith.constant 0 : i32
            %dma_start3A_1010 = arith.constant 0 : i32
            %dma_start3A_1011 = tpu.memref_slice %arg3[%arg1, %add3A_1008, %dma_start3A_1009, %dma_start3A_1010] : memref<16x250x3x80xi32, #tpu.memory_space<hbm>> -> memref<1x1x3x80xi32, #tpu.memory_space<hbm>>
            %dma_start3A_1012 = tpu.memref_squeeze %dma_start3A_1011 : memref<1x1x3x80xi32, #tpu.memory_space<hbm>> -> memref<3x80xi32, #tpu.memory_space<hbm>>
            %dma_start3A_1013 = arith.constant 0 : i32
            %dma_start3A_1014 = arith.constant 0 : i32
            %dma_start3A_1015 = tpu.memref_slice %arg3[%arg1, %add3A_1008, %dma_start3A_1013, %dma_start3A_1014] : memref<16x250x3x80xi32, #tpu.memory_space<hbm>> -> memref<1x1x3x80xi32, #tpu.memory_space<hbm>>
            %dma_start3A_1016 = tpu.memref_squeeze %dma_start3A_1015 : memref<1x1x3x80xi32, #tpu.memory_space<hbm>> -> memref<3x80xi32, #tpu.memory_space<hbm>>
            tpu.enqueue_dma source(%dma_start3A_1016 : memref<3x80xi32, #tpu.memory_space<hbm>>) target(%arg10 : memref<3x80xi32, #tpu.memory_space<vmem>>) target_semaphore(%arg43 : memref<!tpu.dma_semaphore, #tpu.memory_space<semaphore_mem>>)
          } else {
          }
        } else {
        }
      } else {
      }
    }
    %scan3A_684 = arith.constant 42 : i32
    %dma_wait3A_685 = arith.constant 0 : i32
    %dma_wait3A_686 = arith.constant 0 : i32
    %dma_wait3A_687 = tpu.memref_slice %arg6[%dma_wait3A_685, %dma_wait3A_686] : memref<10000x64xf32, #tpu.memory_space<vmem_shared>> -> memref<10000x64xf32, #tpu.memory_space<vmem_shared>>
    tpu.wait_indirect_dma semaphore(%arg53 : memref<!tpu.dma_semaphore, #tpu.memory_space<semaphore_mem>>) src(%arg32 : memref<80x64xf32, #tpu.memory_space<vmem>>) dst(%dma_wait3A_687 : memref<10000x64xf32, #tpu.memory_space<vmem_shared>>)
    %eq3A_688 = arith.constant 0 : i32
    %eq3A_689 = arith.cmpi eq, %arg0, %eq3A_688 : i32
    %convert_element_type3A_690 = arith.extui %eq3A_689 : i1 to i32
    %cond3A_691 = arith.constant 0 : i32
    %cond3A_692 = arith.cmpi ne, %convert_element_type3A_690, %cond3A_691 : i32
    scf.if %cond3A_692 {
      %dma_wait3A_747 = arith.constant 0 : i32
      %dma_wait3A_748 = tpu.memref_slice %arg7[%dma_wait3A_747] : memref<640000xf32, #tpu.memory_space<vmem_shared>> -> memref<640000xf32, #tpu.memory_space<vmem_shared>>
      tpu.wait_indirect_dma semaphore(%arg59 : memref<!tpu.dma_semaphore, #tpu.memory_space<semaphore_mem>>) src(%arg38 : memref<80xf32, #tpu.memory_space<vmem>>) dst(%dma_wait3A_748 : memref<640000xf32, #tpu.memory_space<vmem_shared>>)
    } else {
    }
    %dma_wait3A_693 = arith.constant 0 : i32
    %dma_wait3A_694 = arith.constant 0 : i32
    %dma_wait3A_695 = tpu.memref_slice %arg6[%dma_wait3A_693, %dma_wait3A_694] : memref<10000x64xf32, #tpu.memory_space<vmem_shared>> -> memref<10000x64xf32, #tpu.memory_space<vmem_shared>>
    tpu.wait_indirect_dma semaphore(%arg54 : memref<!tpu.dma_semaphore, #tpu.memory_space<semaphore_mem>>) src(%arg33 : memref<80x64xf32, #tpu.memory_space<vmem>>) dst(%dma_wait3A_695 : memref<10000x64xf32, #tpu.memory_space<vmem_shared>>)
    %eq3A_696 = arith.constant 1 : i32
    %eq3A_697 = arith.cmpi eq, %arg0, %eq3A_696 : i32
    %convert_element_type3A_698 = arith.extui %eq3A_697 : i1 to i32
    %cond3A_699 = arith.constant 0 : i32
    %cond3A_700 = arith.cmpi ne, %convert_element_type3A_698, %cond3A_699 : i32
    scf.if %cond3A_700 {
      %dma_wait3A_747 = arith.constant 0 : i32
      %dma_wait3A_748 = tpu.memref_slice %arg7[%dma_wait3A_747] : memref<640000xf32, #tpu.memory_space<vmem_shared>> -> memref<640000xf32, #tpu.memory_space<vmem_shared>>
      tpu.wait_indirect_dma semaphore(%arg60 : memref<!tpu.dma_semaphore, #tpu.memory_space<semaphore_mem>>) src(%arg38 : memref<80xf32, #tpu.memory_space<vmem>>) dst(%dma_wait3A_748 : memref<640000xf32, #tpu.memory_space<vmem_shared>>)
    } else {
    }
    %dma_wait3A_701 = arith.constant 0 : i32
    %dma_wait3A_702 = arith.constant 0 : i32
    %dma_wait3A_703 = tpu.memref_slice %arg6[%dma_wait3A_701, %dma_wait3A_702] : memref<10000x64xf32, #tpu.memory_space<vmem_shared>> -> memref<10000x64xf32, #tpu.memory_space<vmem_shared>>
    tpu.wait_indirect_dma semaphore(%arg55 : memref<!tpu.dma_semaphore, #tpu.memory_space<semaphore_mem>>) src(%arg34 : memref<80x64xf32, #tpu.memory_space<vmem>>) dst(%dma_wait3A_703 : memref<10000x64xf32, #tpu.memory_space<vmem_shared>>)
    %eq3A_704 = arith.constant 0 : i32
    %eq3A_705 = arith.cmpi eq, %arg0, %eq3A_704 : i32
    %convert_element_type3A_706 = arith.extui %eq3A_705 : i1 to i32
    %cond3A_707 = arith.constant 0 : i32
    %cond3A_708 = arith.cmpi ne, %convert_element_type3A_706, %cond3A_707 : i32
    scf.if %cond3A_708 {
      %dma_wait3A_747 = arith.constant 0 : i32
      %dma_wait3A_748 = tpu.memref_slice %arg7[%dma_wait3A_747] : memref<640000xf32, #tpu.memory_space<vmem_shared>> -> memref<640000xf32, #tpu.memory_space<vmem_shared>>
      tpu.wait_indirect_dma semaphore(%arg61 : memref<!tpu.dma_semaphore, #tpu.memory_space<semaphore_mem>>) src(%arg38 : memref<80xf32, #tpu.memory_space<vmem>>) dst(%dma_wait3A_748 : memref<640000xf32, #tpu.memory_space<vmem_shared>>)
    } else {
    }
    %dma_wait3A_709 = arith.constant 0 : i32
    %dma_wait3A_710 = arith.constant 0 : i32
    %dma_wait3A_711 = tpu.memref_slice %arg6[%dma_wait3A_709, %dma_wait3A_710] : memref<10000x64xf32, #tpu.memory_space<vmem_shared>> -> memref<10000x64xf32, #tpu.memory_space<vmem_shared>>
    tpu.wait_indirect_dma semaphore(%arg56 : memref<!tpu.dma_semaphore, #tpu.memory_space<semaphore_mem>>) src(%arg35 : memref<80x64xf32, #tpu.memory_space<vmem>>) dst(%dma_wait3A_711 : memref<10000x64xf32, #tpu.memory_space<vmem_shared>>)
    %eq3A_712 = arith.constant 1 : i32
    %eq3A_713 = arith.cmpi eq, %arg0, %eq3A_712 : i32
    %convert_element_type3A_714 = arith.extui %eq3A_713 : i1 to i32
    %cond3A_715 = arith.constant 0 : i32
    %cond3A_716 = arith.cmpi ne, %convert_element_type3A_714, %cond3A_715 : i32
    scf.if %cond3A_716 {
      %dma_wait3A_747 = arith.constant 0 : i32
      %dma_wait3A_748 = tpu.memref_slice %arg7[%dma_wait3A_747] : memref<640000xf32, #tpu.memory_space<vmem_shared>> -> memref<640000xf32, #tpu.memory_space<vmem_shared>>
      tpu.wait_indirect_dma semaphore(%arg62 : memref<!tpu.dma_semaphore, #tpu.memory_space<semaphore_mem>>) src(%arg38 : memref<80xf32, #tpu.memory_space<vmem>>) dst(%dma_wait3A_748 : memref<640000xf32, #tpu.memory_space<vmem_shared>>)
    } else {
    }
    %dma_wait3A_717 = arith.constant 0 : i32
    %dma_wait3A_718 = arith.constant 0 : i32
    %dma_wait3A_719 = tpu.memref_slice %arg6[%dma_wait3A_717, %dma_wait3A_718] : memref<10000x64xf32, #tpu.memory_space<vmem_shared>> -> memref<10000x64xf32, #tpu.memory_space<vmem_shared>>
    tpu.wait_indirect_dma semaphore(%arg57 : memref<!tpu.dma_semaphore, #tpu.memory_space<semaphore_mem>>) src(%arg36 : memref<80x64xf32, #tpu.memory_space<vmem>>) dst(%dma_wait3A_719 : memref<10000x64xf32, #tpu.memory_space<vmem_shared>>)
    %eq3A_720 = arith.constant 0 : i32
    %eq3A_721 = arith.cmpi eq, %arg0, %eq3A_720 : i32
    %convert_element_type3A_722 = arith.extui %eq3A_721 : i1 to i32
    %cond3A_723 = arith.constant 0 : i32
    %cond3A_724 = arith.cmpi ne, %convert_element_type3A_722, %cond3A_723 : i32
    scf.if %cond3A_724 {
      %dma_wait3A_747 = arith.constant 0 : i32
      %dma_wait3A_748 = tpu.memref_slice %arg7[%dma_wait3A_747] : memref<640000xf32, #tpu.memory_space<vmem_shared>> -> memref<640000xf32, #tpu.memory_space<vmem_shared>>
      tpu.wait_indirect_dma semaphore(%arg63 : memref<!tpu.dma_semaphore, #tpu.memory_space<semaphore_mem>>) src(%arg38 : memref<80xf32, #tpu.memory_space<vmem>>) dst(%dma_wait3A_748 : memref<640000xf32, #tpu.memory_space<vmem_shared>>)
    } else {
    }
    %dma_wait3A_725 = arith.constant 0 : i32
    %dma_wait3A_726 = arith.constant 0 : i32
    %dma_wait3A_727 = tpu.memref_slice %arg6[%dma_wait3A_725, %dma_wait3A_726] : memref<10000x64xf32, #tpu.memory_space<vmem_shared>> -> memref<10000x64xf32, #tpu.memory_space<vmem_shared>>
    tpu.wait_indirect_dma semaphore(%arg58 : memref<!tpu.dma_semaphore, #tpu.memory_space<semaphore_mem>>) src(%arg37 : memref<80x64xf32, #tpu.memory_space<vmem>>) dst(%dma_wait3A_727 : memref<10000x64xf32, #tpu.memory_space<vmem_shared>>)
    %eq3A_728 = arith.constant 1 : i32
    %eq3A_729 = arith.cmpi eq, %arg0, %eq3A_728 : i32
    %convert_element_type3A_730 = arith.extui %eq3A_729 : i1 to i32
    %cond3A_731 = arith.constant 0 : i32
    %cond3A_732 = arith.cmpi ne, %convert_element_type3A_730, %cond3A_731 : i32
    scf.if %cond3A_732 {
      %dma_wait3A_747 = arith.constant 0 : i32
      %dma_wait3A_748 = tpu.memref_slice %arg7[%dma_wait3A_747] : memref<640000xf32, #tpu.memory_space<vmem_shared>> -> memref<640000xf32, #tpu.memory_space<vmem_shared>>
      tpu.wait_indirect_dma semaphore(%arg64 : memref<!tpu.dma_semaphore, #tpu.memory_space<semaphore_mem>>) src(%arg38 : memref<80xf32, #tpu.memory_space<vmem>>) dst(%dma_wait3A_748 : memref<640000xf32, #tpu.memory_space<vmem_shared>>)
    } else {
    }
    %barrier3A_733 = arith.constant 0 : index
    tpu.barrier barrier_id(%barrier3A_733)
    %mul3A_734 = arith.constant 624 : i32
    %mul3A_735 = arith.muli %arg1, %mul3A_734 : i32
    %mul3A_736 = arith.constant 624 : i32
    %mul3A_737 = arith.muli %arg1, %mul3A_736 : i32
    "tpu.region"() ({
      %run_scoped3A = tpu.sem_alloc : memref<!tpu.dma_semaphore, #tpu.memory_space<semaphore_mem>>
      %dma_start3A_747 = arith.constant 0 : i32
      %dma_start3A_748 = tpu.memref_slice %arg4[%arg0, %mul3A_737, %dma_start3A_747] : memref<2x10000x64xf32, #tpu.memory_space<hbm>> -> memref<1x624x64xf32, #tpu.memory_space<hbm>>
      %dma_start3A_749 = tpu.memref_squeeze %dma_start3A_748 : memref<1x624x64xf32, #tpu.memory_space<hbm>> -> memref<624x64xf32, #tpu.memory_space<hbm>>
      %dma_start3A_750 = arith.constant 0 : i32
      %dma_start3A_751 = tpu.memref_slice %arg6[%mul3A_735, %dma_start3A_750] : memref<10000x64xf32, #tpu.memory_space<vmem_shared>> -> memref<624x64xf32, #tpu.memory_space<vmem_shared>>
      tpu.enqueue_dma source(%dma_start3A_751 : memref<624x64xf32, #tpu.memory_space<vmem_shared>>) target(%dma_start3A_749 : memref<624x64xf32, #tpu.memory_space<hbm>>) target_semaphore(%run_scoped3A : memref<!tpu.dma_semaphore, #tpu.memory_space<semaphore_mem>>)
      %dma_wait3A_752 = arith.constant 0 : i32
      %dma_wait3A_753 = tpu.memref_slice %arg4[%arg0, %mul3A_737, %dma_wait3A_752] : memref<2x10000x64xf32, #tpu.memory_space<hbm>> -> memref<1x624x64xf32, #tpu.memory_space<hbm>>
      %dma_wait3A_754 = tpu.memref_squeeze %dma_wait3A_753 : memref<1x624x64xf32, #tpu.memory_space<hbm>> -> memref<624x64xf32, #tpu.memory_space<hbm>>
      %dma_wait3A_755 = arith.constant 0 : i32
      %dma_wait3A_756 = tpu.memref_slice %arg6[%mul3A_735, %dma_wait3A_755] : memref<10000x64xf32, #tpu.memory_space<vmem_shared>> -> memref<624x64xf32, #tpu.memory_space<vmem_shared>>
      tpu.wait_dma2 semaphore(%run_scoped3A : memref<!tpu.dma_semaphore, #tpu.memory_space<semaphore_mem>>) src(%dma_wait3A_756 : memref<624x64xf32, #tpu.memory_space<vmem_shared>>) dst(%dma_wait3A_754 : memref<624x64xf32, #tpu.memory_space<hbm>>)
      tpu.yield
    }) : () -> ()
    %mul3A_738 = arith.constant 39936 : i32
    %mul3A_739 = arith.muli %arg1, %mul3A_738 : i32
    %mul3A_740 = arith.constant 39936 : i32
    %mul3A_741 = arith.muli %arg1, %mul3A_740 : i32
    "tpu.region"() ({
      %run_scoped3A = tpu.sem_alloc : memref<!tpu.dma_semaphore, #tpu.memory_space<semaphore_mem>>
      %dma_start3A_747 = tpu.memref_slice %arg5[%arg0, %mul3A_741] : memref<2x640000xf32, #tpu.memory_space<hbm>> -> memref<1x39936xf32, #tpu.memory_space<hbm>>
      %dma_start3A_748 = tpu.memref_squeeze %dma_start3A_747 : memref<1x39936xf32, #tpu.memory_space<hbm>> -> memref<39936xf32, #tpu.memory_space<hbm>>
      %dma_start3A_749 = tpu.memref_slice %arg7[%mul3A_739] : memref<640000xf32, #tpu.memory_space<vmem_shared>> -> memref<39936xf32, #tpu.memory_space<vmem_shared>>
      tpu.enqueue_dma source(%dma_start3A_749 : memref<39936xf32, #tpu.memory_space<vmem_shared>>) target(%dma_start3A_748 : memref<39936xf32, #tpu.memory_space<hbm>>) target_semaphore(%run_scoped3A : memref<!tpu.dma_semaphore, #tpu.memory_space<semaphore_mem>>)
      %dma_wait3A_750 = tpu.memref_slice %arg5[%arg0, %mul3A_741] : memref<2x640000xf32, #tpu.memory_space<hbm>> -> memref<1x39936xf32, #tpu.memory_space<hbm>>
      %dma_wait3A_751 = tpu.memref_squeeze %dma_wait3A_750 : memref<1x39936xf32, #tpu.memory_space<hbm>> -> memref<39936xf32, #tpu.memory_space<hbm>>
      %dma_wait3A_752 = tpu.memref_slice %arg7[%mul3A_739] : memref<640000xf32, #tpu.memory_space<vmem_shared>> -> memref<39936xf32, #tpu.memory_space<vmem_shared>>
      tpu.wait_dma2 semaphore(%run_scoped3A : memref<!tpu.dma_semaphore, #tpu.memory_space<semaphore_mem>>) src(%dma_wait3A_752 : memref<39936xf32, #tpu.memory_space<vmem_shared>>) dst(%dma_wait3A_751 : memref<39936xf32, #tpu.memory_space<hbm>>)
      tpu.yield
    }) : () -> ()
    %eq3A_742 = arith.constant 15 : i32
    %eq3A_743 = arith.cmpi eq, %arg1, %eq3A_742 : i32
    %convert_element_type3A_744 = arith.extui %eq3A_743 : i1 to i32
    %cond3A_745 = arith.constant 0 : i32
    %cond3A_746 = arith.cmpi ne, %convert_element_type3A_744, %cond3A_745 : i32
    scf.if %cond3A_746 {
      "tpu.region"() ({
        %run_scoped3A = tpu.sem_alloc : memref<!tpu.dma_semaphore, #tpu.memory_space<semaphore_mem>>
        %dma_start3A_747 = arith.constant 9984 : i32
        %dma_start3A_748 = arith.constant 0 : i32
        %dma_start3A_749 = tpu.memref_slice %arg4[%arg0, %dma_start3A_747, %dma_start3A_748] : memref<2x10000x64xf32, #tpu.memory_space<hbm>> -> memref<1x16x64xf32, #tpu.memory_space<hbm>>
        %dma_start3A_750 = tpu.memref_squeeze %dma_start3A_749 : memref<1x16x64xf32, #tpu.memory_space<hbm>> -> memref<16x64xf32, #tpu.memory_space<hbm>>
        %dma_start3A_751 = arith.constant 9984 : i32
        %dma_start3A_752 = arith.constant 0 : i32
        %dma_start3A_753 = tpu.memref_slice %arg6[%dma_start3A_751, %dma_start3A_752] : memref<10000x64xf32, #tpu.memory_space<vmem_shared>> -> memref<16x64xf32, #tpu.memory_space<vmem_shared>>
        tpu.enqueue_dma source(%dma_start3A_753 : memref<16x64xf32, #tpu.memory_space<vmem_shared>>) target(%dma_start3A_750 : memref<16x64xf32, #tpu.memory_space<hbm>>) target_semaphore(%run_scoped3A : memref<!tpu.dma_semaphore, #tpu.memory_space<semaphore_mem>>)
        %dma_wait3A_754 = arith.constant 9984 : i32
        %dma_wait3A_755 = arith.constant 0 : i32
        %dma_wait3A_756 = tpu.memref_slice %arg4[%arg0, %dma_wait3A_754, %dma_wait3A_755] : memref<2x10000x64xf32, #tpu.memory_space<hbm>> -> memref<1x16x64xf32, #tpu.memory_space<hbm>>
        %dma_wait3A_757 = tpu.memref_squeeze %dma_wait3A_756 : memref<1x16x64xf32, #tpu.memory_space<hbm>> -> memref<16x64xf32, #tpu.memory_space<hbm>>
        %dma_wait3A_758 = arith.constant 9984 : i32
        %dma_wait3A_759 = arith.constant 0 : i32
        %dma_wait3A_760 = tpu.memref_slice %arg6[%dma_wait3A_758, %dma_wait3A_759] : memref<10000x64xf32, #tpu.memory_space<vmem_shared>> -> memref<16x64xf32, #tpu.memory_space<vmem_shared>>
        tpu.wait_dma2 semaphore(%run_scoped3A : memref<!tpu.dma_semaphore, #tpu.memory_space<semaphore_mem>>) src(%dma_wait3A_760 : memref<16x64xf32, #tpu.memory_space<vmem_shared>>) dst(%dma_wait3A_757 : memref<16x64xf32, #tpu.memory_space<hbm>>)
        tpu.yield
      }) : () -> ()
      "tpu.region"() ({
        %run_scoped3A = tpu.sem_alloc : memref<!tpu.dma_semaphore, #tpu.memory_space<semaphore_mem>>
        %dma_start3A_747 = arith.constant 638976 : i32
        %dma_start3A_748 = tpu.memref_slice %arg5[%arg0, %dma_start3A_747] : memref<2x640000xf32, #tpu.memory_space<hbm>> -> memref<1x1024xf32, #tpu.memory_space<hbm>>
        %dma_start3A_749 = tpu.memref_squeeze %dma_start3A_748 : memref<1x1024xf32, #tpu.memory_space<hbm>> -> memref<1024xf32, #tpu.memory_space<hbm>>
        %dma_start3A_750 = arith.constant 638976 : i32
        %dma_start3A_751 = tpu.memref_slice %arg7[%dma_start3A_750] : memref<640000xf32, #tpu.memory_space<vmem_shared>> -> memref<1024xf32, #tpu.memory_space<vmem_shared>>
        tpu.enqueue_dma source(%dma_start3A_751 : memref<1024xf32, #tpu.memory_space<vmem_shared>>) target(%dma_start3A_749 : memref<1024xf32, #tpu.memory_space<hbm>>) target_semaphore(%run_scoped3A : memref<!tpu.dma_semaphore, #tpu.memory_space<semaphore_mem>>)
        %dma_wait3A_752 = arith.constant 638976 : i32
        %dma_wait3A_753 = tpu.memref_slice %arg5[%arg0, %dma_wait3A_752] : memref<2x640000xf32, #tpu.memory_space<hbm>> -> memref<1x1024xf32, #tpu.memory_space<hbm>>
        %dma_wait3A_754 = tpu.memref_squeeze %dma_wait3A_753 : memref<1x1024xf32, #tpu.memory_space<hbm>> -> memref<1024xf32, #tpu.memory_space<hbm>>
        %dma_wait3A_755 = arith.constant 638976 : i32
        %dma_wait3A_756 = tpu.memref_slice %arg7[%dma_wait3A_755] : memref<640000xf32, #tpu.memory_space<vmem_shared>> -> memref<1024xf32, #tpu.memory_space<vmem_shared>>
        tpu.wait_dma2 semaphore(%run_scoped3A : memref<!tpu.dma_semaphore, #tpu.memory_space<semaphore_mem>>) src(%dma_wait3A_756 : memref<1024xf32, #tpu.memory_space<vmem_shared>>) dst(%dma_wait3A_754 : memref<1024xf32, #tpu.memory_space<hbm>>)
        tpu.yield
      }) : () -> ()
    } else {
    }
    return
  }
}

module attributes {stable_mosaic.version = 14 : i64} {
  func.func @_prep_body(%arg0: memref<10000x128xf32, #tpu.memory_space<vmem>>, %arg1: memref<10000x1xf32, #tpu.memory_space<vmem>>, %arg2: memref<2x10000x64xf32, #tpu.memory_space<vmem>>) attributes {dimension_semantics = [], scalar_prefetch = 0 : i64, scratch_operands = 0 : i64, tpu.core_type = #tpu.core_type<tc>} {
    %get3A = arith.constant 0 : index
    %get3A_0 = arith.constant 0 : index
    %get3A_1 = vector.load %arg0[%get3A, %get3A_0] : memref<10000x128xf32, #tpu.memory_space<vmem>>, vector<10000x128xf32>
    %get3A_2 = arith.constant 0 : index
    %get3A_3 = arith.constant 0 : index
    %get3A_4 = vector.load %arg1[%get3A_2, %get3A_3] : memref<10000x1xf32, #tpu.memory_space<vmem>>, vector<10000x1xf32>
    %mul3A = vector.broadcast %get3A_4 : vector<10000x1xf32> to vector<10000x128xf32>
    %mul3A_5 = arith.mulf %get3A_1, %mul3A : vector<10000x128xf32>
    %slice3A = vector.extract_strided_slice %mul3A_5 {offsets = [0, 0], sizes = [10000, 64], strides = [1, 1]} : vector<10000x128xf32> to vector<10000x64xf32>
    %swap3A = arith.constant 0 : index
    %swap3A_6 = arith.constant 0 : index
    %swap3A_7 = arith.constant 0 : index
    %swap3A_8 = vector.load %arg2[%swap3A, %swap3A_6, %swap3A_7] : memref<2x10000x64xf32, #tpu.memory_space<vmem>>, vector<1x10000x64xf32>
    %swap3A_9 = vector.shape_cast %swap3A_8 : vector<1x10000x64xf32> to vector<10000x64xf32>
    %swap3A_10 = vector.shape_cast %slice3A : vector<10000x64xf32> to vector<1x10000x64xf32>
    tpu.vector_store %arg2[%swap3A, %swap3A_6, %swap3A_7], %swap3A_10 {strides = array<i32>} : memref<2x10000x64xf32, #tpu.memory_space<vmem>>, vector<1x10000x64xf32>,
    %slice3A_11 = vector.extract_strided_slice %mul3A_5 {offsets = [0, 64], sizes = [10000, 64], strides = [1, 1]} : vector<10000x128xf32> to vector<10000x64xf32>
    %swap3A_12 = arith.constant 1 : index
    %swap3A_13 = arith.constant 0 : index
    %swap3A_14 = arith.constant 0 : index
    %swap3A_15 = vector.load %arg2[%swap3A_12, %swap3A_13, %swap3A_14] : memref<2x10000x64xf32, #tpu.memory_space<vmem>>, vector<1x10000x64xf32>
    %swap3A_16 = vector.shape_cast %swap3A_15 : vector<1x10000x64xf32> to vector<10000x64xf32>
    %swap3A_17 = vector.shape_cast %slice3A_11 : vector<10000x64xf32> to vector<1x10000x64xf32>
    tpu.vector_store %arg2[%swap3A_12, %swap3A_13, %swap3A_14], %swap3A_17 {strides = array<i32>} : memref<2x10000x64xf32, #tpu.memory_space<vmem>>, vector<1x10000x64xf32>,
    return
  }
}

module attributes {stable_mosaic.version = 14 : i64} {
  func.func @_dense_body(%arg0: i32, %arg1: memref<2x1000x64xf32, #tpu.memory_space<vmem>>, %arg2: memref<2x1000x64xf32, #tpu.memory_space<vmem>>, %arg3: memref<2x1000x64xf32, #tpu.memory_space<vmem>>, %arg4: memref<1000x1xf32, #tpu.memory_space<vmem>>, %arg5: memref<64x128xf32, #tpu.memory_space<vmem>>, %arg6: memref<128x128xf32, #tpu.memory_space<vmem>>, %arg7: memref<128x128xf32, #tpu.memory_space<vmem>>, %arg8: memref<1x128xf32, #tpu.memory_space<vmem>>, %arg9: memref<1000x128xf32, #tpu.memory_space<vmem>>) attributes {dimension_semantics = [#tpu.dimension_semantics<arbitrary>], iteration_bounds = array<i64: 10>, scalar_prefetch = 0 : i64, scratch_operands = 0 : i64, tpu.core_type = #tpu.core_type<tc>, window_params = [{transform_indices = @transform_0, window_bounds = array<i64: 2, 1000, 64>}, {transform_indices = @transform_1, window_bounds = array<i64: 2, 1000, 64>}, {transform_indices = @transform_2, window_bounds = array<i64: 2, 1000, 64>}, {transform_indices = @transform_3, window_bounds = array<i64: 1000, 1>}, {pipeline_mode = #tpu.pipeline_mode<synchronous>, transform_indices = @transform_4, window_bounds = array<i64: 64, 128>}, {pipeline_mode = #tpu.pipeline_mode<synchronous>, transform_indices = @transform_5, window_bounds = array<i64: 128, 128>}, {pipeline_mode = #tpu.pipeline_mode<synchronous>, transform_indices = @transform_6, window_bounds = array<i64: 128, 128>}, {pipeline_mode = #tpu.pipeline_mode<synchronous>, transform_indices = @transform_7, window_bounds = array<i64: 1, 128>}, {transform_indices = @transform_8, window_bounds = array<i64: 1000, 128>}]} {
    %get3A = arith.constant 0 : index
    %get3A_0 = arith.constant 0 : index
    %get3A_1 = arith.constant 0 : index
    %get3A_2 = vector.load %arg1[%get3A, %get3A_0, %get3A_1] : memref<2x1000x64xf32, #tpu.memory_space<vmem>>, vector<1x1000x64xf32>
    %get3A_3 = vector.shape_cast %get3A_2 : vector<1x1000x64xf32> to vector<1000x64xf32>
    %get3A_4 = arith.constant 1 : index
    %get3A_5 = arith.constant 0 : index
    %get3A_6 = arith.constant 0 : index
    %get3A_7 = vector.load %arg1[%get3A_4, %get3A_5, %get3A_6] : memref<2x1000x64xf32, #tpu.memory_space<vmem>>, vector<1x1000x64xf32>
    %get3A_8 = vector.shape_cast %get3A_7 : vector<1x1000x64xf32> to vector<1000x64xf32>
    %concatenate3A = tpu.concatenate %get3A_3, %get3A_8 in 1 : vector<1000x64xf32>, vector<1000x64xf32> -> vector<1000x128xf32>
    %get3A_9 = arith.constant 0 : index
    %get3A_10 = arith.constant 0 : index
    %get3A_11 = arith.constant 0 : index
    %get3A_12 = vector.load %arg2[%get3A_9, %get3A_10, %get3A_11] : memref<2x1000x64xf32, #tpu.memory_space<vmem>>, vector<1x1000x64xf32>
    %get3A_13 = vector.shape_cast %get3A_12 : vector<1x1000x64xf32> to vector<1000x64xf32>
    %get3A_14 = arith.constant 1 : index
    %get3A_15 = arith.constant 0 : index
    %get3A_16 = arith.constant 0 : index
    %get3A_17 = vector.load %arg2[%get3A_14, %get3A_15, %get3A_16] : memref<2x1000x64xf32, #tpu.memory_space<vmem>>, vector<1x1000x64xf32>
    %get3A_18 = vector.shape_cast %get3A_17 : vector<1x1000x64xf32> to vector<1000x64xf32>
    %concatenate3A_19 = tpu.concatenate %get3A_13, %get3A_18 in 1 : vector<1000x64xf32>, vector<1000x64xf32> -> vector<1000x128xf32>
    %get3A_20 = arith.constant 0 : index
    %get3A_21 = arith.constant 0 : index
    %get3A_22 = arith.constant 0 : index
    %get3A_23 = vector.load %arg3[%get3A_20, %get3A_21, %get3A_22] : memref<2x1000x64xf32, #tpu.memory_space<vmem>>, vector<1x1000x64xf32>
    %get3A_24 = vector.shape_cast %get3A_23 : vector<1x1000x64xf32> to vector<1000x64xf32>
    %get3A_25 = arith.constant 1 : index
    %get3A_26 = arith.constant 0 : index
    %get3A_27 = arith.constant 0 : index
    %get3A_28 = vector.load %arg3[%get3A_25, %get3A_26, %get3A_27] : memref<2x1000x64xf32, #tpu.memory_space<vmem>>, vector<1x1000x64xf32>
    %get3A_29 = vector.shape_cast %get3A_28 : vector<1x1000x64xf32> to vector<1000x64xf32>
    %add3A = arith.addf %get3A_24, %get3A_29 : vector<1000x64xf32>
    %get3A_30 = arith.constant 0 : index
    %get3A_31 = arith.constant 0 : index
    %get3A_32 = vector.load %arg5[%get3A_30, %get3A_31] : memref<64x128xf32, #tpu.memory_space<vmem>>, vector<64x128xf32>
    %dot_general3A = arith.constant dense<0.000000e+00> : vector<1000x128xf32>
    %dot_general3A_33 = tpu.matmul %add3A, %get3A_32, %dot_general3A {dimension_numbers = #tpu.dot_dimension_numbers<[1], [0], [0], [1], [0, 0, 1, 1], [], []>, transpose_lhs_hint = false} : vector<1000x64xf32>, vector<64x128xf32>, vector<1000x128xf32> -> vector<1000x128xf32>
    %sub3A = arith.subf %concatenate3A_19, %dot_general3A_33 : vector<1000x128xf32>
    %get3A_34 = arith.constant 0 : index
    %get3A_35 = arith.constant 0 : index
    %get3A_36 = vector.load %arg4[%get3A_34, %get3A_35] : memref<1000x1xf32, #tpu.memory_space<vmem>>, vector<1000x1xf32>
    %mul3A = vector.broadcast %get3A_36 : vector<1000x1xf32> to vector<1000x128xf32>
    %mul3A_37 = arith.mulf %sub3A, %mul3A : vector<1000x128xf32>
    %get3A_38 = arith.constant 0 : index
    %get3A_39 = arith.constant 0 : index
    %get3A_40 = vector.load %arg6[%get3A_38, %get3A_39] : memref<128x128xf32, #tpu.memory_space<vmem>>, vector<128x128xf32>
    %dot_general3A_41 = arith.constant dense<0.000000e+00> : vector<1000x128xf32>
    %dot_general3A_42 = tpu.matmul %concatenate3A, %get3A_40, %dot_general3A_41 {dimension_numbers = #tpu.dot_dimension_numbers<[1], [0], [0], [1], [0, 0, 1, 1], [], []>, transpose_lhs_hint = false} : vector<1000x128xf32>, vector<128x128xf32>, vector<1000x128xf32> -> vector<1000x128xf32>
    %get3A_43 = arith.constant 0 : index
    %get3A_44 = arith.constant 0 : index
    %get3A_45 = vector.load %arg7[%get3A_43, %get3A_44] : memref<128x128xf32, #tpu.memory_space<vmem>>, vector<128x128xf32>
    %dot_general3A_46 = arith.constant dense<0.000000e+00> : vector<1000x128xf32>
    %dot_general3A_47 = tpu.matmul %mul3A_37, %get3A_45, %dot_general3A_46 {dimension_numbers = #tpu.dot_dimension_numbers<[1], [0], [0], [1], [0, 0, 1, 1], [], []>, transpose_lhs_hint = false} : vector<1000x128xf32>, vector<128x128xf32>, vector<1000x128xf32> -> vector<1000x128xf32>
    %add3A_48 = arith.addf %dot_general3A_42, %dot_general3A_47 : vector<1000x128xf32>
    %get3A_49 = arith.constant 0 : index
    %get3A_50 = arith.constant 0 : index
    %get3A_51 = vector.load %arg8[%get3A_49, %get3A_50] : memref<1x128xf32, #tpu.memory_space<vmem>>, vector<1x128xf32>
    %add3A_52 = vector.broadcast %get3A_51 : vector<1x128xf32> to vector<1000x128xf32>
    %add3A_53 = arith.addf %add3A_48, %add3A_52 : vector<1000x128xf32>
    %max3A = arith.constant 0.000000e+00 : f32
    %max3A_54 = vector.broadcast %max3A : f32 to vector<1000x128xf32>
    %max3A_55 = arith.maximumf %add3A_53, %max3A_54 : vector<1000x128xf32>
    %swap3A = arith.constant 0 : index
    %swap3A_56 = arith.constant 0 : index
    %swap3A_57 = vector.load %arg9[%swap3A, %swap3A_56] : memref<1000x128xf32, #tpu.memory_space<vmem>>, vector<1000x128xf32>
    tpu.vector_store %arg9[%swap3A, %swap3A_56], %max3A_55 {strides = array<i32>} : memref<1000x128xf32, #tpu.memory_space<vmem>>, vector<1000x128xf32>,
    return
  }
  func.func @transform_0(%arg0: i32) -> (i32, i32, i32) {
    %c0_i32 = arith.constant 0 : i32
    %c0_i32_0 = arith.constant 0 : i32
    %c0_i32_1 = arith.constant 0 : i32
    return %c0_i32, %arg0, %c0_i32_0 : i32, i32, i32
  }
  func.func @transform_1(%arg0: i32) -> (i32, i32, i32) {
    %c0_i32 = arith.constant 0 : i32
    %c0_i32_0 = arith.constant 0 : i32
    %c0_i32_1 = arith.constant 0 : i32
    return %c0_i32, %arg0, %c0_i32_0 : i32, i32, i32
  }
  func.func @transform_2(%arg0: i32) -> (i32, i32, i32) {
    %c0_i32 = arith.constant 0 : i32
    %c0_i32_0 = arith.constant 0 : i32
    %c0_i32_1 = arith.constant 0 : i32
    return %c0_i32, %arg0, %c0_i32_0 : i32, i32, i32
  }
  func.func @transform_3(%arg0: i32) -> (i32, i32) {
    %c0_i32 = arith.constant 0 : i32
    %c0_i32_0 = arith.constant 0 : i32
    return %arg0, %c0_i32 : i32, i32
  }
  func.func @transform_4(%arg0: i32) -> (i32, i32) {
    %c0_i32 = arith.constant 0 : i32
    %c0_i32_0 = arith.constant 0 : i32
    %c0_i32_1 = arith.constant 0 : i32
    return %c0_i32, %c0_i32_0 : i32, i32
  }
  func.func @transform_5(%arg0: i32) -> (i32, i32) {
    %c0_i32 = arith.constant 0 : i32
    %c0_i32_0 = arith.constant 0 : i32
    %c0_i32_1 = arith.constant 0 : i32
    return %c0_i32, %c0_i32_0 : i32, i32
  }
  func.func @transform_6(%arg0: i32) -> (i32, i32) {
    %c0_i32 = arith.constant 0 : i32
    %c0_i32_0 = arith.constant 0 : i32
    %c0_i32_1 = arith.constant 0 : i32
    return %c0_i32, %c0_i32_0 : i32, i32
  }
  func.func @transform_7(%arg0: i32) -> (i32, i32) {
    %c0_i32 = arith.constant 0 : i32
    %c0_i32_0 = arith.constant 0 : i32
    %c0_i32_1 = arith.constant 0 : i32
    return %c0_i32, %c0_i32_0 : i32, i32
  }
  func.func @transform_8(%arg0: i32) -> (i32, i32) {
    %c0_i32 = arith.constant 0 : i32
    %c0_i32_0 = arith.constant 0 : i32
    return %arg0, %c0_i32 : i32, i32
  }
}

</mosaic_0001>

<sc_bundles>
// kernel: kernel.5.cloned.1.call-start
scs
__scs_entry_jumppad:
0x0: {  	(pc) =	sbr.rel $0x88, $3  }
0x1: {  	(tag) =	ssettag $0x0;
	lr =	simm.s32 $0x1  }
0x2: {  	[smem:$0x3F99] =	sst lr;
	_ =	strace $0xD0000000  }
0x3: {  	_ = 	snop  }
0x4: {  	_ = 	snop  }
0x5: {  	_ = 	snop  }
0x6: {  	_ = 	snop  }
0x7: {  	_ = 	snop  }
__scs_overlays_trampoline_lowered:
0x8: {  	[smem:$0x3FA8] =	sst s0  }
0x9: {  	[smem:$0x3FA9] =	sst s1  }
0xa: {  	[smem:$0x3FAA] =	sst s2  }
0xb: {  	[smem:$0x3FAB] =	sst s3  }
0xc: {  	[smem:$0x3FAC] =	sst s4  }
0xd: {  	[smem:$0x3FAD] =	sst s5  }
0xe: {  	[smem:$0x3FAE] =	sst s6  }
0xf: {  	[smem:$0x3FAF] =	sst s7  }
0x10: {  	[smem:$0x3FB0] =	sst s8  }
0x11: {  	[smem:$0x3FB1] =	sst s9;
	s0 =	simm.s32 @!p0 $0x0  }
0x12: {  	s1 =	sld [smem:$0x3F97];
	s0 =	simm.s32 @p0 $0x1  }
0x13: {  	[smem:$0x3FB2] =	sst s0;
	s0 =	simm.s32 @!p1 $0x0  }
0x14: {  	s2 =	sld [smem:$0x3F96];
	s0 =	simm.s32 @p1 $0x1  }
0x15: {  	[smem:$0x3FB3] =	sst s0;
	s0 =	simm.s32 @!p2 $0x0  }
0x16: {  	s3 =	sld [smem:$0x3FDB];
	s0 =	simm.s32 @p2 $0x1  }
0x17: {  	s4 =	simm.s32 $0x1BF5;
	[smem:$0x3FB5] =	sst s0  }
0x18: {  	s0 =	sld [smem:$0x3F98];
	_ =	swait.ge [sflag:s4], $0x0  }
0x19: {  	s7 =	sld [smem:$0x3F99]  }
0x1a: {  	s8 =	sadd.s32 $0xFFFFE003, lr  }
0x1b: {  	s9 =	sadd.s32 $0xFFFFFEF7, lr;
	s5 =	simm.s32 $0xFFFFFFFF;
	p2 =	slt.u32 s8, $0xFFFFF086  }
0x1c: {  	p1 =	slt.u32 s9, $0xF7A;
	s5 =	simm.s32 @!p2 $0x0  }
0x1d: {  	s5 =	simm.s32 @p1 $0x1;
	p0 =	seq.s32 s7, s2  }
0x1e: {  	s7 =	smul.u32 @!p0 $0xF7A, s2;
	p2 =	seq.s32 @!p0 s5, $0x0  }
0x1f: {  	s9 =	smul.u32 $0xF7A, s1;
	s8 =	simm.s32 @!p0 $0x1BF5;
	p2 =	por !p2, p0  }
0x20: {  	[sflag:s8] =	ssyncset.s32 @!p0 $0xFFFFF086;
	s6 =	sadd.s32 @!p0 s3, s7;
	s7 =	simm.s32 @!p0 $0x108  }
0x21: {  	s3 =	sadd.s32 s3, s9;
	s6 =	sadd.s32 @!p0 $0x88, s6;
	s7 =	simm.s32 @p2 $0x1082  }
0x22: {  	[simem:s7], [sflag:s8] =	dma.local @!p0 [hbm:s6], $0xF7A  }
0x23: {  	s9 =	sor.u32 $0xD0000000, s2;
	s6 =	simm.s32 $0x108;
	_ =	swait.ge @!p0 [sflag:s8], $0x0  }
0x24: {  	s3 =	sadd.s32 $0x88, s3;
	s6 =	simm.s32 @!p1 $0x1082;
	[sflag:s4] =	ssyncset.s32 $0xFFFFF086  }
0x25: {  	[simem:s6], [sflag:s4] =	dma.local [hbm:s3], $0xF7A  }
0x26: {  	[smem:$0x3F99] =	sst s1;
	(tag) =	ssettag s2;
	_ =	strace s9  }
0x27: {  	s1 =	sld [smem:$0x3FA9]  }
0x28: {  	s2 =	sld [smem:$0x3FAA]  }
0x29: {  	s4 =	sld [smem:$0x3FAC]  }
0x2a: {  	p0 =	seq.s32 s5, $0x0;
	s5 =	sld [smem:$0x3FAD]  }
0x2b: {  	s6 =	sld [smem:$0x3FAE]  }
0x2c: {  	s7 =	sld [smem:$0x3FAF]  }
0x2d: {  	s3 =	simm.s32 $0x108;
	s8 =	sld [smem:$0x3FB0]  }
0x2e: {  	s3 =	simm.s32 @!p0 $0x1082;
	s9 =	sld [smem:$0x3FB1]  }
0x2f: {  	lr =	sadd.s32 s0, s3;
	s0 =	sld [smem:$0x3FA8]  }
0x30: {  	s3 =	sld [smem:$0x3FAB]  }
0x31: {  	[smem:$0x3FB4] =	sst s10  }
0x32: {  	s10 =	sld [smem:$0x3FB2];
	_ =	sdelay $0x3  }
0x33: {  	p0 =	seq.s32 s10, $0x1;
	s10 =	sld [smem:$0x3FB4];
	_ =	sdelay $0x3  }
0x34: {  	[smem:$0x3FB4] =	sst s10  }
0x35: {  	s10 =	sld [smem:$0x3FB3];
	_ =	sdelay $0x3  }
0x36: {  	p1 =	seq.s32 s10, $0x1;
	s10 =	sld [smem:$0x3FB4];
	_ =	sdelay $0x3  }
0x37: {  	[smem:$0x3FB4] =	sst s10  }
0x38: {  	s10 =	sld [smem:$0x3FB5]  }
0x39: {  	_ = 	snop;
	(pc) =	sbr.ind lr, $3  }
0x3a: {  	_ = 	snop  }
0x3b: {  	_ = 	snop  }
0x3c: {  	p2 =	seq.s32 s10, $0x1;
	s10 =	sld [smem:$0x3FB4]  }
0x3d: {  	_ =	shalt  }
0x3e: {  	_ =	shalt  }
0x3f: {  	_ =	shalt  }
0x40: {  	_ =	shalt  }
0x41: {  	_ =	shalt  }
0x42: {  	_ =	shalt  }
0x43: {  	_ =	shalt  }
0x44: {  	_ =	shalt  }
0x45: {  	_ =	shalt  }
0x46: {  	_ =	shalt  }
0x47: {  	_ =	shalt  }
0x48: {  	_ =	shalt  }
0x49: {  	_ =	shalt  }
0x4a: {  	_ =	shalt  }
0x4b: {  	_ =	shalt  }
0x4c: {  	_ =	shalt  }
0x4d: {  	_ =	shalt  }
0x4e: {  	_ =	shalt  }
0x4f: {  	_ =	shalt  }
0x50: {  	_ =	shalt  }
0x51: {  	_ =	shalt  }
0x52: {  	_ =	shalt  }
0x53: {  	_ =	shalt  }
0x54: {  	_ =	shalt  }
0x55: {  	_ =	shalt  }
0x56: {  	_ =	shalt  }
0x57: {  	_ =	shalt  }
0x58: {  	_ =	shalt  }
0x59: {  	_ =	shalt  }
0x5a: {  	_ =	shalt  }
0x5b: {  	_ =	shalt  }
0x5c: {  	_ =	shalt  }
0x5d: {  	_ =	shalt  }
0x5e: {  	_ =	shalt  }
0x5f: {  	_ =	shalt  }
0x60: {  	_ =	shalt  }
0x61: {  	_ =	shalt  }
0x62: {  	_ =	shalt  }
0x63: {  	_ =	shalt  }
0x64: {  	_ =	shalt  }
0x65: {  	_ =	shalt  }
0x66: {  	_ =	shalt  }
0x67: {  	_ =	shalt  }
0x68: {  	_ =	shalt  }
0x69: {  	_ =	shalt  }
0x6a: {  	_ =	shalt  }
0x6b: {  	_ =	shalt  }
0x6c: {  	_ =	shalt  }
0x6d: {  	_ =	shalt  }
0x6e: {  	_ =	shalt  }
0x6f: {  	_ =	shalt  }
0x70: {  	_ =	shalt  }
0x71: {  	_ =	shalt  }
0x72: {  	_ =	shalt  }
0x73: {  	_ =	shalt  }
0x74: {  	_ =	shalt  }
0x75: {  	_ =	shalt  }
0x76: {  	_ =	shalt  }
0x77: {  	_ =	shalt  }
0x78: {  	_ =	shalt  }
0x79: {  	_ =	shalt  }
0x7a: {  	_ =	shalt  }
0x7b: {  	_ =	shalt  }
0x7c: {  	_ =	shalt  }
0x7d: {  	_ =	shalt  }
0x7e: {  	_ =	shalt  }
0x7f: {  	_ =	shalt  }
0x80: {  	_ =	shalt  }
0x81: {  	_ =	shalt  }
0x82: {  	_ =	shalt  }
0x83: {  	_ =	shalt  }
0x84: {  	_ =	shalt  }
0x85: {  	_ =	shalt  }
0x86: {  	_ =	shalt  }
0x87: {  	_ =	shalt  }
.Lfunc_end0:
.L_simem_size_0:
called_computation_lowered:
.L_overlay_start_0:
0x88: {  	s2 =	sld [smem:$0x3FD9]  }
0x89: {  	s3 =	sld [smem:$0x3FFE];
	_ =	sdelay $0x1  }
0x8a: {  	s1 =	srdreg.scid  }
0x8b: {  	s0 =	sand.u32 $0x1, s1  }
0x8c: {  	s17 =	sshll.u32 s0, $0xA;
	s2 =	sadd.s32 s3, s2  }
0x8d: {  	s2 =	sadd.s32 s2, s17  }
0x8e: {  	[smem:$0x3FC0] =	sst s2  }
0x8f: {  	_ = 	snop  }
0x90: {  	s2 =	sld [smem:$0x3FD0];
	(tm) =	ssettm $0x1  }
0x91: {  	s18 =	sld [smem:$0x3FFB];
	_ =	sdelay $0x3  }
0x92: {  	_ =	strace s18  }
0x93: {  	s3 =	sld [smem:$0x3FFC];
	_ =	sdelay $0x3  }
0x94: {  	_ =	strace s3  }
0x95: {  	s3 =	sld [smem:$0x3FFD];
	_ =	sdelay $0x3  }
0x96: {  	_ =	strace s3  }
0x97: {  	_ =	strace $0x8FFFFFFF  }
0x98: {  	s19 =	sld [smem:$0x3FDB];
	_ =	sdelay $0x1  }
0x99: {  	s4 =	simm.s32 $_scs_section_size  }
0x9a: {  	s5 =	simm.s32 $_size__tile_overlayer_lowered;
	s6 =	simm.s32 $_tile_overlayer_lowered  }
0x9b: {  	s22 =	simm.s32 $0x1BFF;
	s21 =	sshll.u32 s6, $0x1;
	s3 =	sadd.s32 s4, s19  }
0x9c: {  	s7 =	simm.s32 $0x0;
	s20 =	sshll.u32 s5, $0x1;
	s5 =	sadd.s32 s21, s3  }
0x9d: {  	[timem:s7], [sflag:s22] =	dma.local [hbm:s5], s20  }
0x9e: {  	_ =	swait.ge [sflag:s22], s20  }
0x9f: {  	s4 =	ssub.s32 $0x0, s20;
	[sflag:s22] =	ssyncset.done $0x0  }
0xa0: {  	[sflag:s22] =	ssyncadd.s32 s4;
	_ =	sdelay $0x1  }
0xa1: {  	s23 =	simm.s32 $0x1B8B  }
0xa2: {  	_ =	swait.ge [sflag:s23], $0x1  }
0xa3: {  	[sflag:s23] =	ssyncset.done $0x0  }
0xa4: {  	s25 =	simm.s32 $0x1B8E;
	s24 =	sld [smem:$0x3FFE];
	[sflag:s23] =	ssyncadd.s32 $0xFFFFFFFF  }
0xa5: {  	s26 =	simm.s32 $execute0_lowered;
	[smem:$0x3FD2] =	sst s25  }
0xa6: {  	s5 =	sshll.u32 s26, $0x1;
	_ =	strace $0x80000046;
	[dreg:$0x1] =	wrdreg $0xFFFFFFFF  }
0xa7: {  	s28 =	simm.s32 $_size_execute0_lowered;
	s3 =	sadd.s32 s3, s5;
	[dreg:$0x0] =	wrdreg $0x0  }
0xa8: {  	s5 =	sshll.u32 s28, $0x1;
	[dreg:$0x2] =	wrdreg s3  }
0xa9: {  	[dreg:$0x3] =	wrdreg s5  }
0xaa: {  	[dreg:$0x4] =	wrdreg $0xC0  }
0xab: {  	_ =	task [dreg:s7], $0x5FFFF  }
0xac: {  	[dreg:$0x1] =	wrdreg $0xFFFFFFFF  }
0xad: {  	[dreg:$0x0] =	wrdreg $0x60  }
0xae: {  	[dreg:$0x2] =	wrdreg s2  }
0xaf: {  	[dreg:$0x3] =	wrdreg s24  }
0xb0: {  	[dreg:$0x4] =	wrdreg $0x0  }
0xb1: {  	[dreg:$0x5] =	wrdreg $0x9C400  }
0xb2: {  	[dreg:$0x6] =	wrdreg $0x9  }
0xb3: {  	_ =	task.clear_ibuf [dreg:s7], $0x7FFFF;
	_ =	strace $0x90000046  }
0xb4: {  	s29 =	simm.s32 $0x9;
	_ =	strace $0x80000048  }
0xb5: {  	_ =	swait.ge [sflag:s29], $0x1  }
0xb6: {  	[sflag:s29] =	ssyncadd.s32 $0xFFFFFFFF  }
0xb7: {  	_ =	strace $0x90000048  }
0xb8: {  	_ =	sfence  }
0xb9: {  	s30 =	sld [smem:$0x0];
	_ =	sdelay $0x2  }
0xba: {  	s31 =	sshll.u32 s1, $0xD;
	s1 =	sshrl.u32 s1, $0x2  }
0xbb: {  	s3 =	sand.u32 $0x4000, s31;
	s1 =	sadd.s32 s1, s30  }
0xbc: {  	s0 =	sor.u32 s3, s0;
	s1 =	sshll.u32 s1, $0x11  }
0xbd: {  	s0 =	sor.u32 s1, s0  }
0xbe: {  	s0 =	sadd.s32 $0x8F2B, s0  }
0xbf: {  	[sflag:s0] =	ssyncadd.remote.s32 $0x1  }
0xc0: {  	_ =	sfence.sel $0xFFFF  }
0xc1: {  	[dreg:$0x0] =	wrdreg $0xFFFFFFFF;
	(pc) =	sbr.abs _section_cstart, $3  }
0xc2: {  	[dreg:$0x1] =	wrdreg $0xFFFFFFFF  }
0xc3: {  	_ =	task.clear_ibuf [dreg:s7], $0x2FFFF;
	_ =	strace $0x9FFFFFFF  }
0xc4: {  	(tm) =	ssettm $0x7FFFFFFF  }
0xc5: {  	_ =	shalt  }
tec
execute0_lowered:
.L_overlay_start_1:
0x0: {  	(tag) =	ssettag $0x1  }
0x1: {  	s1 =	rddreg [dreg:$0x0]  }
0x2: {  	s0 =	rddreg [dreg:$0x1]  }
0x3: {  	s2 =	rddreg [dreg:$0x2]  }
0x4: {  	s3 =	rddreg [dreg:$0x3];
	s19 =	simm.s32 $0x0  }
0x5: {  	s4 =	srdreg.scid;
	s14 =	stileid.u32;
	s28 =	simm.s32 $0x13970  }
0x6: {  	s29 =	simm.s32 $0x13A60;
	s30 =	simm.s32 $0x19;
	[smem:$0x7FF] =	sst s19  }
0x7: {  	s7 =	sadd.s32 $0x1C00, s0;
	s6 =	sand.u32 $0x1, s4;
	s11 =	smul.u32 $0xEA60, s14  }
0x8: {  	s12 =	smul.u32 $0x27000, s14;
	s23 =	sadd.s32 $0x9C000, s2;
	s24 =	sadd.s32 $0x9C000, s3  }
0x9: {  	_ =	strace $0x80000047;
	[dreg:$0xc] =	wrdreg s23;
	s4 =	sshrl.u32 s11, $0x3  }
0xa: {  	s18 =	smul.u32 $0x9C00, s14;
	[dreg:$0x11] =	wrdreg s24;
	s15 =	sadd.s32 s7, s4  }
0xb: {  	s9 =	ssub.s32 $0x2, s6;
	s13 =	sadd.s32 $0x1E, s15;
	[dreg:$0x5] =	wrdreg s15  }
0xc: {  	s17 =	smul.u32 $0x9C400, s6;
	s16 =	sadd.s32 $0x3C, s15;
	[dreg:$0x6] =	wrdreg s13  }
0xd: {  	s10 =	sshrl.u32 s9, $0x1;
	s11 =	sadd.s32 $0x5A, s15;
	[dreg:$0x7] =	wrdreg s16  }
0xe: {  	s4 =	sshrl.u32 s12, $0x2;
	s12 =	sadd.s32 $0x78, s15;
	[dreg:$0x8] =	wrdreg s11  }
0xf: {  	s9 =	ssub.s32 s9, s10;
	s20 =	sadd.s32 $0x96, s15;
	[dreg:$0x9] =	wrdreg s12  }
0x10: {  	s8 =	sadd.s32 $0x46400, s0;
	s26 =	smax.u32 s9, $0x1;
	[dreg:$0xa] =	wrdreg s20  }
0x11: {  	s21 =	sadd.s32 s18, s17;
	s9 =	sadd.s32 $0xD2, s15;
	[dreg:$0x12] =	wrdreg s26  }
0x12: {  	s16 =	sadd.s32 s4, s3;
	s4 =	sadd.s32 s4, s2;
	[dreg:$0x17] =	wrdreg s9  }
0x13: {  	s0 =	sadd.s32 $0x1F200, s0;
	s12 =	sshrl.u32 s21, $0x3;
	[dreg:$0x13] =	wrdreg s4  }
0x14: {  	s10 =	sshrl.u32 s17, $0x3;
	s17 =	sadd.s32 s8, s12;
	[dreg:$0xb] =	wrdreg s16  }
0x15: {  	s10 =	sadd.s32 $0x13800, s10;
	s12 =	sadd.s32 s0, s12;
	[dreg:$0xd] =	wrdreg s17  }
0x16: {  	s31 =	simm.s32 $0x7;
	s8 =	sadd.s32 s8, s10;
	[dreg:$0xe] =	wrdreg s12  }
0x17: {  	p0 =	sne.s32 s14, $0xF;
	s0 =	sadd.s32 s0, s10;
	[dreg:$0xf] =	wrdreg s8  }
0x18: {  	s5 =	smul.u32 $0x2710, s6;
	s10 =	sadd.s32 $0xF0, s15;
	[dreg:$0x10] =	wrdreg s0  }
0x19: {  	s22 =	sadd.s32 s18, s2;
	s11 =	sadd.s32 $0x1A00, s4;
	[dreg:$0x18] =	wrdreg s10  }
0x1a: {  	s13 =	smul.u32 $0x1D4C, s14;
	s14 =	sadd.s32 $0x6800, s4;
	[dreg:$0x19] =	wrdreg s11  }
0x1b: {  	s25 =	sadd.s32 s18, s3;
	s18 =	sadd.s32 $0x2700, s16;
	[dreg:$0x1c] =	wrdreg s14  }
0x1c: {  	p1 =	sne.s32 s6, $0x0;
	s21 =	sadd.s32 $0x3A80, s16;
	[dreg:$0x1f] =	wrdreg s18  }
0x1d: {  	p2 =	seq.s32 s6, $0x0;
	s26 =	sadd.s32 $0x7500, s16;
	[smem:$0x7F8] =	sst s21  }
0x1e: {  	s9 =	simm.s32 $0x17FC0;
	s0 =	sshrl.u32 s22, $0x3;
	[smem:$0x7FB] =	sst s26  }
0x1f: {  	s20 =	sadd.s32 s13, s7;
	s7 =	sshrl.u32 s25, $0x3;
	[dreg:$0x14] =	wrdreg s0  }
0x20: {  	s8 =	sadd.s32 $0xB4, s15;
	s12 =	sadd.s32 $0x3400, s4;
	[dreg:$0x15] =	wrdreg s7  }
0x21: {  	s13 =	sadd.s32 $0x4E00, s4;
	s15 =	sadd.s32 $0x8200, s4;
	[dreg:$0x16] =	wrdreg s8  }
0x22: {  	s17 =	sadd.s32 $0x1380, s16;
	s22 =	sadd.s32 $0x4E00, s16;
	[dreg:$0x1a] =	wrdreg s12  }
0x23: {  	s25 =	sadd.s32 $0x6180, s16;
	s4 =	sadd.s32 $0x8880, s16;
	[dreg:$0x1b] =	wrdreg s13  }
0x24: {  	s14 =	simm.s32 $0x13880;
	s26 =	simm.s32 $0x50;
	[dreg:$0x1d] =	wrdreg s15  }
0x25: {  	s18 =	simm.s32 $0x157C0;
	s21 =	simm.s32 $0x16BC0;
	[dreg:$0x1e] =	wrdreg s17  }
0x26: {  	s10 =	simm.s32 $0x8;
	s11 =	simm.s32 $0x14050;
	[smem:$0x7F9] =	sst s22  }
.Ltmp0:
0x27: {  	s16 =	simm.s32 $0xA;
	[smem:$0x7FA] =	sst s25;
	(pc) =	sbr.rel .LBB2_1-.Ltmp0, $4  }
0x28: {  	[smem:$0x7FC] =	sst s4;
	s17 =	simm.s32 $0x143C0;
	s0 =	simm.s32 $0x14000  }
0x29: {  	s4 =	simm.s32 $0x4;
	s8 =	simm.s32 $0x13F10;
	s12 =	simm.s32 $0x9  }
0x2a: {  	s15 =	simm.s32 $0x140A0;
	s22 =	simm.s32 $0x140F0;
	s7 =	simm.s32 $0x0  }
0x2b: {  	v1 =	vimm.f32 $1.000000000e+00;
	v2 =	vimm.f32 $0.0e+00;
	v0 =	vmov s5;
	s25 =	simm.s32 $0x6;
	s13 =	simm.s32 $0x5;
	[smem:$0x7FD] =	sst s7  }
.LBB2_11:
0x2c: {  	s5 =	simm.s32 $0xD  }
0x2d: {  	_ =	swait.ge [sflag:s5], $0x1400  }
0x2e: {  	[sflag:s5] =	ssyncset.done $0x0  }
0x2f: {  	[sflag:s5] =	ssyncadd.s32 $0xFFFFEC00;
	s5 =	simm.s32 @p1 $0xE  }
0x30: {  	_ =	swait.ge @p1 [sflag:s5], $0x1400  }
0x31: {  	[sflag:s5] =	ssyncset.done @p1 $0x0  }
0x32: {  	[sflag:s5] =	ssyncadd.s32 @p1 $0xFFFFEC00;
	s5 =	simm.s32 @p1 $0x14  }
0x33: {  	_ =	swait.ge @p1 [sflag:s5], $0x50  }
0x34: {  	[sflag:s5] =	ssyncset.done @p1 $0x0  }
0x35: {  	[sflag:s5] =	ssyncadd.s32 @p1 $0xFFFFFFB0;
	s5 =	simm.s32 @p1 $0xF  }
0x36: {  	_ =	swait.ge @p1 [sflag:s5], $0x1400  }
0x37: {  	[sflag:s5] =	ssyncset.done @p1 $0x0  }
0x38: {  	[sflag:s5] =	ssyncadd.s32 @p1 $0xFFFFEC00;
	s5 =	simm.s32 @p1 $0x10  }
0x39: {  	_ =	swait.ge @p1 [sflag:s5], $0x1400  }
0x3a: {  	[sflag:s5] =	ssyncset.done @p1 $0x0  }
0x3b: {  	[sflag:s5] =	ssyncadd.s32 @p1 $0xFFFFEC00;
	s5 =	simm.s32 @p1 $0x16  }
0x3c: {  	_ =	swait.ge @p1 [sflag:s5], $0x50  }
0x3d: {  	[sflag:s5] =	ssyncset.done @p1 $0x0  }
0x3e: {  	[sflag:s5] =	ssyncadd.s32 @p1 $0xFFFFFFB0;
	s5 =	simm.s32 @p1 $0x11  }
0x3f: {  	_ =	swait.ge @p1 [sflag:s5], $0x1400  }
0x40: {  	[sflag:s5] =	ssyncset.done @p1 $0x0  }
0x41: {  	[sflag:s5] =	ssyncadd.s32 @p1 $0xFFFFEC00;
	s5 =	simm.s32 @p1 $0x12  }
0x42: {  	_ =	swait.ge @p1 [sflag:s5], $0x1400  }
0x43: {  	[sflag:s5] =	ssyncset.done @p1 $0x0  }
0x44: {  	[sflag:s5] =	ssyncadd.s32 @p1 $0xFFFFEC00;
	s5 =	simm.s32 @p1 $0x18  }
0x45: {  	_ =	swait.ge @p1 [sflag:s5], $0x50  }
0x46: {  	[sflag:s5] =	ssyncset.done @p1 $0x0  }
0x47: {  	[sflag:s5] =	ssyncadd.s32 @p1 $0xFFFFFFB0;
	s5 =	simm.s32 @!p1 $0x13  }
0x48: {  	_ =	swait.ge @!p1 [sflag:s5], $0x50  }
0x49: {  	[sflag:s5] =	ssyncset.done @!p1 $0x0  }
0x4a: {  	[sflag:s5] =	ssyncadd.s32 @!p1 $0xFFFFFFB0;
	s5 =	simm.s32 @!p1 $0xE  }
0x4b: {  	_ =	swait.ge @!p1 [sflag:s5], $0x1400  }
0x4c: {  	[sflag:s5] =	ssyncset.done @!p1 $0x0  }
0x4d: {  	[sflag:s5] =	ssyncadd.s32 @!p1 $0xFFFFEC00;
	s5 =	simm.s32 @!p1 $0xF  }
0x4e: {  	_ =	swait.ge @!p1 [sflag:s5], $0x1400  }
0x4f: {  	[sflag:s5] =	ssyncset.done @!p1 $0x0  }
0x50: {  	[sflag:s5] =	ssyncadd.s32 @!p1 $0xFFFFEC00;
	s5 =	simm.s32 @!p1 $0x15  }
0x51: {  	_ =	swait.ge @!p1 [sflag:s5], $0x50  }
0x52: {  	[sflag:s5] =	ssyncset.done @!p1 $0x0  }
0x53: {  	[sflag:s5] =	ssyncadd.s32 @!p1 $0xFFFFFFB0;
	s5 =	simm.s32 @!p1 $0x10  }
0x54: {  	_ =	swait.ge @!p1 [sflag:s5], $0x1400  }
0x55: {  	[sflag:s5] =	ssyncset.done @!p1 $0x0  }
0x56: {  	[sflag:s5] =	ssyncadd.s32 @!p1 $0xFFFFEC00;
	s5 =	simm.s32 @!p1 $0x11  }
0x57: {  	_ =	swait.ge @!p1 [sflag:s5], $0x1400  }
0x58: {  	[sflag:s5] =	ssyncset.done @!p1 $0x0  }
0x59: {  	[sflag:s5] =	ssyncadd.s32 @!p1 $0xFFFFEC00;
	s5 =	simm.s32 @!p1 $0x17  }
0x5a: {  	_ =	swait.ge @!p1 [sflag:s5], $0x50  }
0x5b: {  	[sflag:s5] =	ssyncset.done @!p1 $0x0  }
0x5c: {  	[sflag:s5] =	ssyncadd.s32 @!p1 $0xFFFFFFB0;
	s5 =	simm.s32 @!p1 $0x12  }
0x5d: {  	_ =	swait.ge @!p1 [sflag:s5], $0x1400  }
0x5e: {  	[sflag:s5] =	ssyncset.done @!p1 $0x0  }
0x5f: {  	[sflag:s5] =	ssyncadd.s32 @!p1 $0xFFFFEC00  }
0x60: {  	s19 =	stileid.u32;
	[bflag:$0x0] =	sbarrier.arrive $0xFFFF  }
0x61: {  	s5 =	sshll.u32 s19, $0x6;
	s7 =	rddreg [dreg:$0xd]  }
0x62: {  	s19 =	simm.s32 $0x1A;
	s5 =	sor.u32 $0x1C1A, s5;
	s14 =	rddreg [dreg:$0x14]  }
0x63: {  	[hbm:s7], [sflag:s5] =	dma.local [spmem:s14], $0x1380  }
0x64: {  	_ =	swait.ge [sflag:s19], $0x1380  }
0x65: {  	[sflag:s19] =	ssyncset.done $0x0;
	s23 =	rddreg [dreg:$0xe]  }
0x66: {  	s24 =	rddreg [dreg:$0x15];
	[sflag:s19] =	ssyncadd.s32 $0xFFFFEC80  }
0x67: {  	[hbm:s23], [sflag:s5] =	dma.local [spmem:s24], $0x1380  }
0x68: {  	_ =	swait.ge [sflag:s19], $0x1380  }
0x69: {  	[sflag:s19] =	ssyncset.done $0x0;
	s23 =	rddreg [dreg:$0xc]  }
0x6a: {  	s14 =	rddreg [dreg:$0xf];
	[sflag:s19] =	ssyncadd.s32 $0xFFFFEC80;
	s7 =	sshrl.u32 @!p0 s23, $0x3  }
0x6b: {  	[hbm:s14], [sflag:s5] =	dma.local @!p0 [spmem:s7], $0x80  }
0x6c: {  	s7 =	simm.s32 @!p0 $0x1A  }
0x6d: {  	_ =	swait.ge @!p0 [sflag:s7], $0x80  }
0x6e: {  	[sflag:s7] =	ssyncset.done @!p0 $0x0;
	s24 =	rddreg [dreg:$0x11]  }
0x6f: {  	s19 =	rddreg [dreg:$0x10];
	[sflag:s7] =	ssyncadd.s32 @!p0 $0xFFFFFF80;
	s14 =	sshrl.u32 @!p0 s24, $0x3  }
0x70: {  	[hbm:s19], [sflag:s5] =	dma.local @!p0 [spmem:s14], $0x80  }
0x71: {  	_ =	swait.ge @!p0 [sflag:s7], $0x80  }
0x72: {  	s5 =	sld [smem:$0x7FD];
	_ =	sdelay $0x2  }
0x73: {  	s19 =	rddreg [dreg:$0x12];
	s14 =	sadd.s32 $0x1, s5  }
0x74: {  	p3 =	sne.s32 s14, s19  }
.Ltmp1:
0x75: {  	_ = 	snop;
	(pc) =	sbr.rel @!p3 .LBB2_12-.Ltmp1, $4  }
0x76: {  	_ = 	snop  }
0x77: {  	[sflag:s7] =	ssyncset.done @!p0 $0x0  }
0x78: {  	s28 =	simm.s32 $0x13970;
	s29 =	simm.s32 $0x13A60;
	[sflag:s7] =	ssyncadd.s32 @!p0 $0xFFFFFF80  }
0x79: {  	[smem:$0x7FD] =	sst s14;
	s19 =	simm.s32 $0x0;
	s14 =	simm.s32 $0x13880  }
.LBB2_1:
0x7a: {  	s5 =	rddreg [dreg:$0x5]  }
0x7b: {  	[tilespmem:s14], [sflag:$0x1] =	stream.linear.gather [hbm4b:s5+s19], $0xF0, $0x38;
	[tilespmem:$0x1E990] =	vst v63  }
0x7c: {  	s7 =	rddreg [dreg:$0x6]  }
0x7d: {  	[tilespmem:s28], [sflag:$0x2] =	stream.linear.gather [hbm4b:s7+s19], $0xF0, $0x38;
	[tilespmem:$0x1E990] =	vst v63  }
0x7e: {  	s7 =	rddreg [dreg:$0x7]  }
0x7f: {  	[tilespmem:s29], [sflag:$0x3] =	stream.linear.gather [hbm4b:s7+s19], $0xF0, $0x38;
	[tilespmem:$0x1E990] =	vst v63  }
0x80: {  	s5 =	rddreg [dreg:$0x8];
	s7 =	simm.s32 $0x13B50  }
0x81: {  	[tilespmem:s7], [sflag:$0x4] =	stream.linear.gather [hbm4b:s5+s19], $0xF0, $0x38;
	[tilespmem:$0x1E990] =	vst v63  }
0x82: {  	s5 =	rddreg [dreg:$0x9];
	s7 =	simm.s32 $0x13C40  }
0x83: {  	[tilespmem:s7], [sflag:$0x5] =	stream.linear.gather [hbm4b:s5+s19], $0xF0, $0x38;
	[tilespmem:$0x1E990] =	vst v63  }
0x84: {  	s5 =	rddreg [dreg:$0xa];
	s7 =	simm.s32 $0x13D30  }
0x85: {  	[tilespmem:s7], [sflag:$0x6] =	stream.linear.gather [hbm4b:s5+s19], $0xF0, $0x38;
	[tilespmem:$0x1E990] =	vst v63  }
0x86: {  	[tilespmem:$0x1BBC0] =	vst v1  }
0x87: {  	[tilespmem:$0x1BBD0] =	vst v1  }
0x88: {  	[tilespmem:$0x1BBE0] =	vst v1  }
0x89: {  	[tilespmem:$0x1BBF0] =	vst v1  }
0x8a: {  	s5 =	simm.s32 $0x1BC10;
	s7 =	simm.s32 $0x0;
	[tilespmem:$0x1BC00] =	vst v1  }
.LBB2_2:
0x8b: {  	p3 =	sne.s32 s7, $0x19F  }
.Ltmp2:
0x8c: {  	_ = 	snop;
	(pc) =	sbr.rel @p3 .LBB2_2-.Ltmp2, $2  }
0x8d: {  	_ =	sdelay $0x2  }
0x8e: {  	[tilespmem:s5+$0x0] =	vst v2;
	s5 =	sadd.s32 $0x10, s5;
	s7 =	sadd.s32 $0x1, s7  }
0x8f: {  	s5 =	simm.s32 $0x40;
	s7 =	simm.s32 $0x0  }
.LBB2_4:
0x90: {  	p3 =	sne.s32 s5, $0x4DC0;
	[tilespmem:s7+$0x1D610] =	vst v2;
	s7 =	smov.u32 s5;
	s5 =	sadd.s32 $0x40, s5  }
.Ltmp3:
0x91: {  	(pc) =	sbr.rel @p3 .LBB2_4-.Ltmp3, $2  }
0x92: {  	_ =	sdelay $0x2  }
0x93: {  	s7 =	sshra.s32 s7, $0x2  }
0x94: {  	[tilespmem:s7+$0x1D610] =	vst v2;
	s5 =	rddreg [dreg:$0x13];
	s7 =	simm.s32 $0x1BC10  }
0x95: {  	[spmem:s5] =	stream.linear.scatter [tilespmem:s7], [sflag:$0x19], $0x1A00, $0x38;
	[tilespmem:$0x1E990] =	vst v63  }
0x96: {  	s5 =	rddreg [dreg:$0x19]  }
0x97: {  	[spmem:s5] =	stream.linear.scatter [tilespmem:s7], [sflag:$0x19], $0x1A00, $0x38;
	[tilespmem:$0x1E990] =	vst v63  }
0x98: {  	s5 =	rddreg [dreg:$0x1a]  }
0x99: {  	[spmem:s5] =	stream.linear.scatter [tilespmem:s7], [sflag:$0x19], $0x1A00, $0x38;
	[tilespmem:$0x1E990] =	vst v63  }
0x9a: {  	s5 =	rddreg [dreg:$0x1b]  }
0x9b: {  	[spmem:s5] =	stream.linear.scatter [tilespmem:s7], [sflag:$0x19], $0x1A00, $0x38;
	[tilespmem:$0x1E990] =	vst v63  }
0x9c: {  	s5 =	rddreg [dreg:$0x1c]  }
0x9d: {  	[spmem:s5] =	stream.linear.scatter [tilespmem:s7], [sflag:$0x19], $0x1A00, $0x38;
	[tilespmem:$0x1E990] =	vst v63  }
0x9e: {  	s5 =	rddreg [dreg:$0x1d]  }
0x9f: {  	[spmem:s5] =	stream.linear.scatter [tilespmem:s7], [sflag:$0x19], $0x1A00, $0x38;
	[tilespmem:$0x1E990] =	vst v63  }
0xa0: {  	s5 =	rddreg [dreg:$0xb];
	s7 =	simm.s32 $0x1D610  }
0xa1: {  	[spmem:s5] =	stream.linear.scatter [tilespmem:s7], [sflag:$0x19], $0x1380, $0x38;
	[tilespmem:$0x1E990] =	vst v63  }
0xa2: {  	s5 =	rddreg [dreg:$0x1e]  }
0xa3: {  	[spmem:s5] =	stream.linear.scatter [tilespmem:s7], [sflag:$0x19], $0x1380, $0x38;
	[tilespmem:$0x1E990] =	vst v63  }
0xa4: {  	s5 =	rddreg [dreg:$0x1f]  }
0xa5: {  	[spmem:s5] =	stream.linear.scatter [tilespmem:s7], [sflag:$0x19], $0x1380, $0x38;
	[tilespmem:$0x1E990] =	vst v63  }
0xa6: {  	s5 =	sld [smem:$0x7F8];
	_ =	sdelay $0x2  }
0xa7: {  	[spmem:s5] =	stream.linear.scatter [tilespmem:s7], [sflag:$0x19], $0x1380, $0x38;
	[tilespmem:$0x1E990] =	vst v63  }
0xa8: {  	s5 =	sld [smem:$0x7F9];
	_ =	sdelay $0x2  }
0xa9: {  	[spmem:s5] =	stream.linear.scatter [tilespmem:s7], [sflag:$0x19], $0x1380, $0x38;
	[tilespmem:$0x1E990] =	vst v63  }
0xaa: {  	s5 =	sld [smem:$0x7FA];
	_ =	sdelay $0x2  }
0xab: {  	[spmem:s5] =	stream.linear.scatter [tilespmem:s7], [sflag:$0x19], $0x1380, $0x38;
	[tilespmem:$0x1E990] =	vst v63  }
0xac: {  	s5 =	sld [smem:$0x7FB];
	_ =	sdelay $0x2  }
0xad: {  	[spmem:s5] =	stream.linear.scatter [tilespmem:s7], [sflag:$0x19], $0x1380, $0x38;
	[tilespmem:$0x1E990] =	vst v63  }
0xae: {  	s5 =	sld [smem:$0x7FC];
	_ =	sdelay $0x2  }
0xaf: {  	[spmem:s5] =	stream.linear.scatter [tilespmem:s7], [sflag:$0x19], $0x1380, $0x38;
	[tilespmem:$0x1E990] =	vst v63  }
0xb0: {  	s5 =	simm.s32 @!p0 $0x1BC10  }
0xb1: {  	[spmem:s23] =	stream.linear.scatter @!p0 [tilespmem:s5], [sflag:$0x19], $0x400, $0x38;
	[tilespmem:$0x1E990] =	vst v63  }
0xb2: {  	s5 =	simm.s32 @!p0 $0x1D610  }
0xb3: {  	[spmem:s24] =	stream.linear.scatter @!p0 [tilespmem:s5], [sflag:$0x19], $0x400, $0x38;
	[tilespmem:$0x1E990] =	vst v63  }
0xb4: {  	s24 =	simm.s32 $0x1  }
0xb5: {  	_ =	swait.ge [sflag:s24], $0xF0  }
0xb6: {  	[sflag:s24] =	ssyncset.done $0x0  }
0xb7: {  	[sflag:s24] =	ssyncadd.s32 $0xFFFFFF10  }
0xb8: {  	v3 =	vld [tilespmem:$0x13880]  }
0xb9: {  	v4 =	vld [tilespmem:$0x138D0]  }
0xba: {  	v5 =	vld [tilespmem:$0x13920]  }
0xbb: {  	v6 =	vld [tilespmem:$0x13890]  }
0xbc: {  	v7 =	vld [tilespmem:$0x138E0]  }
0xbd: {  	v8 =	vld [tilespmem:$0x13930];
	v3 =	vadd.s32 v0, v3  }
0xbe: {  	v9 =	vld [tilespmem:$0x138A0];
	[tilespmem:$0x13E20] =	vst v3;
	v3 =	vshll.u32 v4, $0x6  }
0xbf: {  	v28 =	vld [tilespmem:$0x138F0];
	[tilespmem:$0x14000] =	vst v4;
	v3 =	vadd.s32 v5, v3  }
0xc0: {  	v29 =	vld [tilespmem:$0x13940];
	[tilespmem:$0x141E0] =	vst v3;
	v3 =	vadd.s32 v0, v6  }
0xc1: {  	v30 =	vld [tilespmem:$0x138B0];
	[tilespmem:$0x13E30] =	vst v3;
	v3 =	vshll.u32 v7, $0x6  }
0xc2: {  	v31 =	vld [tilespmem:$0x13900];
	[tilespmem:$0x14010] =	vst v7;
	v3 =	vadd.s32 v8, v3  }
0xc3: {  	v32 =	vld [tilespmem:$0x13950];
	[tilespmem:$0x141F0] =	vst v3;
	v3 =	vadd.s32 v0, v9  }
0xc4: {  	v33 =	vld [tilespmem:$0x138C0];
	[tilespmem:$0x13E40] =	vst v3;
	v3 =	vshll.u32 v28, $0x6  }
0xc5: {  	v34 =	vld [tilespmem:$0x13910];
	[tilespmem:$0x14020] =	vst v28;
	v3 =	vadd.s32 v29, v3  }
0xc6: {  	v35 =	vld [tilespmem:$0x13960];
	[tilespmem:$0x14200] =	vst v3;
	v3 =	vadd.s32 v0, v30  }
0xc7: {  	[tilespmem:$0x13E50] =	vst v3;
	v3 =	vshll.u32 v31, $0x6  }
0xc8: {  	[tilespmem:$0x14030] =	vst v31;
	v3 =	vadd.s32 v32, v3  }
0xc9: {  	[tilespmem:$0x14210] =	vst v3;
	v3 =	vadd.s32 v0, v33  }
0xca: {  	[tilespmem:$0x13E60] =	vst v3;
	v3 =	vshll.u32 v34, $0x6  }
0xcb: {  	[tilespmem:$0x14040] =	vst v34;
	v3 =	vadd.s32 v35, v3  }
0xcc: {  	s7 =	simm.s32 $0x13E20;
	[tilespmem:$0x14220] =	vst v3  }
0xcd: {  	[tilespmem:s17], [sflag:$0x7] =	stream.indirect.gather [hbm4b:s1+s26], $0x40, s7, s26, $0xb8;
	[tilespmem:$0x1E990] =	vst v63  }
0xce: {  	s23 =	rddreg [dreg:$0x16];
	s24 =	simm.s32 $0x2  }
0xcf: {  	[tilespmem:s14], [sflag:$0x1] =	stream.linear.gather [hbm4b:s23+s19], $0xF0, $0x38;
	[tilespmem:$0x1E990] =	vst v63  }
0xd0: {  	_ =	swait.ge [sflag:s24], $0xF0  }
0xd1: {  	[sflag:s24] =	ssyncset.done $0x0  }
0xd2: {  	[sflag:s24] =	ssyncadd.s32 $0xFFFFFF10  }
0xd3: {  	v3 =	vld [tilespmem:$0x13970]  }
0xd4: {  	v36 =	vld [tilespmem:$0x139C0]  }
0xd5: {  	v37 =	vld [tilespmem:$0x13A10]  }
0xd6: {  	v38 =	vld [tilespmem:$0x13980]  }
0xd7: {  	v39 =	vld [tilespmem:$0x139D0]  }
0xd8: {  	v40 =	vld [tilespmem:$0x13A20];
	v3 =	vadd.s32 v0, v3  }
0xd9: {  	v41 =	vld [tilespmem:$0x13990];
	[tilespmem:$0x13E70] =	vst v3;
	v3 =	vshll.u32 v36, $0x6  }
0xda: {  	v42 =	vld [tilespmem:$0x139E0];
	[tilespmem:$0x14050] =	vst v36;
	v3 =	vadd.s32 v37, v3  }
0xdb: {  	v43 =	vld [tilespmem:$0x13A30];
	[tilespmem:$0x14230] =	vst v3;
	v3 =	vadd.s32 v0, v38  }
0xdc: {  	v44 =	vld [tilespmem:$0x139A0];
	[tilespmem:$0x13E80] =	vst v3;
	v3 =	vshll.u32 v39, $0x6  }
0xdd: {  	v45 =	vld [tilespmem:$0x139F0];
	[tilespmem:$0x14060] =	vst v39;
	v3 =	vadd.s32 v40, v3  }
0xde: {  	v46 =	vld [tilespmem:$0x13A40];
	[tilespmem:$0x14240] =	vst v3;
	v3 =	vadd.s32 v0, v41  }
0xdf: {  	v47 =	vld [tilespmem:$0x139B0];
	[tilespmem:$0x13E90] =	vst v3;
	v3 =	vshll.u32 v42, $0x6  }
0xe0: {  	v48 =	vld [tilespmem:$0x13A00];
	[tilespmem:$0x14070] =	vst v42;
	v3 =	vadd.s32 v43, v3  }
0xe1: {  	v49 =	vld [tilespmem:$0x13A50];
	[tilespmem:$0x14250] =	vst v3;
	v3 =	vadd.s32 v0, v44  }
0xe2: {  	[tilespmem:$0x13EA0] =	vst v3;
	v3 =	vshll.u32 v45, $0x6  }
0xe3: {  	[tilespmem:$0x14080] =	vst v45;
	v3 =	vadd.s32 v46, v3  }
0xe4: {  	[tilespmem:$0x14260] =	vst v3;
	v3 =	vadd.s32 v0, v47  }
0xe5: {  	[tilespmem:$0x13EB0] =	vst v3;
	v3 =	vshll.u32 v48, $0x6  }
0xe6: {  	[tilespmem:$0x14090] =	vst v48;
	v3 =	vadd.s32 v49, v3  }
0xe7: {  	s7 =	simm.s32 $0x13E70;
	[tilespmem:$0x14270] =	vst v3  }
0xe8: {  	[tilespmem:s18], [sflag:$0x8] =	stream.indirect.gather [hbm4b:s1+s26], $0x40, s7, s26, $0xb8;
	[tilespmem:$0x1E990] =	vst v63  }
0xe9: {  	s23 =	simm.s32 $0x3;
	s14 =	rddreg [dreg:$0x17]  }
0xea: {  	[tilespmem:s28], [sflag:$0x2] =	stream.linear.gather [hbm4b:s14+s19], $0xF0, $0x38;
	[tilespmem:$0x1E990] =	vst v63  }
0xeb: {  	_ =	swait.ge [sflag:s23], $0xF0  }
0xec: {  	[sflag:s23] =	ssyncset.done $0x0  }
0xed: {  	[sflag:s23] =	ssyncadd.s32 $0xFFFFFF10  }
0xee: {  	v3 =	vld [tilespmem:$0x13A60]  }
0xef: {  	v50 =	vld [tilespmem:$0x13AB0]  }
0xf0: {  	v51 =	vld [tilespmem:$0x13B00]  }
0xf1: {  	v52 =	vld [tilespmem:$0x13A70]  }
0xf2: {  	v53 =	vld [tilespmem:$0x13AC0]  }
0xf3: {  	v54 =	vld [tilespmem:$0x13B10];
	v3 =	vadd.s32 v0, v3  }
0xf4: {  	v55 =	vld [tilespmem:$0x13A80];
	[tilespmem:$0x13EC0] =	vst v3;
	v3 =	vshll.u32 v50, $0x6  }
0xf5: {  	v56 =	vld [tilespmem:$0x13AD0];
	[tilespmem:$0x140A0] =	vst v50;
	v3 =	vadd.s32 v51, v3  }
0xf6: {  	v57 =	vld [tilespmem:$0x13B20];
	[tilespmem:$0x14280] =	vst v3;
	v3 =	vadd.s32 v0, v52  }
0xf7: {  	v58 =	vld [tilespmem:$0x13A90];
	[tilespmem:$0x13ED0] =	vst v3;
	v3 =	vshll.u32 v53, $0x6  }
0xf8: {  	v59 =	vld [tilespmem:$0x13AE0];
	[tilespmem:$0x140B0] =	vst v53;
	v3 =	vadd.s32 v54, v3  }
0xf9: {  	v60 =	vld [tilespmem:$0x13B30];
	[tilespmem:$0x14290] =	vst v3;
	v3 =	vadd.s32 v0, v55  }
0xfa: {  	v61 =	vld [tilespmem:$0x13AA0];
	[tilespmem:$0x13EE0] =	vst v3;
	v3 =	vshll.u32 v56, $0x6  }
0xfb: {  	v62 =	vld [tilespmem:$0x13AF0];
	[tilespmem:$0x140C0] =	vst v56;
	v3 =	vadd.s32 v57, v3  }
0xfc: {  	v63 =	vld [tilespmem:$0x13B40];
	[tilespmem:$0x142A0] =	vst v3;
	v3 =	vadd.s32 v0, v58  }
0xfd: {  	[tilespmem:$0x13EF0] =	vst v3;
	v3 =	vshll.u32 v59, $0x6  }
0xfe: {  	[tilespmem:$0x140D0] =	vst v59;
	v3 =	vadd.s32 v60, v3  }
0xff: {  	[tilespmem:$0x142B0] =	vst v3;
	v3 =	vadd.s32 v0, v61  }
0x100: {  	[tilespmem:$0x13F00] =	vst v3;
	v3 =	vshll.u32 v62, $0x6  }
0x101: {  	[tilespmem:$0x140E0] =	vst v62;
	v3 =	vadd.s32 v63, v3  }
0x102: {  	s24 =	simm.s32 $0x13EC0;
	[tilespmem:$0x142C0] =	vst v3  }
0x103: {  	[tilespmem:s21], [sflag:$0x9] =	stream.indirect.gather [hbm4b:s1+s26], $0x40, s24, s26, $0xb8;
	[tilespmem:$0x1E990] =	vst v63  }
0x104: {  	s28 =	rddreg [dreg:$0x18]  }
0x105: {  	[tilespmem:s29], [sflag:$0x3] =	stream.linear.gather [hbm4b:s28+s19], $0xF0, $0x38;
	[tilespmem:$0x1E990] =	vst v63  }
0x106: {  	_ =	swait.ge [sflag:s30], $0x1A00  }
0x107: {  	[sflag:s30] =	ssyncset.done $0x0  }
0x108: {  	[sflag:s30] =	ssyncadd.s32 $0xFFFFE600  }
0x109: {  	_ =	swait.ge [sflag:s30], $0x1A00  }
0x10a: {  	[sflag:s30] =	ssyncset.done $0x0  }
0x10b: {  	[sflag:s30] =	ssyncadd.s32 $0xFFFFE600  }
0x10c: {  	_ =	swait.ge [sflag:s30], $0x1A00  }
0x10d: {  	[sflag:s30] =	ssyncset.done $0x0  }
0x10e: {  	[sflag:s30] =	ssyncadd.s32 $0xFFFFE600  }
0x10f: {  	_ =	swait.ge [sflag:s30], $0x1A00  }
0x110: {  	[sflag:s30] =	ssyncset.done $0x0  }
0x111: {  	[sflag:s30] =	ssyncadd.s32 $0xFFFFE600  }
0x112: {  	_ =	swait.ge [sflag:s30], $0x1A00  }
0x113: {  	[sflag:s30] =	ssyncset.done $0x0  }
0x114: {  	[sflag:s30] =	ssyncadd.s32 $0xFFFFE600  }
0x115: {  	_ =	swait.ge [sflag:s30], $0x1A00  }
0x116: {  	[sflag:s30] =	ssyncset.done $0x0  }
0x117: {  	[sflag:s30] =	ssyncadd.s32 $0xFFFFE600  }
0x118: {  	_ =	swait.ge [sflag:s30], $0x1380  }
0x119: {  	[sflag:s30] =	ssyncset.done $0x0  }
0x11a: {  	[sflag:s30] =	ssyncadd.s32 $0xFFFFEC80  }
0x11b: {  	_ =	swait.ge [sflag:s30], $0x1380  }
0x11c: {  	[sflag:s30] =	ssyncset.done $0x0  }
0x11d: {  	[sflag:s30] =	ssyncadd.s32 $0xFFFFEC80  }
0x11e: {  	_ =	swait.ge [sflag:s30], $0x1380  }
0x11f: {  	[sflag:s30] =	ssyncset.done $0x0  }
0x120: {  	[sflag:s30] =	ssyncadd.s32 $0xFFFFEC80  }
0x121: {  	_ =	swait.ge [sflag:s30], $0x1380  }
0x122: {  	[sflag:s30] =	ssyncset.done $0x0  }
0x123: {  	[sflag:s30] =	ssyncadd.s32 $0xFFFFEC80  }
0x124: {  	_ =	swait.ge [sflag:s30], $0x1380  }
0x125: {  	[sflag:s30] =	ssyncset.done $0x0  }
0x126: {  	[sflag:s30] =	ssyncadd.s32 $0xFFFFEC80  }
0x127: {  	_ =	swait.ge [sflag:s30], $0x1380  }
0x128: {  	[sflag:s30] =	ssyncset.done $0x0  }
0x129: {  	[sflag:s30] =	ssyncadd.s32 $0xFFFFEC80  }
0x12a: {  	_ =	swait.ge [sflag:s30], $0x1380  }
0x12b: {  	[sflag:s30] =	ssyncset.done $0x0  }
0x12c: {  	[sflag:s30] =	ssyncadd.s32 $0xFFFFEC80  }
0x12d: {  	_ =	swait.ge [sflag:s30], $0x1380  }
0x12e: {  	[sflag:s30] =	ssyncset.done $0x0  }
0x12f: {  	s5 =	simm.s32 @!p0 $0x19;
	[sflag:s30] =	ssyncadd.s32 $0xFFFFEC80  }
0x130: {  	_ =	swait.ge @!p0 [sflag:s5], $0x400  }
0x131: {  	[sflag:s5] =	ssyncset.done @!p0 $0x0  }
0x132: {  	[sflag:s5] =	ssyncadd.s32 @!p0 $0xFFFFFC00  }
.Ltmp4:
0x133: {  	_ =	swait.ge @!p0 [sflag:s5], $0x400;
	(pc) =	sbr.rel .LBB2_6-.Ltmp4, $4  }
0x134: {  	[sflag:s5] =	ssyncset.done @!p0 $0x0  }
0x135: {  	[sflag:s5] =	ssyncadd.s32 @!p0 $0xFFFFFC00  }
0x136: {  	[bflag:$0x0] =	sbarrier.arrive $0xFFFF  }
0x137: {  	s7 =	simm.s32 $0x0;
	s24 =	simm.s32 $0x0  }
.LBB2_10:
0x138: {  	_ =	swait.ge [sflag:s16], $0x1400  }
0x139: {  	[sflag:s16] =	ssyncset.done $0x0  }
0x13a: {  	[sflag:s16] =	ssyncadd.s32 $0xFFFFEC00  }
0x13b: {  	[spmem:s2] =	stream.indirect.scatter.add.f32 [tilespmem:s9], [sflag:$0x10], $0x40, s22, s26, $0xb8;
	[tilespmem:$0x1E990] =	vst v63  }
0x13c: {  	s5 =	simm.s32 @!p2 $0x50;
	s14 =	simm.s32 @!p2 $0x142D0;
	s23 =	simm.s32 @!p2 $0x1BBC0  }
0x13d: {  	[spmem:s3] =	stream.indirect.scatter.add.f32 @!p2 [tilespmem:s23], [sflag:$0x16], $0x1, s14, s5, $0xb8;
	[tilespmem:$0x1E990] =	vst v63  }
0x13e: {  	s5 =	simm.s32 @!p3 $0x1  }
0x13f: {  	_ =	swait.ge @!p3 [sflag:s5], $0xF0  }
0x140: {  	[sflag:s5] =	ssyncset.done @!p3 $0x0  }
0x141: {  	[sflag:s5] =	ssyncadd.s32 @!p3 $0xFFFFFF10;
	s5 =	simm.s32 @!p3 $0xD  }
0x142: {  	p6 =	sne.s32 @!p3 s6, $0x0;
	_ =	swait.ge @!p3 [sflag:s5], $0x1400  }
0x143: {  	p5 =	por p6, p3;
	[sflag:s5] =	ssyncset.done @!p3 $0x0  }
0x144: {  	[sflag:s5] =	ssyncadd.s32 @!p3 $0xFFFFEC00;
	s5 =	simm.s32 @!p5 $0x13  }
0x145: {  	_ =	swait.ge @!p5 [sflag:s5], $0x50  }
0x146: {  	[sflag:s5] =	ssyncset.done @!p5 $0x0  }
0x147: {  	[sflag:s5] =	ssyncadd.s32 @!p5 $0xFFFFFFB0  }
0x148: {  	v3 =	vld @!p3 [tilespmem:$0x13880]  }
0x149: {  	v4 =	vld @!p3 [tilespmem:$0x138D0]  }
0x14a: {  	v5 =	vld @!p3 [tilespmem:$0x13920]  }
0x14b: {  	v6 =	vld @!p3 [tilespmem:$0x13890]  }
0x14c: {  	v7 =	vld @!p3 [tilespmem:$0x138E0]  }
0x14d: {  	v8 =	vld @!p3 [tilespmem:$0x13930];
	v3 =	vadd.s32 @!p3 v0, v3  }
0x14e: {  	v9 =	vld @!p3 [tilespmem:$0x138A0];
	[tilespmem:$0x13E20] =	vst @!p3 v3;
	v3 =	vshll.u32 @!p3 v4, $0x6  }
0x14f: {  	[tilespmem:$0x14000] =	vst @!p3 v4;
	v4 =	vld @!p3 [tilespmem:$0x138F0];
	v3 =	vadd.s32 @!p3 v5, v3  }
0x150: {  	v5 =	vld @!p3 [tilespmem:$0x13940];
	[tilespmem:$0x141E0] =	vst @!p3 v3;
	v3 =	vadd.s32 @!p3 v0, v6  }
0x151: {  	v6 =	vld @!p3 [tilespmem:$0x138B0];
	[tilespmem:$0x13E30] =	vst @!p3 v3;
	v3 =	vshll.u32 @!p3 v7, $0x6  }
0x152: {  	[tilespmem:$0x14010] =	vst @!p3 v7;
	v7 =	vld @!p3 [tilespmem:$0x13900];
	v3 =	vadd.s32 @!p3 v8, v3  }
0x153: {  	v8 =	vld @!p3 [tilespmem:$0x13950];
	[tilespmem:$0x141F0] =	vst @!p3 v3;
	v3 =	vadd.s32 @!p3 v0, v9  }
0x154: {  	v9 =	vld @!p3 [tilespmem:$0x138C0];
	[tilespmem:$0x13E40] =	vst @!p3 v3;
	v3 =	vshll.u32 @!p3 v4, $0x6  }
0x155: {  	[tilespmem:$0x14020] =	vst @!p3 v4;
	v4 =	vld @!p3 [tilespmem:$0x13910];
	v3 =	vadd.s32 @!p3 v5, v3  }
0x156: {  	v5 =	vld @!p3 [tilespmem:$0x13960];
	[tilespmem:$0x14200] =	vst @!p3 v3;
	v3 =	vadd.s32 @!p3 v0, v6  }
0x157: {  	[tilespmem:$0x13E50] =	vst @!p3 v3;
	v3 =	vshll.u32 @!p3 v7, $0x6  }
0x158: {  	[tilespmem:$0x14030] =	vst @!p3 v7;
	v3 =	vadd.s32 @!p3 v8, v3  }
0x159: {  	[tilespmem:$0x14210] =	vst @!p3 v3;
	v3 =	vadd.s32 @!p3 v0, v9  }
0x15a: {  	p4 =	sgt.u32 @!p3 s24, $0x27;
	[tilespmem:$0x13E60] =	vst @!p3 v3;
	v3 =	vshll.u32 @!p3 v4, $0x6  }
0x15b: {  	p4 =	por p4, p3;
	[tilespmem:$0x14040] =	vst @!p3 v4;
	v3 =	vadd.s32 @!p3 v5, v3  }
0x15c: {  	s14 =	simm.s32 @!p3 $0x13E20;
	s23 =	simm.s32 @!p3 $0x143C0;
	s5 =	simm.s32 @!p3 $0x50;
	[tilespmem:$0x14220] =	vst @!p3 v3  }
0x15d: {  	[tilespmem:s23], [sflag:$0x7] =	stream.indirect.gather @!p3 [hbm4b:s1+s5], $0x40, s14, s5, $0xb8;
	[tilespmem:$0x1E990] =	vst v63  }
0x15e: {  	s23 =	sadd.s32 @!p4 s7, s20  }
0x15f: {  	s28 =	simm.s32 @!p4 $0x0;
	s29 =	simm.s32 @!p4 $0x13880;
	s14 =	sadd.s32 @!p4 $0x168, s23  }
0x160: {  	[tilespmem:s29], [sflag:$0x1] =	stream.linear.gather @!p4 [hbm4b:s14+s28], $0xF0, $0x38;
	[tilespmem:$0x1E990] =	vst v63  }
0x161: {  	s14 =	simm.s32 @!p3 $0xB  }
0x162: {  	_ =	swait.ge @!p3 [sflag:s14], $0x1400  }
0x163: {  	p6 =	por !p6, p3;
	[sflag:s14] =	ssyncset.done @!p3 $0x0  }
0x164: {  	s29 =	simm.s32 @!p3 $0x193C0;
	[sflag:s14] =	ssyncadd.s32 @!p3 $0xFFFFEC00;
	s14 =	simm.s32 @!p3 $0x14140  }
0x165: {  	[spmem:s2] =	stream.indirect.scatter.add.f32 @!p3 [tilespmem:s29], [sflag:$0x11], $0x40, s14, s5, $0xb8;
	[tilespmem:$0x1E990] =	vst v63  }
0x166: {  	s14 =	simm.s32 @!p6 $0x2  }
0x167: {  	_ =	swait.ge @!p6 [sflag:s14], $0xF0  }
0x168: {  	[sflag:s14] =	ssyncset.done @!p6 $0x0  }
0x169: {  	[sflag:s14] =	ssyncadd.s32 @!p6 $0xFFFFFF10;
	s14 =	simm.s32 @!p6 $0xE  }
0x16a: {  	_ =	swait.ge @!p6 [sflag:s14], $0x1400  }
0x16b: {  	[sflag:s14] =	ssyncset.done @!p6 $0x0  }
0x16c: {  	[sflag:s14] =	ssyncadd.s32 @!p6 $0xFFFFEC00;
	s14 =	simm.s32 @!p6 $0x14  }
0x16d: {  	_ =	swait.ge @!p6 [sflag:s14], $0x50  }
0x16e: {  	s19 =	simm.s32 @!p5 $0x1BBC0;
	[sflag:s14] =	ssyncset.done @!p6 $0x0  }
0x16f: {  	s29 =	simm.s32 @!p5 $0x14320;
	[sflag:s14] =	ssyncadd.s32 @!p6 $0xFFFFFFB0;
	s14 =	simm.s32 @!p5 $0x50  }
0x170: {  	[spmem:s3] =	stream.indirect.scatter.add.f32 @!p5 [tilespmem:s19], [sflag:$0x17], $0x1, s29, s14, $0xb8;
	[tilespmem:$0x1E990] =	vst v63  }
0x171: {  	s14 =	simm.s32 @!p5 $0x2  }
0x172: {  	_ =	swait.ge @!p5 [sflag:s14], $0xF0  }
0x173: {  	[sflag:s14] =	ssyncset.done @!p5 $0x0  }
0x174: {  	[sflag:s14] =	ssyncadd.s32 @!p5 $0xFFFFFF10;
	s14 =	simm.s32 @!p5 $0xE  }
0x175: {  	_ =	swait.ge @!p5 [sflag:s14], $0x1400  }
0x176: {  	[sflag:s14] =	ssyncset.done @!p5 $0x0  }
0x177: {  	[sflag:s14] =	ssyncadd.s32 @!p5 $0xFFFFEC00  }
0x178: {  	v3 =	vld @!p3 [tilespmem:$0x13970]  }
0x179: {  	v4 =	vld @!p3 [tilespmem:$0x139C0]  }
0x17a: {  	v5 =	vld @!p3 [tilespmem:$0x13A10]  }
0x17b: {  	v6 =	vld @!p3 [tilespmem:$0x13980]  }
0x17c: {  	v7 =	vld @!p3 [tilespmem:$0x139D0]  }
0x17d: {  	v8 =	vld @!p3 [tilespmem:$0x13A20];
	v3 =	vadd.s32 @!p3 v0, v3  }
0x17e: {  	v9 =	vld @!p3 [tilespmem:$0x13990];
	[tilespmem:$0x13E70] =	vst @!p3 v3;
	v3 =	vshll.u32 @!p3 v4, $0x6  }
0x17f: {  	[tilespmem:$0x14050] =	vst @!p3 v4;
	v4 =	vld @!p3 [tilespmem:$0x139E0];
	v3 =	vadd.s32 @!p3 v5, v3  }
0x180: {  	v5 =	vld @!p3 [tilespmem:$0x13A30];
	[tilespmem:$0x14230] =	vst @!p3 v3;
	v3 =	vadd.s32 @!p3 v0, v6  }
0x181: {  	v6 =	vld @!p3 [tilespmem:$0x139A0];
	[tilespmem:$0x13E80] =	vst @!p3 v3;
	v3 =	vshll.u32 @!p3 v7, $0x6  }
0x182: {  	[tilespmem:$0x14060] =	vst @!p3 v7;
	v7 =	vld @!p3 [tilespmem:$0x139F0];
	v3 =	vadd.s32 @!p3 v8, v3  }
0x183: {  	v8 =	vld @!p3 [tilespmem:$0x13A40];
	[tilespmem:$0x14240] =	vst @!p3 v3;
	v3 =	vadd.s32 @!p3 v0, v9  }
0x184: {  	v9 =	vld @!p3 [tilespmem:$0x139B0];
	[tilespmem:$0x13E90] =	vst @!p3 v3;
	v3 =	vshll.u32 @!p3 v4, $0x6  }
0x185: {  	[tilespmem:$0x14070] =	vst @!p3 v4;
	v4 =	vld @!p3 [tilespmem:$0x13A00];
	v3 =	vadd.s32 @!p3 v5, v3  }
0x186: {  	v5 =	vld @!p3 [tilespmem:$0x13A50];
	[tilespmem:$0x14250] =	vst @!p3 v3;
	v3 =	vadd.s32 @!p3 v0, v6  }
0x187: {  	[tilespmem:$0x13EA0] =	vst @!p3 v3;
	v3 =	vshll.u32 @!p3 v7, $0x6  }
0x188: {  	[tilespmem:$0x14080] =	vst @!p3 v7;
	v3 =	vadd.s32 @!p3 v8, v3  }
0x189: {  	[tilespmem:$0x14260] =	vst @!p3 v3;
	v3 =	vadd.s32 @!p3 v0, v9  }
0x18a: {  	[tilespmem:$0x13EB0] =	vst @!p3 v3;
	v3 =	vshll.u32 @!p3 v4, $0x6  }
0x18b: {  	[tilespmem:$0x14090] =	vst @!p3 v4;
	v3 =	vadd.s32 @!p3 v5, v3  }
0x18c: {  	s19 =	simm.s32 @!p3 $0x157C0;
	s14 =	simm.s32 @!p3 $0x13E70;
	[tilespmem:$0x14270] =	vst @!p3 v3  }
0x18d: {  	[tilespmem:s19], [sflag:$0x8] =	stream.indirect.gather @!p3 [hbm4b:s1+s5], $0x40, s14, s5, $0xb8;
	[tilespmem:$0x1E990] =	vst v63  }
0x18e: {  	s14 =	sadd.s32 @!p4 $0x186, s23;
	s19 =	simm.s32 @!p4 $0x13970  }
0x18f: {  	[tilespmem:s19], [sflag:$0x2] =	stream.linear.gather @!p4 [hbm4b:s14+s28], $0xF0, $0x38;
	[tilespmem:$0x1E990] =	vst v63  }
0x190: {  	s14 =	simm.s32 @!p3 $0xC  }
0x191: {  	p5 =	seq.s32 @!p3 s6, $0x0;
	_ =	swait.ge @!p3 [sflag:s14], $0x1400  }
0x192: {  	p6 =	por !p5, p3;
	[sflag:s14] =	ssyncset.done @!p3 $0x0  }
0x193: {  	s19 =	simm.s32 @!p3 $0x1A7C0;
	[sflag:s14] =	ssyncadd.s32 @!p3 $0xFFFFEC00;
	s14 =	simm.s32 @!p3 $0x14190  }
0x194: {  	[spmem:s2] =	stream.indirect.scatter.add.f32 @!p3 [tilespmem:s19], [sflag:$0x12], $0x40, s14, s5, $0xb8;
	[tilespmem:$0x1E990] =	vst v63  }
0x195: {  	s14 =	simm.s32 @!p6 $0x3  }
0x196: {  	_ =	swait.ge @!p6 [sflag:s14], $0xF0  }
0x197: {  	[sflag:s14] =	ssyncset.done @!p6 $0x0  }
0x198: {  	[sflag:s14] =	ssyncadd.s32 @!p6 $0xFFFFFF10;
	s14 =	simm.s32 @!p6 $0xF  }
0x199: {  	_ =	swait.ge @!p6 [sflag:s14], $0x1400  }
0x19a: {  	[sflag:s14] =	ssyncset.done @!p6 $0x0  }
0x19b: {  	[sflag:s14] =	ssyncadd.s32 @!p6 $0xFFFFEC00;
	s14 =	simm.s32 @!p6 $0x15  }
0x19c: {  	p5 =	por p5, p3;
	_ =	swait.ge @!p6 [sflag:s14], $0x50  }
0x19d: {  	s29 =	simm.s32 @!p5 $0x1BBC0;
	[sflag:s14] =	ssyncset.done @!p6 $0x0  }
0x19e: {  	s19 =	simm.s32 @!p5 $0x14370;
	[sflag:s14] =	ssyncadd.s32 @!p6 $0xFFFFFFB0;
	s14 =	simm.s32 @!p5 $0x50  }
0x19f: {  	[spmem:s3] =	stream.indirect.scatter.add.f32 @!p5 [tilespmem:s29], [sflag:$0x18], $0x1, s19, s14, $0xb8;
	[tilespmem:$0x1E990] =	vst v63  }
0x1a0: {  	s14 =	simm.s32 @!p5 $0x3  }
0x1a1: {  	_ =	swait.ge @!p5 [sflag:s14], $0xF0  }
0x1a2: {  	[sflag:s14] =	ssyncset.done @!p5 $0x0  }
0x1a3: {  	[sflag:s14] =	ssyncadd.s32 @!p5 $0xFFFFFF10;
	s14 =	simm.s32 @!p5 $0xF  }
0x1a4: {  	_ =	swait.ge @!p5 [sflag:s14], $0x1400  }
0x1a5: {  	[sflag:s14] =	ssyncset.done @!p5 $0x0  }
0x1a6: {  	[sflag:s14] =	ssyncadd.s32 @!p5 $0xFFFFEC00  }
0x1a7: {  	v3 =	vld @!p3 [tilespmem:$0x13A60]  }
0x1a8: {  	v4 =	vld @!p3 [tilespmem:$0x13AB0]  }
0x1a9: {  	v5 =	vld @!p3 [tilespmem:$0x13B00]  }
0x1aa: {  	v6 =	vld @!p3 [tilespmem:$0x13A70]  }
0x1ab: {  	v7 =	vld @!p3 [tilespmem:$0x13AC0]  }
0x1ac: {  	v8 =	vld @!p3 [tilespmem:$0x13B10];
	v3 =	vadd.s32 @!p3 v0, v3  }
0x1ad: {  	v9 =	vld @!p3 [tilespmem:$0x13A80];
	[tilespmem:$0x13EC0] =	vst @!p3 v3;
	v3 =	vshll.u32 @!p3 v4, $0x6  }
0x1ae: {  	[tilespmem:$0x140A0] =	vst @!p3 v4;
	v4 =	vld @!p3 [tilespmem:$0x13AD0];
	v3 =	vadd.s32 @!p3 v5, v3  }
0x1af: {  	v5 =	vld @!p3 [tilespmem:$0x13B20];
	[tilespmem:$0x14280] =	vst @!p3 v3;
	v3 =	vadd.s32 @!p3 v0, v6  }
0x1b0: {  	v6 =	vld @!p3 [tilespmem:$0x13A90];
	[tilespmem:$0x13ED0] =	vst @!p3 v3;
	v3 =	vshll.u32 @!p3 v7, $0x6  }
0x1b1: {  	[tilespmem:$0x140B0] =	vst @!p3 v7;
	v7 =	vld @!p3 [tilespmem:$0x13AE0];
	v3 =	vadd.s32 @!p3 v8, v3  }
0x1b2: {  	v8 =	vld @!p3 [tilespmem:$0x13B30];
	[tilespmem:$0x14290] =	vst @!p3 v3;
	v3 =	vadd.s32 @!p3 v0, v9  }
0x1b3: {  	v9 =	vld @!p3 [tilespmem:$0x13AA0];
	[tilespmem:$0x13EE0] =	vst @!p3 v3;
	v3 =	vshll.u32 @!p3 v4, $0x6  }
0x1b4: {  	[tilespmem:$0x140C0] =	vst @!p3 v4;
	v4 =	vld @!p3 [tilespmem:$0x13AF0];
	v3 =	vadd.s32 @!p3 v5, v3  }
0x1b5: {  	v5 =	vld @!p3 [tilespmem:$0x13B40];
	[tilespmem:$0x142A0] =	vst @!p3 v3;
	v3 =	vadd.s32 @!p3 v0, v6  }
0x1b6: {  	[tilespmem:$0x13EF0] =	vst @!p3 v3;
	v3 =	vshll.u32 @!p3 v7, $0x6  }
0x1b7: {  	[tilespmem:$0x140D0] =	vst @!p3 v7;
	v3 =	vadd.s32 @!p3 v8, v3  }
0x1b8: {  	[tilespmem:$0x142B0] =	vst @!p3 v3;
	v3 =	vadd.s32 @!p3 v0, v9  }
0x1b9: {  	[tilespmem:$0x13F00] =	vst @!p3 v3;
	v3 =	vshll.u32 @!p3 v4, $0x6  }
0x1ba: {  	[tilespmem:$0x140E0] =	vst @!p3 v4;
	v3 =	vadd.s32 @!p3 v5, v3  }
0x1bb: {  	s19 =	simm.s32 @!p3 $0x16BC0;
	s14 =	simm.s32 @!p3 $0x13EC0;
	[tilespmem:$0x142C0] =	vst @!p3 v3  }
0x1bc: {  	[tilespmem:s19], [sflag:$0x9] =	stream.indirect.gather @!p3 [hbm4b:s1+s5], $0x40, s14, s5, $0xb8;
	[tilespmem:$0x1E990] =	vst v63  }
0x1bd: {  	s7 =	sadd.s32 @!p3 $0xB4, s7;
	s5 =	sadd.s32 @!p4 $0x1A4, s23;
	s14 =	simm.s32 @!p4 $0x13A60  }
0x1be: {  	[tilespmem:s14], [sflag:$0x3] =	stream.linear.gather @!p4 [hbm4b:s5+s28], $0xF0, $0x38;
	[tilespmem:$0x1E990] =	vst v63  }
0x1bf: {  	p4 =	sne.s32 @!p3 s7, $0x1D88  }
0x1c0: {  	p4 =	por p3, !p4  }
.Ltmp5:
0x1c1: {  	_ = 	snop;
	(pc) =	sbr.rel @p4 .LBB2_11-.Ltmp5, $2  }
0x1c2: {  	_ =	sdelay $0x2  }
0x1c3: {  	s24 =	sadd.s32 @!p3 $0x1, s24  }
.LBB2_6:
0x1c4: {  	_ =	swait.ge [sflag:s31], $0x1400  }
0x1c5: {  	[sflag:s31] =	ssyncset.done $0x0  }
0x1c6: {  	[sflag:s31] =	ssyncadd.s32 $0xFFFFEC00  }
0x1c7: {  	[spmem:s2] =	stream.indirect.scatter.add.f32 [tilespmem:s17], [sflag:$0xD], $0x40, s0, s26, $0xb8;
	[tilespmem:$0x1E990] =	vst v63  }
0x1c8: {  	s5 =	simm.s32 @!p1 $0x50;
	s28 =	simm.s32 @!p1 $0x141E0;
	s23 =	simm.s32 @!p1 $0x1BBC0  }
0x1c9: {  	[spmem:s3] =	stream.indirect.scatter.add.f32 @!p1 [tilespmem:s23], [sflag:$0x13], $0x1, s28, s5, $0xb8;
	[tilespmem:$0x1E990] =	vst v63  }
0x1ca: {  	_ =	swait.ge [sflag:s4], $0xF0  }
0x1cb: {  	p4 =	seq.s32 s7, $0x0;
	[sflag:s4] =	ssyncset.done $0x0  }
0x1cc: {  	s28 =	simm.s32 @!p4 $0x10;
	[sflag:s4] =	ssyncadd.s32 $0xFFFFFF10  }
0x1cd: {  	p3 =	seq.s32 @!p4 s6, $0x0;
	_ =	swait.ge @!p4 [sflag:s28], $0x1400  }
0x1ce: {  	p5 =	por p3, p4;
	[sflag:s28] =	ssyncset.done @!p4 $0x0  }
0x1cf: {  	[sflag:s28] =	ssyncadd.s32 @!p4 $0xFFFFEC00;
	s28 =	simm.s32 @!p5 $0x16  }
0x1d0: {  	_ =	swait.ge @!p5 [sflag:s28], $0x50  }
0x1d1: {  	[sflag:s28] =	ssyncset.done @!p5 $0x0  }
0x1d2: {  	[sflag:s28] =	ssyncadd.s32 @!p5 $0xFFFFFFB0  }
0x1d3: {  	v3 =	vld [tilespmem:$0x13B50]  }
0x1d4: {  	v4 =	vld [tilespmem:$0x13BA0]  }
0x1d5: {  	v5 =	vld [tilespmem:$0x13BF0]  }
0x1d6: {  	v6 =	vld [tilespmem:$0x13B60]  }
0x1d7: {  	v7 =	vld [tilespmem:$0x13BB0]  }
0x1d8: {  	v8 =	vld [tilespmem:$0x13C00];
	v3 =	vadd.s32 v0, v3  }
0x1d9: {  	v9 =	vld [tilespmem:$0x13B70];
	[tilespmem:$0x13F10] =	vst v3;
	v3 =	vshll.u32 v4, $0x6  }
0x1da: {  	v56 =	vld [tilespmem:$0x13BC0];
	[tilespmem:$0x140F0] =	vst v4;
	v3 =	vadd.s32 v5, v3  }
0x1db: {  	v57 =	vld [tilespmem:$0x13C10];
	[tilespmem:$0x142D0] =	vst v3;
	v3 =	vadd.s32 v0, v6  }
0x1dc: {  	v58 =	vld [tilespmem:$0x13B80];
	[tilespmem:$0x13F20] =	vst v3;
	v3 =	vshll.u32 v7, $0x6  }
0x1dd: {  	v59 =	vld [tilespmem:$0x13BD0];
	[tilespmem:$0x14100] =	vst v7;
	v3 =	vadd.s32 v8, v3  }
0x1de: {  	v60 =	vld [tilespmem:$0x13C20];
	[tilespmem:$0x142E0] =	vst v3;
	v3 =	vadd.s32 v0, v9  }
0x1df: {  	v61 =	vld [tilespmem:$0x13B90];
	[tilespmem:$0x13F30] =	vst v3;
	v3 =	vshll.u32 v56, $0x6  }
0x1e0: {  	v62 =	vld [tilespmem:$0x13BE0];
	[tilespmem:$0x14110] =	vst v56;
	v3 =	vadd.s32 v57, v3  }
0x1e1: {  	v63 =	vld [tilespmem:$0x13C30];
	[tilespmem:$0x142F0] =	vst v3;
	v3 =	vadd.s32 v0, v58  }
0x1e2: {  	[tilespmem:$0x13F40] =	vst v3;
	v3 =	vshll.u32 v59, $0x6  }
0x1e3: {  	[tilespmem:$0x14120] =	vst v59;
	v3 =	vadd.s32 v60, v3  }
0x1e4: {  	[tilespmem:$0x14300] =	vst v3;
	v3 =	vadd.s32 v0, v61  }
0x1e5: {  	[tilespmem:$0x13F50] =	vst v3;
	v3 =	vshll.u32 v62, $0x6  }
0x1e6: {  	p3 =	seq.s32 s7, $0x1CD4;
	[tilespmem:$0x14130] =	vst v62;
	v3 =	vadd.s32 v63, v3  }
0x1e7: {  	s28 =	sadd.s32 @!p3 s7, s20;
	[tilespmem:$0x14310] =	vst v3  }
0x1e8: {  	[tilespmem:s9], [sflag:$0xA] =	stream.indirect.gather [hbm4b:s1+s26], $0x40, s8, s26, $0xb8;
	[tilespmem:$0x1E990] =	vst v63  }
0x1e9: {  	s29 =	simm.s32 @!p3 $0x0;
	s14 =	simm.s32 @!p3 $0x13B50;
	s28 =	sadd.s32 @!p3 $0x10E, s28  }
0x1ea: {  	[tilespmem:s14], [sflag:$0x4] =	stream.linear.gather @!p3 [hbm4b:s28+s29], $0xF0, $0x38;
	[tilespmem:$0x1E990] =	vst v63  }
0x1eb: {  	_ =	swait.ge [sflag:s10], $0x1400  }
.Ltmp6:
0x1ec: {  	[sflag:s10] =	ssyncset.done $0x0;
	(pc) =	sbr.rel @p3 .LBB2_8-.Ltmp6, $4  }
0x1ed: {  	[sflag:s10] =	ssyncadd.s32 $0xFFFFEC00  }
0x1ee: {  	[spmem:s2] =	stream.indirect.scatter.add.f32 [tilespmem:s18], [sflag:$0xE], $0x40, s11, s26, $0xb8;
	[tilespmem:$0x1E990] =	vst v63  }
0x1ef: {  	s14 =	simm.s32 @!p2 $0x50;
	s28 =	simm.s32 @!p2 $0x14230;
	s29 =	simm.s32 @!p2 $0x1BBC0  }
0x1f0: {  	[spmem:s3] =	stream.indirect.scatter.add.f32 @!p2 [tilespmem:s29], [sflag:$0x14], $0x1, s28, s14, $0xb8;
	[tilespmem:$0x1E990] =	vst v63  }
0x1f1: {  	_ =	swait.ge [sflag:s13], $0xF0  }
0x1f2: {  	[sflag:s13] =	ssyncset.done $0x0  }
0x1f3: {  	s14 =	simm.s32 @!p4 $0x11;
	[sflag:s13] =	ssyncadd.s32 $0xFFFFFF10  }
0x1f4: {  	p6 =	sne.s32 @!p4 s6, $0x0;
	_ =	swait.ge @!p4 [sflag:s14], $0x1400  }
0x1f5: {  	p6 =	por p6, p4;
	[sflag:s14] =	ssyncset.done @!p4 $0x0  }
0x1f6: {  	[sflag:s14] =	ssyncadd.s32 @!p4 $0xFFFFEC00;
	s14 =	simm.s32 @!p6 $0x17  }
0x1f7: {  	_ =	swait.ge @!p6 [sflag:s14], $0x50  }
0x1f8: {  	[sflag:s14] =	ssyncset.done @!p6 $0x0  }
0x1f9: {  	[sflag:s14] =	ssyncadd.s32 @!p6 $0xFFFFFFB0  }
0x1fa: {  	v3 =	vld [tilespmem:$0x13C40]  }
0x1fb: {  	v4 =	vld [tilespmem:$0x13C90]  }
0x1fc: {  	v5 =	vld [tilespmem:$0x13CE0]  }
0x1fd: {  	v6 =	vld [tilespmem:$0x13C50]  }
0x1fe: {  	v7 =	vld [tilespmem:$0x13CA0]  }
0x1ff: {  	v8 =	vld [tilespmem:$0x13CF0];
	v3 =	vadd.s32 v0, v3  }
0x200: {  	v9 =	vld [tilespmem:$0x13C60];
	[tilespmem:$0x13F60] =	vst v3;
	v3 =	vshll.u32 v4, $0x6  }
0x201: {  	v56 =	vld [tilespmem:$0x13CB0];
	[tilespmem:$0x14140] =	vst v4;
	v3 =	vadd.s32 v5, v3  }
0x202: {  	v57 =	vld [tilespmem:$0x13D00];
	[tilespmem:$0x14320] =	vst v3;
	v3 =	vadd.s32 v0, v6  }
0x203: {  	v58 =	vld [tilespmem:$0x13C70];
	[tilespmem:$0x13F70] =	vst v3;
	v3 =	vshll.u32 v7, $0x6  }
0x204: {  	v59 =	vld [tilespmem:$0x13CC0];
	[tilespmem:$0x14150] =	vst v7;
	v3 =	vadd.s32 v8, v3  }
0x205: {  	v60 =	vld [tilespmem:$0x13D10];
	[tilespmem:$0x14330] =	vst v3;
	v3 =	vadd.s32 v0, v9  }
0x206: {  	v61 =	vld [tilespmem:$0x13C80];
	[tilespmem:$0x13F80] =	vst v3;
	v3 =	vshll.u32 v56, $0x6  }
0x207: {  	v62 =	vld [tilespmem:$0x13CD0];
	[tilespmem:$0x14160] =	vst v56;
	v3 =	vadd.s32 v57, v3  }
0x208: {  	v63 =	vld [tilespmem:$0x13D20];
	[tilespmem:$0x14340] =	vst v3;
	v3 =	vadd.s32 v0, v58  }
0x209: {  	[tilespmem:$0x13F90] =	vst v3;
	v3 =	vshll.u32 v59, $0x6  }
0x20a: {  	[tilespmem:$0x14170] =	vst v59;
	v3 =	vadd.s32 v60, v3  }
0x20b: {  	[tilespmem:$0x14350] =	vst v3;
	v3 =	vadd.s32 v0, v61  }
0x20c: {  	[tilespmem:$0x13FA0] =	vst v3;
	v3 =	vshll.u32 v62, $0x6  }
0x20d: {  	p6 =	sgt.u32 s24, $0x27;
	[tilespmem:$0x14180] =	vst v62;
	v3 =	vadd.s32 v63, v3  }
0x20e: {  	s29 =	simm.s32 $0x13F60;
	s19 =	simm.s32 $0x193C0;
	s14 =	sadd.s32 @!p6 s7, s20;
	[tilespmem:$0x14360] =	vst v3  }
0x20f: {  	[tilespmem:s19], [sflag:$0xB] =	stream.indirect.gather [hbm4b:s1+s26], $0x40, s29, s26, $0xb8;
	[tilespmem:$0x1E990] =	vst v63  }
0x210: {  	s28 =	simm.s32 @!p6 $0x0;
	s14 =	sadd.s32 @!p6 $0x12C, s14;
	s29 =	simm.s32 @!p6 $0x13C40  }
0x211: {  	[tilespmem:s29], [sflag:$0x5] =	stream.linear.gather @!p6 [hbm4b:s14+s28], $0xF0, $0x38;
	[tilespmem:$0x1E990] =	vst v63  }
.LBB2_8:
0x212: {  	_ =	swait.ge [sflag:s12], $0x1400  }
.Ltmp7:
0x213: {  	[sflag:s12] =	ssyncset.done $0x0;
	(pc) =	sbr.rel @p3 .LBB2_10-.Ltmp7, $4  }
0x214: {  	[sflag:s12] =	ssyncadd.s32 $0xFFFFEC00  }
0x215: {  	[spmem:s2] =	stream.indirect.scatter.add.f32 [tilespmem:s21], [sflag:$0xF], $0x40, s15, s26, $0xb8;
	[tilespmem:$0x1E990] =	vst v63  }
0x216: {  	s14 =	simm.s32 @!p1 $0x14280  }
0x217: {  	[spmem:s3] =	stream.indirect.scatter.add.f32 @!p1 [tilespmem:s23], [sflag:$0x15], $0x1, s14, s5, $0xb8;
	[tilespmem:$0x1E990] =	vst v63  }
0x218: {  	_ =	swait.ge [sflag:s25], $0xF0  }
0x219: {  	[sflag:s25] =	ssyncset.done $0x0  }
0x21a: {  	s5 =	simm.s32 @!p4 $0x12;
	[sflag:s25] =	ssyncadd.s32 $0xFFFFFF10  }
0x21b: {  	_ =	swait.ge @!p4 [sflag:s5], $0x1400  }
0x21c: {  	[sflag:s5] =	ssyncset.done @!p4 $0x0  }
0x21d: {  	[sflag:s5] =	ssyncadd.s32 @!p4 $0xFFFFEC00;
	s5 =	simm.s32 @!p5 $0x18  }
0x21e: {  	_ =	swait.ge @!p5 [sflag:s5], $0x50  }
0x21f: {  	[sflag:s5] =	ssyncset.done @!p5 $0x0  }
0x220: {  	[sflag:s5] =	ssyncadd.s32 @!p5 $0xFFFFFFB0  }
0x221: {  	v3 =	vld [tilespmem:$0x13D30]  }
0x222: {  	v4 =	vld [tilespmem:$0x13D80]  }
0x223: {  	v5 =	vld [tilespmem:$0x13DD0]  }
0x224: {  	v6 =	vld [tilespmem:$0x13D40]  }
0x225: {  	v7 =	vld [tilespmem:$0x13D90]  }
0x226: {  	v8 =	vld [tilespmem:$0x13DE0];
	v3 =	vadd.s32 v0, v3  }
0x227: {  	v9 =	vld [tilespmem:$0x13D50];
	[tilespmem:$0x13FB0] =	vst v3;
	v3 =	vshll.u32 v4, $0x6  }
0x228: {  	v56 =	vld [tilespmem:$0x13DA0];
	[tilespmem:$0x14190] =	vst v4;
	v3 =	vadd.s32 v5, v3  }
0x229: {  	v57 =	vld [tilespmem:$0x13DF0];
	[tilespmem:$0x14370] =	vst v3;
	v3 =	vadd.s32 v0, v6  }
0x22a: {  	v58 =	vld [tilespmem:$0x13D60];
	[tilespmem:$0x13FC0] =	vst v3;
	v3 =	vshll.u32 v7, $0x6  }
0x22b: {  	v59 =	vld [tilespmem:$0x13DB0];
	[tilespmem:$0x141A0] =	vst v7;
	v3 =	vadd.s32 v8, v3  }
0x22c: {  	v60 =	vld [tilespmem:$0x13E00];
	[tilespmem:$0x14380] =	vst v3;
	v3 =	vadd.s32 v0, v9  }
0x22d: {  	v61 =	vld [tilespmem:$0x13D70];
	[tilespmem:$0x13FD0] =	vst v3;
	v3 =	vshll.u32 v56, $0x6  }
0x22e: {  	v62 =	vld [tilespmem:$0x13DC0];
	[tilespmem:$0x141B0] =	vst v56;
	v3 =	vadd.s32 v57, v3  }
0x22f: {  	v63 =	vld [tilespmem:$0x13E10];
	[tilespmem:$0x14390] =	vst v3;
	v3 =	vadd.s32 v0, v58  }
0x230: {  	[tilespmem:$0x13FE0] =	vst v3;
	v3 =	vshll.u32 v59, $0x6  }
0x231: {  	[tilespmem:$0x141C0] =	vst v59;
	v3 =	vadd.s32 v60, v3  }
0x232: {  	[tilespmem:$0x143A0] =	vst v3;
	v3 =	vadd.s32 v0, v61  }
0x233: {  	[tilespmem:$0x13FF0] =	vst v3;
	v3 =	vshll.u32 v62, $0x6  }
.Ltmp8:
0x234: {  	p4 =	sgt.u32 s24, $0x27;
	[tilespmem:$0x141D0] =	vst v62;
	v3 =	vadd.s32 v63, v3;
	(pc) =	sbr.rel .LBB2_10-.Ltmp8, $4  }
0x235: {  	s29 =	simm.s32 $0x13FB0;
	s14 =	simm.s32 $0x1A7C0;
	s5 =	sadd.s32 @!p4 s7, s20;
	[tilespmem:$0x143B0] =	vst v3  }
0x236: {  	[tilespmem:s14], [sflag:$0xC] =	stream.indirect.gather [hbm4b:s1+s26], $0x40, s29, s26, $0xb8;
	[tilespmem:$0x1E990] =	vst v63  }
0x237: {  	s23 =	simm.s32 @!p4 $0x13D30;
	s5 =	sadd.s32 @!p4 $0x14A, s5;
	s14 =	simm.s32 @!p4 $0x0  }
0x238: {  	[tilespmem:s23], [sflag:$0x6] =	stream.linear.gather @!p4 [hbm4b:s5+s14], $0xF0, $0x38;
	[tilespmem:$0x1E990] =	vst v63  }
.LBB2_12:
0x239: {  	_ =	sfence.sel $0x180000  }
0x23a: {  	[bflag:$0x0] =	sbarrier.arrive $0xFFFF  }
0x23b: {  	_ =	strace $0x90000047  }
0x23c: {  	s0 =	stileid.u32;
	[bflag:$0x2] =	sbarrier.arrive $0xFFFF  }
0x23d: {  	p0 =	sne.s32 s0, $0x0;
	s0 =	rddreg [dreg:$0x4]  }
0x23e: {  	s0 =	sadd.s32 @!p0 $0x100000, s0  }
0x23f: {  	[sflag:s0] =	ssyncadd.tile.s32 @!p0 $0x1;
	_ =	shalt  }
.Lfunc_end2:
_tile_overlayer_lowered:
.L_overlay_start_2:
0x240: {  	(tag) =	ssettag $0x2  }
0x241: {  	s0 =	rddreg [dreg:$0x0];
	s2 =	stileid.u32  }
0x242: {  	s1 =	rddreg [dreg:$0x1];
	p0 =	sne.s32 s2, $0x0  }
0x243: {  	s3 =	rddreg [dreg:$0x2];
	[bflag:$0x3] =	sbarrier.arrive $0xFFFF;
	s2 =	simm.s32 @!p0 $0x1C1A  }
0x244: {  	[timem:s3], [sflag:s2] =	dma.local @!p0 [hbm:s0], s1  }
0x245: {  	s0 =	simm.s32 @!p0 $0x1A  }
0x246: {  	_ =	swait.ge @!p0 [sflag:s0], s1  }
0x247: {  	s1 =	ssub.s32 @!p0 $0x0, s1;
	[sflag:s0] =	ssyncset.done @!p0 $0x0  }
0x248: {  	[sflag:s0] =	ssyncadd.s32 @!p0 s1  }
0x249: {  	[bflag:$0x3] =	sbarrier.arrive $0xFFFF  }
0x24a: {  	_ =	shalt  }

</sc_bundles>
